<compile_context>
chip_gen: v7x
topology: tpu7x:2x2x1
jax: 0.10.2.dev20260603
libtpu: 0.0.44.dev20260713+nightly
codegen_flags: <defaults>
</compile_context>

<pallas_src>
import functools

import jax
import jax.numpy as jnp
from jax import lax
from jax.experimental import pallas as pl
from jax.experimental.pallas import tpu as pltpu
from jax.experimental.pallas import tpu_sc as plsc

_B = 16
_C = 84
_N = 20000
_K = 100
_BLK = 2048
_NCHUNK = _N // 16
_IMIN = -2147483648
_ROW = 8
_CAP = 512
_NS = _CAP // 16


def _stage1_body(x_ref, key_ref, cat_ref):
    v = x_ref[...]
    ch = lax.broadcasted_iota(jnp.int32, v.shape, 1)
    sv = jnp.where(ch >= 4, v, -jnp.inf)
    m = jnp.max(sv, axis=1)
    cand = jnp.where(sv == m[:, None, :], ch - 4, _C)
    cat = jnp.min(cand, axis=1)
    mb = lax.bitcast_convert_type(m, jnp.int32)
    key_ref[...] = jnp.where(mb < 0, mb ^ 0x7FFFFFFF, mb)
    cat_ref[...] = cat


def _stage1(x):
    grid = (pl.cdiv(_N, _BLK),)
    return pl.pallas_call(
        _stage1_body,
        grid=grid,
        in_specs=[pl.BlockSpec((_B, _C, _BLK), lambda i: (0, 0, i))],
        out_specs=[
            pl.BlockSpec((_B, _BLK), lambda i: (0, i)),
            pl.BlockSpec((_B, _BLK), lambda i: (0, i)),
        ],
        out_shape=[
            jax.ShapeDtypeStruct((_B, _N), jnp.int32),
            jax.ShapeDtypeStruct((_B, _N), jnp.int32),
        ],
    )(x)


def _make_stage2():
    mesh = plsc.VectorSubcoreMesh(core_axis_name="c", subcore_axis_name="s",
                                  num_cores=2, num_subcores=16)

    @functools.partial(
        pl.kernel,
        out_type=jax.ShapeDtypeStruct((_B * _K * _ROW,), jnp.float32),
        mesh=mesh,
        scratch_types=[
            pltpu.VMEM((_N,), jnp.int32),
            pltpu.VMEM((_N,), jnp.int32),
            pltpu.VMEM((4, _N), jnp.float32),
            pltpu.VMEM((4096,), jnp.int32),
            pltpu.VMEM((128,), jnp.int32),
            pltpu.VMEM((128,), jnp.int32),
            pltpu.VMEM((128,), jnp.int32),
            pltpu.VMEM((_CAP + 16,), jnp.int32),
            pltpu.VMEM((_CAP + 16,), jnp.int32),
            pltpu.VMEM((224,), jnp.int32),
            pltpu.VMEM((112,), jnp.int32),
            pltpu.VMEM((112,), jnp.int32),
            pltpu.VMEM((_K * _ROW + 96,), jnp.float32),
            pltpu.VMEM((16,), jnp.float32),
            pltpu.SemaphoreType.DMA,
            pltpu.SemaphoreType.DMA,
        ],
        compiler_params=pltpu.CompilerParams(needs_layout_passes=False),
    )
    def stage2(key_hbm, cat_hbm, x_hbm, cm_hbm, out_hbm,
               keys_v, cat_v, boxes_v, hist_v, gt_v, eq_v, hi_v, mk_v, mi_v,
               cand_v, ckey_v, rpos_v, outv, cm_v, sem1, sem2):
        cid = lax.axis_index("c")
        sid = lax.axis_index("s")
        b = cid * 8 + sid

        @pl.when(sid < 8)
        def _body():
            lane = lax.broadcasted_iota(jnp.int32, (16,), 0)
            zeros = jnp.zeros((16,), jnp.int32)
            ones = jnp.ones((16,), jnp.int32)

            cat_dma = pltpu.async_copy(cat_hbm.at[b], cat_v, sem1)
            box_dma = pltpu.async_copy(x_hbm.at[b, pl.ds(0, 4), :],
                                       boxes_v, sem2)
            pltpu.sync_copy(key_hbm.at[b], keys_v)
            pltpu.sync_copy(cm_hbm, cm_v)

            def _zero_hist():
                @pl.loop(0, 256, unroll=8)
                def _z(j):
                    hist_v[pl.ds(j * 16, 16)] = zeros

            def _scan256(need_val):
                def _cond(carry):
                    j, above, bsel, found = carry
                    return jnp.logical_and(jnp.logical_not(found), j < 256)

                def _s(carry):
                    j, above, bsel, found = carry
                    cnt = jnp.sum(hist_v[pl.ds((255 - j) * 16, 16)])
                    hit = above + cnt >= need_val
                    bsel = jnp.where(hit, 255 - j, bsel)
                    above = jnp.where(hit, above, above + cnt)
                    return j + 1, above, bsel, hit

                _, above, bsel, _ = lax.while_loop(
                    _cond, _s,
                    (jnp.int32(0), jnp.int32(0), jnp.int32(0),
                     jnp.bool_(False)))
                return above, bsel, None

            _zero_hist()

            @pl.loop(0, _NCHUNK, unroll=5)
            def _h0(i):
                k = keys_v[pl.ds(i * 16, 16)]
                plsc.addupdate_scatter(
                    hist_v, [((k >> 24) + 128) * 16 + lane], ones)

            above0, b0, _ = _scan256(jnp.int32(_K))
            need1 = jnp.int32(_K) - above0

            _zero_hist()

            @pl.loop(0, _NCHUNK, unroll=5)
            def _h1(i):
                k = keys_v[pl.ds(i * 16, 16)]
                mask = ((k >> 24) + 128) == b0
                plsc.addupdate_scatter(
                    hist_v, [((k >> 16) & 0xFF) * 16 + lane], ones, mask=mask)

            above1, b1, _ = _scan256(need1)
            need2 = need1 - above1
            c16 = ((b0 - 128) << 8) | b1

            @pl.loop(0, 8)
            def _zb(j):
                gt_v[pl.ds(j * 16, 16)] = zeros
                eq_v[pl.ds(j * 16, 16)] = zeros
                hi_v[pl.ds(j * 16, 16)] = zeros

            @pl.loop(0, 14)
            def _zc(j):
                cand_v[pl.ds(j * 16, 16)] = zeros

            @pl.loop(0, 7)
            def _zr(j):
                rpos_v[pl.ds(j * 16, 16)] = zeros

            def _comp0(i, carry):
                phi, pmt, pms = carry
                k = keys_v[pl.ds(i * 16, 16)]
                idxv = lane + i * 16
                t16 = k >> 16
                mhi = t16 > c16
                plsc.store_compressed(hi_v.at[pl.ds(phi, 16)], idxv, mask=mhi)
                meq = t16 == c16
                plsc.store_compressed(mk_v.at[pl.ds(pms, 16)], k, mask=meq)
                plsc.store_compressed(mi_v.at[pl.ds(pms, 16)], idxv, mask=meq)
                cnt = jnp.sum(meq.astype(jnp.int32))
                return (phi + jnp.sum(mhi.astype(jnp.int32)),
                        pmt + cnt,
                        jnp.minimum(pms + cnt, jnp.int32(_CAP)))

            phi, pmt, pms = lax.fori_loop(
                0, _NCHUNK, _comp0,
                (jnp.int32(0), jnp.int32(0), jnp.int32(0)))

            small = pmt <= _CAP

            @pl.when(small)
            def _small_path():
                _zero_hist()

                @pl.loop(0, _NS)
                def _h2(i):
                    k = mk_v[pl.ds(i * 16, 16)]
                    mask = (lane + i * 16) < pms
                    plsc.addupdate_scatter(
                        hist_v, [((k >> 8) & 0xFF) * 16 + lane], ones,
                        mask=mask)

                above2, b2, _ = _scan256(need2)
                need3 = need2 - above2

                _zero_hist()

                @pl.loop(0, _NS)
                def _h3(i):
                    k = mk_v[pl.ds(i * 16, 16)]
                    mask = (((lane + i * 16) < pms)
                            & (((k >> 8) & 0xFF) == b2))
                    plsc.addupdate_scatter(
                        hist_v, [(k & 0xFF) * 16 + lane], ones, mask=mask)

                above3, b3, _ = _scan256(need3)
                need4 = need3 - above3
                thr = (c16 << 16) | (b2 << 8) | b3
                count_gt = jnp.int32(_K) - need4

                def _compf(i, carry):
                    pgt, peq = carry
                    k = mk_v[pl.ds(i * 16, 16)]
                    iv = mi_v[pl.ds(i * 16, 16)]
                    valid = (lane + i * 16) < pms
                    mgt = valid & (k > thr)
                    plsc.store_compressed(
                        gt_v.at[pl.ds(pgt, 16)], iv, mask=mgt)
                    meq2 = valid & (k == thr)
                    rank = plsc.cumsum(jnp.where(meq2, 1, 0))
                    mtk2 = meq2 & ((peq + rank) <= need4)
                    plsc.store_compressed(
                        eq_v.at[pl.ds(peq, 16)], iv, mask=mtk2)
                    return (pgt + jnp.sum(mgt.astype(jnp.int32)),
                            peq + jnp.sum(mtk2.astype(jnp.int32)))

                lax.fori_loop(0, _NS, _compf, (jnp.int32(0), jnp.int32(0)))

                @pl.loop(0, 7)
                def _c1(j):
                    cand_v[pl.ds(j * 16, 16)] = hi_v[pl.ds(j * 16, 16)]

                @pl.loop(0, 7)
                def _c2(j):
                    cand_v[pl.ds(phi + j * 16, 16)] = gt_v[pl.ds(j * 16, 16)]

                @pl.loop(0, 7)
                def _c3(j):
                    cand_v[pl.ds(count_gt + j * 16, 16)] = (
                        eq_v[pl.ds(j * 16, 16)])

            @pl.when(jnp.logical_not(small))
            def _full_path():
                _zero_hist()

                @pl.loop(0, _NCHUNK)
                def _h2f(i):
                    k = keys_v[pl.ds(i * 16, 16)]
                    mask = (k >> 16) == c16
                    plsc.addupdate_scatter(
                        hist_v, [((k >> 8) & 0xFF) * 16 + lane], ones,
                        mask=mask)

                above2, b2, _ = _scan256(need2)
                need3 = need2 - above2

                _zero_hist()

                @pl.loop(0, _NCHUNK)
                def _h3f(i):
                    k = keys_v[pl.ds(i * 16, 16)]
                    mask = (((k >> 16) == c16)
                            & (((k >> 8) & 0xFF) == b2))
                    plsc.addupdate_scatter(
                        hist_v, [(k & 0xFF) * 16 + lane], ones, mask=mask)

                above3, b3, _ = _scan256(need3)
                need4 = need3 - above3
                thr = (c16 << 16) | (b2 << 8) | b3
                count_gt = jnp.int32(_K) - need4

                def _compff(i, carry):
                    pgt, peq = carry
                    k = keys_v[pl.ds(i * 16, 16)]
                    idxv = lane + i * 16
                    mgt = k > thr
                    plsc.store_compressed(
                        gt_v.at[pl.ds(pgt, 16)], idxv, mask=mgt)
                    meq2 = k == thr
                    rank = plsc.cumsum(jnp.where(meq2, 1, 0))
                    mtk2 = meq2 & ((peq + rank) <= need4)
                    plsc.store_compressed(
                        eq_v.at[pl.ds(peq, 16)], idxv, mask=mtk2)
                    return (pgt + jnp.sum(mgt.astype(jnp.int32)),
                            peq + jnp.sum(mtk2.astype(jnp.int32)))

                lax.fori_loop(0, _NCHUNK, _compff,
                              (jnp.int32(0), jnp.int32(0)))

                @pl.loop(0, 7)
                def _c1f(j):
                    cand_v[pl.ds(j * 16, 16)] = gt_v[pl.ds(j * 16, 16)]

                @pl.loop(0, 7)
                def _c2f(j):
                    cand_v[pl.ds(count_gt + j * 16, 16)] = (
                        eq_v[pl.ds(j * 16, 16)])

            @pl.loop(0, 7)
            def _ckeys(j):
                ci = cand_v[pl.ds(j * 16, 16)]
                kk = plsc.load_gather(keys_v, [ci])
                pos = lane + j * 16
                ckey_v[pl.ds(j * 16, 16)] = jnp.where(pos < _K, kk, _IMIN)

            mask0 = lane == 0

            def _rank(r, carry):
                mrun = ckey_v[pl.ds(0, 16)]
                for j in range(1, 7):
                    mrun = jnp.maximum(mrun, ckey_v[pl.ds(j * 16, 16)])
                mx = jnp.max(mrun)
                pos = jnp.int32(10000)
                for j in range(7):
                    f = plsc.all_reduce_ffs(
                        ckey_v[pl.ds(j * 16, 16)] == mx)[0]
                    pos = jnp.where(f < 16, jnp.minimum(pos, j * 16 + f), pos)
                plsc.store_scatter(rpos_v, [jnp.broadcast_to(r, (16,))],
                                   jnp.broadcast_to(pos, (16,)), mask=mask0)
                plsc.store_scatter(ckey_v, [jnp.broadcast_to(pos, (16,))],
                                   jnp.full((16,), _IMIN, jnp.int32),
                                   mask=mask0)
                return carry

            lax.fori_loop(0, _K, _rank, jnp.int32(0))

            cat_dma.wait()
            box_dma.wait()
            cmvec = cm_v[pl.ds(0, 16)]
            cm = [cmvec[i] for i in range(16)]
            bf = lax.convert_element_type(b, jnp.float32)
            bfv = jnp.broadcast_to(bf, (16,))

            @pl.loop(0, 7)
            def _emit(j):
                pos = rpos_v[pl.ds(j * 16, 16)]
                oi = plsc.load_gather(cand_v, [pos])
                kk = plsc.load_gather(keys_v, [oi])
                sc = plsc.bitcast(
                    jnp.where(kk < 0, kk ^ 0x7FFFFFFF, kk), jnp.float32)
                ct = plsc.load_gather(cat_v, [oi]).astype(jnp.float32)
                cx = plsc.load_gather(boxes_v, [zeros, oi])
                cy = plsc.load_gather(boxes_v, [zeros + 1, oi])
                ww = plsc.load_gather(boxes_v, [zeros + 2, oi])
                hh = plsc.load_gather(boxes_v, [zeros + 3, oi])
                o0 = cx * cm[0] + cy * cm[4] + ww * cm[8] + hh * cm[12]
                o1 = cx * cm[1] + cy * cm[5] + ww * cm[9] + hh * cm[13]
                o2 = cx * cm[2] + cy * cm[6] + ww * cm[10] + hh * cm[14]
                o3 = cx * cm[3] + cy * cm[7] + ww * cm[11] + hh * cm[15]
                base = lane * _ROW + j * 16 * _ROW
                plsc.store_scatter(outv, [base + 0], bfv)
                plsc.store_scatter(outv, [base + 1], o0)
                plsc.store_scatter(outv, [base + 2], o1)
                plsc.store_scatter(outv, [base + 3], o2)
                plsc.store_scatter(outv, [base + 4], o3)
                plsc.store_scatter(outv, [base + 5], ct)
                plsc.store_scatter(outv, [base + 6], sc)

            pltpu.sync_copy(outv.at[pl.ds(0, _K * _ROW)],
                            out_hbm.at[pl.ds(b * _K * _ROW, _K * _ROW)])

    return stage2


_stage2_kernel = _make_stage2()


def kernel(x, convert_matrix):
    keys, cat = _stage1(x)
    out = _stage2_kernel(keys, cat, x, convert_matrix.reshape(16))
    return out.reshape(_B * _K, _ROW)[:, :7]

# --- scband reference (transcript-rebuilt; emitter-appended) ---
"""Pipeline reference for scband-end2-end-2662879724146 (READ-ONLY COPY).

The authoritative reference and input builder live on the scoring server;
editing this copy changes nothing except your own understanding.
"""

import jax, jax.numpy as jnp
import numpy as np

MAX_OBJ = 100
MAX_WH = 640.0


def setup_inputs(seed: int = 0) -> dict:
    key = jax.random.key(seed)
    x = jax.random.normal(key, (16, 84, 20000), dtype=jnp.float32)
    convert_matrix = jnp.array(
        [[1.0, 0.0, 1.0, 0.0],
         [0.0, 1.0, 0.0, 1.0],
         [-0.5, 0.0, 0.5, 0.0],
         [0.0, -0.5, 0.0, 0.5]], dtype=jnp.float32)
    return {"x": x, "convert_matrix": convert_matrix}


def reference(x, convert_matrix):
    # x: [B, 4+nc, N] raw detection head output (identity backbone)
    x = jnp.transpose(x, (0, 2, 1))  # [B, N, 4+nc]
    bboxes = x[..., 0:4][:, :, None, :]  # [B, N, 1, 4] (xywh)
    bboxes = bboxes @ convert_matrix      # xywh -> xyxy, [B, N, 1, 4]
    scores = x[..., 4:]                   # [B, N, nc]
    max_score = jnp.max(scores, axis=2, keepdims=True)      # [B, N, 1]
    category_id = jnp.argmax(scores, axis=2, keepdims=True)  # [B, N, 1]
    dis = category_id.astype(jnp.float32) * MAX_WH
    nmsbox = bboxes + dis[..., None]      # class-offset boxes for NMS, [B, N, 1, 4]
    # Deterministic stand-in for the (random placeholder) ONNX NMS op:
    # select top MAX_OBJ boxes per image by confidence.
    s = max_score[..., 0]                 # [B, N]
    topv, topi = jax.lax.top_k(s, MAX_OBJ)  # [B, MAX_OBJ]
    B = s.shape[0]
    X = jnp.repeat(jnp.arange(B), MAX_OBJ)  # batch index per selected det
    Y = topi.reshape(-1)                    # box index per selected det
    selected_boxes = bboxes[X, Y, 0, :]                      # [B*MAX_OBJ, 4]
    selected_categories = category_id[X, Y, 0].astype(jnp.float32)[:, None]
    selected_scores = max_score[X, Y, 0][:, None]
    Xf = X[:, None].astype(jnp.float32)
    out = jnp.concatenate([Xf, selected_boxes, selected_categories, selected_scores], axis=1)
    return out  # [B*MAX_OBJ, 7]

if __name__ == "__main__":
    import jax
    _d = setup_inputs()
    print(jax.jit(kernel)(*tuple(_d.values())))

</pallas_src>

<mosaic_0001>
#map = affine_map<(d0, d1) -> (0, 0)>
#map1 = affine_map<(d0, d1) -> (0, 0, 0)>
#map2 = affine_map<(d0, d1) -> (0)>
module attributes {stable_mosaic.version = 14 : i64} {
  func.func @stage2(%arg0: i32, %arg1: i32, %arg2: memref<16x20000xi32, #tpu.memory_space<hbm>>, %arg3: memref<16x20000xi32, #tpu.memory_space<hbm>>, %arg4: memref<16x84x20000xf32, #tpu.memory_space<hbm>>, %arg5: memref<16xf32, #tpu.memory_space<hbm>>, %arg6: memref<12800xf32, #tpu.memory_space<hbm>>, %arg7: memref<20000xi32, #tpu.memory_space<vmem>>, %arg8: memref<20000xi32, #tpu.memory_space<vmem>>, %arg9: memref<4x20000xf32, #tpu.memory_space<vmem>>, %arg10: memref<4096xi32, #tpu.memory_space<vmem>>, %arg11: memref<128xi32, #tpu.memory_space<vmem>>, %arg12: memref<128xi32, #tpu.memory_space<vmem>>, %arg13: memref<128xi32, #tpu.memory_space<vmem>>, %arg14: memref<528xi32, #tpu.memory_space<vmem>>, %arg15: memref<528xi32, #tpu.memory_space<vmem>>, %arg16: memref<224xi32, #tpu.memory_space<vmem>>, %arg17: memref<112xi32, #tpu.memory_space<vmem>>, %arg18: memref<112xi32, #tpu.memory_space<vmem>>, %arg19: memref<896xf32, #tpu.memory_space<vmem>>, %arg20: memref<16xf32, #tpu.memory_space<vmem>>, %arg21: memref<!tpu.dma_semaphore, #tpu.memory_space<semaphore_mem>>, %arg22: memref<!tpu.dma_semaphore, #tpu.memory_space<semaphore_mem>>) attributes {dimension_semantics = [#tpu.dimension_semantics<core_parallel>, #tpu.dimension_semantics<subcore_parallel>], iteration_bounds = array<i64: 2, 16>, scalar_prefetch = 0 : i64, scratch_operands = 16 : i64, tpu.core_type = #tpu.core_type<sc_vector_subcore>, window_params = [{transform_indices = #map}, {transform_indices = #map}, {transform_indices = #map1}, {transform_indices = #map2}, {transform_indices = #map2}]} {
    %mul3A = arith.constant 8 : i32
    %mul3A_0 = arith.muli %arg0, %mul3A : i32
    %add3A = arith.addi %mul3A_0, %arg1 : i32
    %lt3A = arith.constant 8 : i32
    %lt3A_1 = arith.cmpi slt, %arg1, %lt3A : i32
    %convert_element_type3A = arith.extui %lt3A_1 : i1 to i32
    %cond3A = arith.constant 0 : i32
    %cond3A_2 = arith.cmpi ne, %convert_element_type3A, %cond3A : i32
    scf.if %cond3A_2 {
      %iota3A = tpu.iota {dimensions = array<i32: 0>} : vector<16xi32>
      %broadcast_in_dim3A = arith.constant 0 : i32
      %broadcast_in_dim3A_3 = vector.broadcast %broadcast_in_dim3A : i32 to vector<16xi32>
      %broadcast_in_dim3A_4 = arith.constant 1 : i32
      %broadcast_in_dim3A_5 = vector.broadcast %broadcast_in_dim3A_4 : i32 to vector<16xi32>
      %dma_start3A = arith.constant 0 : i32
      %dma_start3A_6 = tpu.memref_slice %arg3[%add3A, %dma_start3A] : memref<16x20000xi32, #tpu.memory_space<hbm>> -> memref<1x20000xi32, #tpu.memory_space<hbm>>
      %dma_start3A_7 = tpu.memref_squeeze %dma_start3A_6 : memref<1x20000xi32, #tpu.memory_space<hbm>> -> memref<20000xi32, #tpu.memory_space<hbm>>
      %dma_start3A_8 = arith.constant 0 : i32
      %dma_start3A_9 = tpu.memref_slice %arg3[%add3A, %dma_start3A_8] : memref<16x20000xi32, #tpu.memory_space<hbm>> -> memref<1x20000xi32, #tpu.memory_space<hbm>>
      %dma_start3A_10 = tpu.memref_squeeze %dma_start3A_9 : memref<1x20000xi32, #tpu.memory_space<hbm>> -> memref<20000xi32, #tpu.memory_space<hbm>>
      tpu.enqueue_dma source(%dma_start3A_10 : memref<20000xi32, #tpu.memory_space<hbm>>) target(%arg8 : memref<20000xi32, #tpu.memory_space<vmem>>) target_semaphore(%arg21 : memref<!tpu.dma_semaphore, #tpu.memory_space<semaphore_mem>>)
      %dma_start3A_11 = arith.constant 0 : i32
      %dma_start3A_12 = arith.constant 0 : i32
      %dma_start3A_13 = tpu.memref_slice %arg4[%add3A, %dma_start3A_11, %dma_start3A_12] : memref<16x84x20000xf32, #tpu.memory_space<hbm>> -> memref<1x4x20000xf32, #tpu.memory_space<hbm>>
      %dma_start3A_14 = tpu.memref_squeeze %dma_start3A_13 : memref<1x4x20000xf32, #tpu.memory_space<hbm>> -> memref<4x20000xf32, #tpu.memory_space<hbm>>
      %dma_start3A_15 = arith.constant 0 : i32
      %dma_start3A_16 = arith.constant 0 : i32
      %dma_start3A_17 = tpu.memref_slice %arg4[%add3A, %dma_start3A_15, %dma_start3A_16] : memref<16x84x20000xf32, #tpu.memory_space<hbm>> -> memref<1x4x20000xf32, #tpu.memory_space<hbm>>
      %dma_start3A_18 = tpu.memref_squeeze %dma_start3A_17 : memref<1x4x20000xf32, #tpu.memory_space<hbm>> -> memref<4x20000xf32, #tpu.memory_space<hbm>>
      tpu.enqueue_dma source(%dma_start3A_18 : memref<4x20000xf32, #tpu.memory_space<hbm>>) target(%arg9 : memref<4x20000xf32, #tpu.memory_space<vmem>>) target_semaphore(%arg22 : memref<!tpu.dma_semaphore, #tpu.memory_space<semaphore_mem>>)
      "tpu.region"() ({
        %run_scoped3A = tpu.sem_alloc : memref<!tpu.dma_semaphore, #tpu.memory_space<semaphore_mem>>
        %dma_start3A_153 = arith.constant 0 : i32
        %dma_start3A_154 = tpu.memref_slice %arg2[%add3A, %dma_start3A_153] : memref<16x20000xi32, #tpu.memory_space<hbm>> -> memref<1x20000xi32, #tpu.memory_space<hbm>>
        %dma_start3A_155 = tpu.memref_squeeze %dma_start3A_154 : memref<1x20000xi32, #tpu.memory_space<hbm>> -> memref<20000xi32, #tpu.memory_space<hbm>>
        %dma_start3A_156 = arith.constant 0 : i32
        %dma_start3A_157 = tpu.memref_slice %arg2[%add3A, %dma_start3A_156] : memref<16x20000xi32, #tpu.memory_space<hbm>> -> memref<1x20000xi32, #tpu.memory_space<hbm>>
        %dma_start3A_158 = tpu.memref_squeeze %dma_start3A_157 : memref<1x20000xi32, #tpu.memory_space<hbm>> -> memref<20000xi32, #tpu.memory_space<hbm>>
        tpu.enqueue_dma source(%dma_start3A_158 : memref<20000xi32, #tpu.memory_space<hbm>>) target(%arg7 : memref<20000xi32, #tpu.memory_space<vmem>>) target_semaphore(%run_scoped3A : memref<!tpu.dma_semaphore, #tpu.memory_space<semaphore_mem>>)
        %dma_wait3A_159 = arith.constant 0 : i32
        %dma_wait3A_160 = tpu.memref_slice %arg2[%add3A, %dma_wait3A_159] : memref<16x20000xi32, #tpu.memory_space<hbm>> -> memref<1x20000xi32, #tpu.memory_space<hbm>>
        %dma_wait3A_161 = tpu.memref_squeeze %dma_wait3A_160 : memref<1x20000xi32, #tpu.memory_space<hbm>> -> memref<20000xi32, #tpu.memory_space<hbm>>
        %dma_wait3A_162 = arith.constant 0 : i32
        %dma_wait3A_163 = tpu.memref_slice %arg2[%add3A, %dma_wait3A_162] : memref<16x20000xi32, #tpu.memory_space<hbm>> -> memref<1x20000xi32, #tpu.memory_space<hbm>>
        %dma_wait3A_164 = tpu.memref_squeeze %dma_wait3A_163 : memref<1x20000xi32, #tpu.memory_space<hbm>> -> memref<20000xi32, #tpu.memory_space<hbm>>
        tpu.wait_dma2 semaphore(%run_scoped3A : memref<!tpu.dma_semaphore, #tpu.memory_space<semaphore_mem>>) src(%dma_wait3A_164 : memref<20000xi32, #tpu.memory_space<hbm>>) dst(%arg7 : memref<20000xi32, #tpu.memory_space<vmem>>)
        tpu.yield
      }) : () -> ()
      "tpu.region"() ({
        %run_scoped3A = tpu.sem_alloc : memref<!tpu.dma_semaphore, #tpu.memory_space<semaphore_mem>>
        tpu.enqueue_dma source(%arg5 : memref<16xf32, #tpu.memory_space<hbm>>) target(%arg20 : memref<16xf32, #tpu.memory_space<vmem>>) target_semaphore(%run_scoped3A : memref<!tpu.dma_semaphore, #tpu.memory_space<semaphore_mem>>)
        tpu.wait_dma2 semaphore(%run_scoped3A : memref<!tpu.dma_semaphore, #tpu.memory_space<semaphore_mem>>) src(%arg5 : memref<16xf32, #tpu.memory_space<hbm>>) dst(%arg20 : memref<16xf32, #tpu.memory_space<vmem>>)
        tpu.yield
      }) : () -> ()
      %scan3A = arith.constant 0 : i32
      %scan3A_19 = arith.constant 256 : i32
      %scan3A_20 = arith.addi %scan3A, %scan3A_19 : i32
      %scan3A_21 = arith.constant 8 : i32
      scf.for %scan3A_153 = %scan3A to %scan3A_20 step %scan3A_21  : i32 {
        %mul3A_154 = arith.constant 1 : i32
        %mul3A_155 = arith.muli %scan3A_153, %mul3A_154 : i32
        %add3A_156 = arith.constant 0 : i32
        %add3A_157 = arith.addi %add3A_156, %mul3A_155 : i32
        %mul3A_158 = arith.constant 16 : i32
        %mul3A_159 = arith.muli %add3A_157, %mul3A_158 : i32
        %swap3A = arith.index_cast %mul3A_159 : i32 to index
        %swap3A_160 = tpu.vector_load %arg10[%swap3A] {strides = array<i32>} : memref<4096xi32, #tpu.memory_space<vmem>>, vector<16xi32>,
        tpu.vector_store %arg10[%swap3A], %broadcast_in_dim3A_3 {strides = array<i32>} : memref<4096xi32, #tpu.memory_space<vmem>>, vector<16xi32>,
        %scan3A_161 = arith.constant 1 : i32
        %scan3A_162 = arith.addi %scan3A_153, %scan3A_161 : i32
        %mul3A_163 = arith.constant 1 : i32
        %mul3A_164 = arith.muli %scan3A_162, %mul3A_163 : i32
        %add3A_165 = arith.constant 0 : i32
        %add3A_166 = arith.addi %add3A_165, %mul3A_164 : i32
        %mul3A_167 = arith.constant 16 : i32
        %mul3A_168 = arith.muli %add3A_166, %mul3A_167 : i32
        %swap3A_169 = arith.index_cast %mul3A_168 : i32 to index
        %swap3A_170 = tpu.vector_load %arg10[%swap3A_169] {strides = array<i32>} : memref<4096xi32, #tpu.memory_space<vmem>>, vector<16xi32>,
        tpu.vector_store %arg10[%swap3A_169], %broadcast_in_dim3A_3 {strides = array<i32>} : memref<4096xi32, #tpu.memory_space<vmem>>, vector<16xi32>,
        %scan3A_171 = arith.constant 2 : i32
        %scan3A_172 = arith.addi %scan3A_153, %scan3A_171 : i32
        %mul3A_173 = arith.constant 1 : i32
        %mul3A_174 = arith.muli %scan3A_172, %mul3A_173 : i32
        %add3A_175 = arith.constant 0 : i32
        %add3A_176 = arith.addi %add3A_175, %mul3A_174 : i32
        %mul3A_177 = arith.constant 16 : i32
        %mul3A_178 = arith.muli %add3A_176, %mul3A_177 : i32
        %swap3A_179 = arith.index_cast %mul3A_178 : i32 to index
        %swap3A_180 = tpu.vector_load %arg10[%swap3A_179] {strides = array<i32>} : memref<4096xi32, #tpu.memory_space<vmem>>, vector<16xi32>,
        tpu.vector_store %arg10[%swap3A_179], %broadcast_in_dim3A_3 {strides = array<i32>} : memref<4096xi32, #tpu.memory_space<vmem>>, vector<16xi32>,
        %scan3A_181 = arith.constant 3 : i32
        %scan3A_182 = arith.addi %scan3A_153, %scan3A_181 : i32
        %mul3A_183 = arith.constant 1 : i32
        %mul3A_184 = arith.muli %scan3A_182, %mul3A_183 : i32
        %add3A_185 = arith.constant 0 : i32
        %add3A_186 = arith.addi %add3A_185, %mul3A_184 : i32
        %mul3A_187 = arith.constant 16 : i32
        %mul3A_188 = arith.muli %add3A_186, %mul3A_187 : i32
        %swap3A_189 = arith.index_cast %mul3A_188 : i32 to index
        %swap3A_190 = tpu.vector_load %arg10[%swap3A_189] {strides = array<i32>} : memref<4096xi32, #tpu.memory_space<vmem>>, vector<16xi32>,
        tpu.vector_store %arg10[%swap3A_189], %broadcast_in_dim3A_3 {strides = array<i32>} : memref<4096xi32, #tpu.memory_space<vmem>>, vector<16xi32>,
        %scan3A_191 = arith.constant 4 : i32
        %scan3A_192 = arith.addi %scan3A_153, %scan3A_191 : i32
        %mul3A_193 = arith.constant 1 : i32
        %mul3A_194 = arith.muli %scan3A_192, %mul3A_193 : i32
        %add3A_195 = arith.constant 0 : i32
        %add3A_196 = arith.addi %add3A_195, %mul3A_194 : i32
        %mul3A_197 = arith.constant 16 : i32
        %mul3A_198 = arith.muli %add3A_196, %mul3A_197 : i32
        %swap3A_199 = arith.index_cast %mul3A_198 : i32 to index
        %swap3A_200 = tpu.vector_load %arg10[%swap3A_199] {strides = array<i32>} : memref<4096xi32, #tpu.memory_space<vmem>>, vector<16xi32>,
        tpu.vector_store %arg10[%swap3A_199], %broadcast_in_dim3A_3 {strides = array<i32>} : memref<4096xi32, #tpu.memory_space<vmem>>, vector<16xi32>,
        %scan3A_201 = arith.constant 5 : i32
        %scan3A_202 = arith.addi %scan3A_153, %scan3A_201 : i32
        %mul3A_203 = arith.constant 1 : i32
        %mul3A_204 = arith.muli %scan3A_202, %mul3A_203 : i32
        %add3A_205 = arith.constant 0 : i32
        %add3A_206 = arith.addi %add3A_205, %mul3A_204 : i32
        %mul3A_207 = arith.constant 16 : i32
        %mul3A_208 = arith.muli %add3A_206, %mul3A_207 : i32
        %swap3A_209 = arith.index_cast %mul3A_208 : i32 to index
        %swap3A_210 = tpu.vector_load %arg10[%swap3A_209] {strides = array<i32>} : memref<4096xi32, #tpu.memory_space<vmem>>, vector<16xi32>,
        tpu.vector_store %arg10[%swap3A_209], %broadcast_in_dim3A_3 {strides = array<i32>} : memref<4096xi32, #tpu.memory_space<vmem>>, vector<16xi32>,
        %scan3A_211 = arith.constant 6 : i32
        %scan3A_212 = arith.addi %scan3A_153, %scan3A_211 : i32
        %mul3A_213 = arith.constant 1 : i32
        %mul3A_214 = arith.muli %scan3A_212, %mul3A_213 : i32
        %add3A_215 = arith.constant 0 : i32
        %add3A_216 = arith.addi %add3A_215, %mul3A_214 : i32
        %mul3A_217 = arith.constant 16 : i32
        %mul3A_218 = arith.muli %add3A_216, %mul3A_217 : i32
        %swap3A_219 = arith.index_cast %mul3A_218 : i32 to index
        %swap3A_220 = tpu.vector_load %arg10[%swap3A_219] {strides = array<i32>} : memref<4096xi32, #tpu.memory_space<vmem>>, vector<16xi32>,
        tpu.vector_store %arg10[%swap3A_219], %broadcast_in_dim3A_3 {strides = array<i32>} : memref<4096xi32, #tpu.memory_space<vmem>>, vector<16xi32>,
        %scan3A_221 = arith.constant 7 : i32
        %scan3A_222 = arith.addi %scan3A_153, %scan3A_221 : i32
        %mul3A_223 = arith.constant 1 : i32
        %mul3A_224 = arith.muli %scan3A_222, %mul3A_223 : i32
        %add3A_225 = arith.constant 0 : i32
        %add3A_226 = arith.addi %add3A_225, %mul3A_224 : i32
        %mul3A_227 = arith.constant 16 : i32
        %mul3A_228 = arith.muli %add3A_226, %mul3A_227 : i32
        %swap3A_229 = arith.index_cast %mul3A_228 : i32 to index
        %swap3A_230 = tpu.vector_load %arg10[%swap3A_229] {strides = array<i32>} : memref<4096xi32, #tpu.memory_space<vmem>>, vector<16xi32>,
        tpu.vector_store %arg10[%swap3A_229], %broadcast_in_dim3A_3 {strides = array<i32>} : memref<4096xi32, #tpu.memory_space<vmem>>, vector<16xi32>,
      }
      %scan3A_22 = arith.constant 256 : i32
      %scan3A_23 = arith.constant 0 : i32
      %scan3A_24 = arith.constant 1250 : i32
      %scan3A_25 = arith.addi %scan3A_23, %scan3A_24 : i32
      %scan3A_26 = arith.constant 5 : i32
      scf.for %scan3A_153 = %scan3A_23 to %scan3A_25 step %scan3A_26  : i32 {
        %mul3A_154 = arith.constant 1 : i32
        %mul3A_155 = arith.muli %scan3A_153, %mul3A_154 : i32
        %add3A_156 = arith.constant 0 : i32
        %add3A_157 = arith.addi %add3A_156, %mul3A_155 : i32
        %mul3A_158 = arith.constant 16 : i32
        %mul3A_159 = arith.muli %add3A_157, %mul3A_158 : i32
        %get3A_160 = arith.index_cast %mul3A_159 : i32 to index
        %get3A_161 = tpu.vector_load %arg7[%get3A_160] {strides = array<i32>} : memref<20000xi32, #tpu.memory_space<vmem>>, vector<16xi32>,
        %shift_right_arithmetic3A = arith.constant 24 : i32
        %shift_right_arithmetic3A_162 = vector.broadcast %shift_right_arithmetic3A : i32 to vector<16xi32>
        %shift_right_arithmetic3A_163 = arith.shrsi %get3A_161, %shift_right_arithmetic3A_162 : vector<16xi32>
        %add3A_164 = arith.constant 128 : i32
        %add3A_165 = vector.broadcast %add3A_164 : i32 to vector<16xi32>
        %add3A_166 = arith.addi %shift_right_arithmetic3A_163, %add3A_165 : vector<16xi32>
        %mul3A_167 = arith.constant 16 : i32
        %mul3A_168 = vector.broadcast %mul3A_167 : i32 to vector<16xi32>
        %mul3A_169 = arith.muli %add3A_166, %mul3A_168 : vector<16xi32>
        %add3A_170 = arith.addi %mul3A_169, %iota3A : vector<16xi32>
        tpu.vector_store_idx %arg10[%add3A_170], %broadcast_in_dim3A_5 {add = true} : memref<4096xi32, #tpu.memory_space<vmem>>[vector<16xi32>], vector<16xi32>,
        %scan3A_171 = arith.constant 1 : i32
        %scan3A_172 = arith.addi %scan3A_153, %scan3A_171 : i32
        %mul3A_173 = arith.constant 1 : i32
        %mul3A_174 = arith.muli %scan3A_172, %mul3A_173 : i32
        %add3A_175 = arith.constant 0 : i32
        %add3A_176 = arith.addi %add3A_175, %mul3A_174 : i32
        %mul3A_177 = arith.constant 16 : i32
        %mul3A_178 = arith.muli %add3A_176, %mul3A_177 : i32
        %get3A_179 = arith.index_cast %mul3A_178 : i32 to index
        %get3A_180 = tpu.vector_load %arg7[%get3A_179] {strides = array<i32>} : memref<20000xi32, #tpu.memory_space<vmem>>, vector<16xi32>,
        %shift_right_arithmetic3A_181 = arith.constant 24 : i32
        %shift_right_arithmetic3A_182 = vector.broadcast %shift_right_arithmetic3A_181 : i32 to vector<16xi32>
        %shift_right_arithmetic3A_183 = arith.shrsi %get3A_180, %shift_right_arithmetic3A_182 : vector<16xi32>
        %add3A_184 = arith.constant 128 : i32
        %add3A_185 = vector.broadcast %add3A_184 : i32 to vector<16xi32>
        %add3A_186 = arith.addi %shift_right_arithmetic3A_183, %add3A_185 : vector<16xi32>
        %mul3A_187 = arith.constant 16 : i32
        %mul3A_188 = vector.broadcast %mul3A_187 : i32 to vector<16xi32>
        %mul3A_189 = arith.muli %add3A_186, %mul3A_188 : vector<16xi32>
        %add3A_190 = arith.addi %mul3A_189, %iota3A : vector<16xi32>
        tpu.vector_store_idx %arg10[%add3A_190], %broadcast_in_dim3A_5 {add = true} : memref<4096xi32, #tpu.memory_space<vmem>>[vector<16xi32>], vector<16xi32>,
        %scan3A_191 = arith.constant 2 : i32
        %scan3A_192 = arith.addi %scan3A_153, %scan3A_191 : i32
        %mul3A_193 = arith.constant 1 : i32
        %mul3A_194 = arith.muli %scan3A_192, %mul3A_193 : i32
        %add3A_195 = arith.constant 0 : i32
        %add3A_196 = arith.addi %add3A_195, %mul3A_194 : i32
        %mul3A_197 = arith.constant 16 : i32
        %mul3A_198 = arith.muli %add3A_196, %mul3A_197 : i32
        %get3A_199 = arith.index_cast %mul3A_198 : i32 to index
        %get3A_200 = tpu.vector_load %arg7[%get3A_199] {strides = array<i32>} : memref<20000xi32, #tpu.memory_space<vmem>>, vector<16xi32>,
        %shift_right_arithmetic3A_201 = arith.constant 24 : i32
        %shift_right_arithmetic3A_202 = vector.broadcast %shift_right_arithmetic3A_201 : i32 to vector<16xi32>
        %shift_right_arithmetic3A_203 = arith.shrsi %get3A_200, %shift_right_arithmetic3A_202 : vector<16xi32>
        %add3A_204 = arith.constant 128 : i32
        %add3A_205 = vector.broadcast %add3A_204 : i32 to vector<16xi32>
        %add3A_206 = arith.addi %shift_right_arithmetic3A_203, %add3A_205 : vector<16xi32>
        %mul3A_207 = arith.constant 16 : i32
        %mul3A_208 = vector.broadcast %mul3A_207 : i32 to vector<16xi32>
        %mul3A_209 = arith.muli %add3A_206, %mul3A_208 : vector<16xi32>
        %add3A_210 = arith.addi %mul3A_209, %iota3A : vector<16xi32>
        tpu.vector_store_idx %arg10[%add3A_210], %broadcast_in_dim3A_5 {add = true} : memref<4096xi32, #tpu.memory_space<vmem>>[vector<16xi32>], vector<16xi32>,
        %scan3A_211 = arith.constant 3 : i32
        %scan3A_212 = arith.addi %scan3A_153, %scan3A_211 : i32
        %mul3A_213 = arith.constant 1 : i32
        %mul3A_214 = arith.muli %scan3A_212, %mul3A_213 : i32
        %add3A_215 = arith.constant 0 : i32
        %add3A_216 = arith.addi %add3A_215, %mul3A_214 : i32
        %mul3A_217 = arith.constant 16 : i32
        %mul3A_218 = arith.muli %add3A_216, %mul3A_217 : i32
        %get3A_219 = arith.index_cast %mul3A_218 : i32 to index
        %get3A_220 = tpu.vector_load %arg7[%get3A_219] {strides = array<i32>} : memref<20000xi32, #tpu.memory_space<vmem>>, vector<16xi32>,
        %shift_right_arithmetic3A_221 = arith.constant 24 : i32
        %shift_right_arithmetic3A_222 = vector.broadcast %shift_right_arithmetic3A_221 : i32 to vector<16xi32>
        %shift_right_arithmetic3A_223 = arith.shrsi %get3A_220, %shift_right_arithmetic3A_222 : vector<16xi32>
        %add3A_224 = arith.constant 128 : i32
        %add3A_225 = vector.broadcast %add3A_224 : i32 to vector<16xi32>
        %add3A_226 = arith.addi %shift_right_arithmetic3A_223, %add3A_225 : vector<16xi32>
        %mul3A_227 = arith.constant 16 : i32
        %mul3A_228 = vector.broadcast %mul3A_227 : i32 to vector<16xi32>
        %mul3A_229 = arith.muli %add3A_226, %mul3A_228 : vector<16xi32>
        %add3A_230 = arith.addi %mul3A_229, %iota3A : vector<16xi32>
        tpu.vector_store_idx %arg10[%add3A_230], %broadcast_in_dim3A_5 {add = true} : memref<4096xi32, #tpu.memory_space<vmem>>[vector<16xi32>], vector<16xi32>,
        %scan3A_231 = arith.constant 4 : i32
        %scan3A_232 = arith.addi %scan3A_153, %scan3A_231 : i32
        %mul3A_233 = arith.constant 1 : i32
        %mul3A_234 = arith.muli %scan3A_232, %mul3A_233 : i32
        %add3A_235 = arith.constant 0 : i32
        %add3A_236 = arith.addi %add3A_235, %mul3A_234 : i32
        %mul3A_237 = arith.constant 16 : i32
        %mul3A_238 = arith.muli %add3A_236, %mul3A_237 : i32
        %get3A_239 = arith.index_cast %mul3A_238 : i32 to index
        %get3A_240 = tpu.vector_load %arg7[%get3A_239] {strides = array<i32>} : memref<20000xi32, #tpu.memory_space<vmem>>, vector<16xi32>,
        %shift_right_arithmetic3A_241 = arith.constant 24 : i32
        %shift_right_arithmetic3A_242 = vector.broadcast %shift_right_arithmetic3A_241 : i32 to vector<16xi32>
        %shift_right_arithmetic3A_243 = arith.shrsi %get3A_240, %shift_right_arithmetic3A_242 : vector<16xi32>
        %add3A_244 = arith.constant 128 : i32
        %add3A_245 = vector.broadcast %add3A_244 : i32 to vector<16xi32>
        %add3A_246 = arith.addi %shift_right_arithmetic3A_243, %add3A_245 : vector<16xi32>
        %mul3A_247 = arith.constant 16 : i32
        %mul3A_248 = vector.broadcast %mul3A_247 : i32 to vector<16xi32>
        %mul3A_249 = arith.muli %add3A_246, %mul3A_248 : vector<16xi32>
        %add3A_250 = arith.addi %mul3A_249, %iota3A : vector<16xi32>
        tpu.vector_store_idx %arg10[%add3A_250], %broadcast_in_dim3A_5 {add = true} : memref<4096xi32, #tpu.memory_space<vmem>>[vector<16xi32>], vector<16xi32>,
      }
      %scan3A_27 = arith.constant 1250 : i32
      %while3A = arith.constant 100 : i32
      %while3A_28 = arith.constant 0 : i32
      %while3A_29 = arith.constant 0 : i32
      %while3A_30 = arith.constant 0 : i32
      %while3A_31 = arith.constant false
      %while3A_32:4 = scf.while (%while3A_153 = %while3A_28, %while3A_154 = %while3A_29, %while3A_155 = %while3A_30, %while3A_156 = %while3A_31) : (i32, i32, i32, i1) -> (i32, i32, i32, i1) {
        %not3A_157 = arith.constant true
        %not3A_158 = arith.xori %while3A_156, %not3A_157 : i1
        %lt3A_159 = arith.constant 256 : i32
        %lt3A_160 = arith.cmpi slt, %while3A_153, %lt3A_159 : i32
        %and3A = arith.andi %not3A_158, %lt3A_160 : i1
        scf.condition(%and3A) %while3A_153, %while3A_154, %while3A_155, %while3A_156 : i32, i32, i32, i1
      } do {
      ^bb0(%while3A_153: i32, %while3A_154: i32, %while3A_155: i32, %while3A_156: i1):
        %sub3A_157 = arith.constant 255 : i32
        %sub3A_158 = arith.subi %sub3A_157, %while3A_153 : i32
        %mul3A_159 = arith.constant 16 : i32
        %mul3A_160 = arith.muli %sub3A_158, %mul3A_159 : i32
        %get3A_161 = arith.index_cast %mul3A_160 : i32 to index
        %get3A_162 = tpu.vector_load %arg10[%get3A_161] {strides = array<i32>} : memref<4096xi32, #tpu.memory_space<vmem>>, vector<16xi32>,
        %reduce_sum3A = arith.constant true
        %reduce_sum3A_163 = vector.broadcast %reduce_sum3A : i1 to vector<16xi1>
        %reduce_sum3A_164 = tpu.scan <sum>, %get3A_162 masked %reduce_sum3A_163 : vector<16xi32>, vector<16xi1> -> vector<16xi32>
        %reduce_sum3A_165 = vector.extract %reduce_sum3A_164[15] : i32 from vector<16xi32>
        %add3A_166 = arith.addi %while3A_154, %reduce_sum3A_165 : i32
        %ge3A = arith.cmpi sge, %add3A_166, %while3A : i32
        %sub3A_167 = arith.constant 255 : i32
        %sub3A_168 = arith.subi %sub3A_167, %while3A_153 : i32
        %select_n3A = arith.select %ge3A, %sub3A_168, %while3A_155 : i32
        %add3A_169 = arith.addi %while3A_154, %reduce_sum3A_165 : i32
        %select_n3A_170 = arith.select %ge3A, %while3A_154, %add3A_169 : i32
        %add3A_171 = arith.constant 1 : i32
        %add3A_172 = arith.addi %while3A_153, %add3A_171 : i32
        scf.yield %add3A_172, %select_n3A_170, %select_n3A, %ge3A : i32, i32, i32, i1
      }
      %sub3A = arith.constant 100 : i32
      %sub3A_33 = arith.subi %sub3A, %while3A_32#1 : i32
      %scan3A_34 = arith.constant 0 : i32
      %scan3A_35 = arith.constant 256 : i32
      %scan3A_36 = arith.addi %scan3A_34, %scan3A_35 : i32
      %scan3A_37 = arith.constant 8 : i32
      scf.for %scan3A_153 = %scan3A_34 to %scan3A_36 step %scan3A_37  : i32 {
        %mul3A_154 = arith.constant 1 : i32
        %mul3A_155 = arith.muli %scan3A_153, %mul3A_154 : i32
        %add3A_156 = arith.constant 0 : i32
        %add3A_157 = arith.addi %add3A_156, %mul3A_155 : i32
        %mul3A_158 = arith.constant 16 : i32
        %mul3A_159 = arith.muli %add3A_157, %mul3A_158 : i32
        %swap3A = arith.index_cast %mul3A_159 : i32 to index
        %swap3A_160 = tpu.vector_load %arg10[%swap3A] {strides = array<i32>} : memref<4096xi32, #tpu.memory_space<vmem>>, vector<16xi32>,
        tpu.vector_store %arg10[%swap3A], %broadcast_in_dim3A_3 {strides = array<i32>} : memref<4096xi32, #tpu.memory_space<vmem>>, vector<16xi32>,
        %scan3A_161 = arith.constant 1 : i32
        %scan3A_162 = arith.addi %scan3A_153, %scan3A_161 : i32
        %mul3A_163 = arith.constant 1 : i32
        %mul3A_164 = arith.muli %scan3A_162, %mul3A_163 : i32
        %add3A_165 = arith.constant 0 : i32
        %add3A_166 = arith.addi %add3A_165, %mul3A_164 : i32
        %mul3A_167 = arith.constant 16 : i32
        %mul3A_168 = arith.muli %add3A_166, %mul3A_167 : i32
        %swap3A_169 = arith.index_cast %mul3A_168 : i32 to index
        %swap3A_170 = tpu.vector_load %arg10[%swap3A_169] {strides = array<i32>} : memref<4096xi32, #tpu.memory_space<vmem>>, vector<16xi32>,
        tpu.vector_store %arg10[%swap3A_169], %broadcast_in_dim3A_3 {strides = array<i32>} : memref<4096xi32, #tpu.memory_space<vmem>>, vector<16xi32>,
        %scan3A_171 = arith.constant 2 : i32
        %scan3A_172 = arith.addi %scan3A_153, %scan3A_171 : i32
        %mul3A_173 = arith.constant 1 : i32
        %mul3A_174 = arith.muli %scan3A_172, %mul3A_173 : i32
        %add3A_175 = arith.constant 0 : i32
        %add3A_176 = arith.addi %add3A_175, %mul3A_174 : i32
        %mul3A_177 = arith.constant 16 : i32
        %mul3A_178 = arith.muli %add3A_176, %mul3A_177 : i32
        %swap3A_179 = arith.index_cast %mul3A_178 : i32 to index
        %swap3A_180 = tpu.vector_load %arg10[%swap3A_179] {strides = array<i32>} : memref<4096xi32, #tpu.memory_space<vmem>>, vector<16xi32>,
        tpu.vector_store %arg10[%swap3A_179], %broadcast_in_dim3A_3 {strides = array<i32>} : memref<4096xi32, #tpu.memory_space<vmem>>, vector<16xi32>,
        %scan3A_181 = arith.constant 3 : i32
        %scan3A_182 = arith.addi %scan3A_153, %scan3A_181 : i32
        %mul3A_183 = arith.constant 1 : i32
        %mul3A_184 = arith.muli %scan3A_182, %mul3A_183 : i32
        %add3A_185 = arith.constant 0 : i32
        %add3A_186 = arith.addi %add3A_185, %mul3A_184 : i32
        %mul3A_187 = arith.constant 16 : i32
        %mul3A_188 = arith.muli %add3A_186, %mul3A_187 : i32
        %swap3A_189 = arith.index_cast %mul3A_188 : i32 to index
        %swap3A_190 = tpu.vector_load %arg10[%swap3A_189] {strides = array<i32>} : memref<4096xi32, #tpu.memory_space<vmem>>, vector<16xi32>,
        tpu.vector_store %arg10[%swap3A_189], %broadcast_in_dim3A_3 {strides = array<i32>} : memref<4096xi32, #tpu.memory_space<vmem>>, vector<16xi32>,
        %scan3A_191 = arith.constant 4 : i32
        %scan3A_192 = arith.addi %scan3A_153, %scan3A_191 : i32
        %mul3A_193 = arith.constant 1 : i32
        %mul3A_194 = arith.muli %scan3A_192, %mul3A_193 : i32
        %add3A_195 = arith.constant 0 : i32
        %add3A_196 = arith.addi %add3A_195, %mul3A_194 : i32
        %mul3A_197 = arith.constant 16 : i32
        %mul3A_198 = arith.muli %add3A_196, %mul3A_197 : i32
        %swap3A_199 = arith.index_cast %mul3A_198 : i32 to index
        %swap3A_200 = tpu.vector_load %arg10[%swap3A_199] {strides = array<i32>} : memref<4096xi32, #tpu.memory_space<vmem>>, vector<16xi32>,
        tpu.vector_store %arg10[%swap3A_199], %broadcast_in_dim3A_3 {strides = array<i32>} : memref<4096xi32, #tpu.memory_space<vmem>>, vector<16xi32>,
        %scan3A_201 = arith.constant 5 : i32
        %scan3A_202 = arith.addi %scan3A_153, %scan3A_201 : i32
        %mul3A_203 = arith.constant 1 : i32
        %mul3A_204 = arith.muli %scan3A_202, %mul3A_203 : i32
        %add3A_205 = arith.constant 0 : i32
        %add3A_206 = arith.addi %add3A_205, %mul3A_204 : i32
        %mul3A_207 = arith.constant 16 : i32
        %mul3A_208 = arith.muli %add3A_206, %mul3A_207 : i32
        %swap3A_209 = arith.index_cast %mul3A_208 : i32 to index
        %swap3A_210 = tpu.vector_load %arg10[%swap3A_209] {strides = array<i32>} : memref<4096xi32, #tpu.memory_space<vmem>>, vector<16xi32>,
        tpu.vector_store %arg10[%swap3A_209], %broadcast_in_dim3A_3 {strides = array<i32>} : memref<4096xi32, #tpu.memory_space<vmem>>, vector<16xi32>,
        %scan3A_211 = arith.constant 6 : i32
        %scan3A_212 = arith.addi %scan3A_153, %scan3A_211 : i32
        %mul3A_213 = arith.constant 1 : i32
        %mul3A_214 = arith.muli %scan3A_212, %mul3A_213 : i32
        %add3A_215 = arith.constant 0 : i32
        %add3A_216 = arith.addi %add3A_215, %mul3A_214 : i32
        %mul3A_217 = arith.constant 16 : i32
        %mul3A_218 = arith.muli %add3A_216, %mul3A_217 : i32
        %swap3A_219 = arith.index_cast %mul3A_218 : i32 to index
        %swap3A_220 = tpu.vector_load %arg10[%swap3A_219] {strides = array<i32>} : memref<4096xi32, #tpu.memory_space<vmem>>, vector<16xi32>,
        tpu.vector_store %arg10[%swap3A_219], %broadcast_in_dim3A_3 {strides = array<i32>} : memref<4096xi32, #tpu.memory_space<vmem>>, vector<16xi32>,
        %scan3A_221 = arith.constant 7 : i32
        %scan3A_222 = arith.addi %scan3A_153, %scan3A_221 : i32
        %mul3A_223 = arith.constant 1 : i32
        %mul3A_224 = arith.muli %scan3A_222, %mul3A_223 : i32
        %add3A_225 = arith.constant 0 : i32
        %add3A_226 = arith.addi %add3A_225, %mul3A_224 : i32
        %mul3A_227 = arith.constant 16 : i32
        %mul3A_228 = arith.muli %add3A_226, %mul3A_227 : i32
        %swap3A_229 = arith.index_cast %mul3A_228 : i32 to index
        %swap3A_230 = tpu.vector_load %arg10[%swap3A_229] {strides = array<i32>} : memref<4096xi32, #tpu.memory_space<vmem>>, vector<16xi32>,
        tpu.vector_store %arg10[%swap3A_229], %broadcast_in_dim3A_3 {strides = array<i32>} : memref<4096xi32, #tpu.memory_space<vmem>>, vector<16xi32>,
      }
      %scan3A_38 = arith.constant 256 : i32
      %scan3A_39 = arith.constant 0 : i32
      %scan3A_40 = arith.constant 1250 : i32
      %scan3A_41 = arith.addi %scan3A_39, %scan3A_40 : i32
      %scan3A_42 = arith.constant 5 : i32
      scf.for %scan3A_153 = %scan3A_39 to %scan3A_41 step %scan3A_42  : i32 {
        %mul3A_154 = arith.constant 1 : i32
        %mul3A_155 = arith.muli %scan3A_153, %mul3A_154 : i32
        %add3A_156 = arith.constant 0 : i32
        %add3A_157 = arith.addi %add3A_156, %mul3A_155 : i32
        %mul3A_158 = arith.constant 16 : i32
        %mul3A_159 = arith.muli %add3A_157, %mul3A_158 : i32
        %get3A_160 = arith.index_cast %mul3A_159 : i32 to index
        %get3A_161 = tpu.vector_load %arg7[%get3A_160] {strides = array<i32>} : memref<20000xi32, #tpu.memory_space<vmem>>, vector<16xi32>,
        %shift_right_arithmetic3A = arith.constant 24 : i32
        %shift_right_arithmetic3A_162 = vector.broadcast %shift_right_arithmetic3A : i32 to vector<16xi32>
        %shift_right_arithmetic3A_163 = arith.shrsi %get3A_161, %shift_right_arithmetic3A_162 : vector<16xi32>
        %add3A_164 = arith.constant 128 : i32
        %add3A_165 = vector.broadcast %add3A_164 : i32 to vector<16xi32>
        %add3A_166 = arith.addi %shift_right_arithmetic3A_163, %add3A_165 : vector<16xi32>
        %eq3A_167 = vector.broadcast %while3A_32#2 : i32 to vector<16xi32>
        %eq3A_168 = arith.cmpi eq, %add3A_166, %eq3A_167 : vector<16xi32>
        %shift_right_arithmetic3A_169 = arith.constant 16 : i32
        %shift_right_arithmetic3A_170 = vector.broadcast %shift_right_arithmetic3A_169 : i32 to vector<16xi32>
        %shift_right_arithmetic3A_171 = arith.shrsi %get3A_161, %shift_right_arithmetic3A_170 : vector<16xi32>
        %and3A = arith.constant 255 : i32
        %and3A_172 = vector.broadcast %and3A : i32 to vector<16xi32>
        %and3A_173 = arith.andi %shift_right_arithmetic3A_171, %and3A_172 : vector<16xi32>
        %mul3A_174 = arith.constant 16 : i32
        %mul3A_175 = vector.broadcast %mul3A_174 : i32 to vector<16xi32>
        %mul3A_176 = arith.muli %and3A_173, %mul3A_175 : vector<16xi32>
        %add3A_177 = arith.addi %mul3A_176, %iota3A : vector<16xi32>
        tpu.vector_store_idx %arg10[%add3A_177], %broadcast_in_dim3A_5 masked %eq3A_168 {add = true} : memref<4096xi32, #tpu.memory_space<vmem>>[vector<16xi32>], vector<16xi32>, vector<16xi1>
        %scan3A_178 = arith.constant 1 : i32
        %scan3A_179 = arith.addi %scan3A_153, %scan3A_178 : i32
        %mul3A_180 = arith.constant 1 : i32
        %mul3A_181 = arith.muli %scan3A_179, %mul3A_180 : i32
        %add3A_182 = arith.constant 0 : i32
        %add3A_183 = arith.addi %add3A_182, %mul3A_181 : i32
        %mul3A_184 = arith.constant 16 : i32
        %mul3A_185 = arith.muli %add3A_183, %mul3A_184 : i32
        %get3A_186 = arith.index_cast %mul3A_185 : i32 to index
        %get3A_187 = tpu.vector_load %arg7[%get3A_186] {strides = array<i32>} : memref<20000xi32, #tpu.memory_space<vmem>>, vector<16xi32>,
        %shift_right_arithmetic3A_188 = arith.constant 24 : i32
        %shift_right_arithmetic3A_189 = vector.broadcast %shift_right_arithmetic3A_188 : i32 to vector<16xi32>
        %shift_right_arithmetic3A_190 = arith.shrsi %get3A_187, %shift_right_arithmetic3A_189 : vector<16xi32>
        %add3A_191 = arith.constant 128 : i32
        %add3A_192 = vector.broadcast %add3A_191 : i32 to vector<16xi32>
        %add3A_193 = arith.addi %shift_right_arithmetic3A_190, %add3A_192 : vector<16xi32>
        %eq3A_194 = vector.broadcast %while3A_32#2 : i32 to vector<16xi32>
        %eq3A_195 = arith.cmpi eq, %add3A_193, %eq3A_194 : vector<16xi32>
        %shift_right_arithmetic3A_196 = arith.constant 16 : i32
        %shift_right_arithmetic3A_197 = vector.broadcast %shift_right_arithmetic3A_196 : i32 to vector<16xi32>
        %shift_right_arithmetic3A_198 = arith.shrsi %get3A_187, %shift_right_arithmetic3A_197 : vector<16xi32>
        %and3A_199 = arith.constant 255 : i32
        %and3A_200 = vector.broadcast %and3A_199 : i32 to vector<16xi32>
        %and3A_201 = arith.andi %shift_right_arithmetic3A_198, %and3A_200 : vector<16xi32>
        %mul3A_202 = arith.constant 16 : i32
        %mul3A_203 = vector.broadcast %mul3A_202 : i32 to vector<16xi32>
        %mul3A_204 = arith.muli %and3A_201, %mul3A_203 : vector<16xi32>
        %add3A_205 = arith.addi %mul3A_204, %iota3A : vector<16xi32>
        tpu.vector_store_idx %arg10[%add3A_205], %broadcast_in_dim3A_5 masked %eq3A_195 {add = true} : memref<4096xi32, #tpu.memory_space<vmem>>[vector<16xi32>], vector<16xi32>, vector<16xi1>
        %scan3A_206 = arith.constant 2 : i32
        %scan3A_207 = arith.addi %scan3A_153, %scan3A_206 : i32
        %mul3A_208 = arith.constant 1 : i32
        %mul3A_209 = arith.muli %scan3A_207, %mul3A_208 : i32
        %add3A_210 = arith.constant 0 : i32
        %add3A_211 = arith.addi %add3A_210, %mul3A_209 : i32
        %mul3A_212 = arith.constant 16 : i32
        %mul3A_213 = arith.muli %add3A_211, %mul3A_212 : i32
        %get3A_214 = arith.index_cast %mul3A_213 : i32 to index
        %get3A_215 = tpu.vector_load %arg7[%get3A_214] {strides = array<i32>} : memref<20000xi32, #tpu.memory_space<vmem>>, vector<16xi32>,
        %shift_right_arithmetic3A_216 = arith.constant 24 : i32
        %shift_right_arithmetic3A_217 = vector.broadcast %shift_right_arithmetic3A_216 : i32 to vector<16xi32>
        %shift_right_arithmetic3A_218 = arith.shrsi %get3A_215, %shift_right_arithmetic3A_217 : vector<16xi32>
        %add3A_219 = arith.constant 128 : i32
        %add3A_220 = vector.broadcast %add3A_219 : i32 to vector<16xi32>
        %add3A_221 = arith.addi %shift_right_arithmetic3A_218, %add3A_220 : vector<16xi32>
        %eq3A_222 = vector.broadcast %while3A_32#2 : i32 to vector<16xi32>
        %eq3A_223 = arith.cmpi eq, %add3A_221, %eq3A_222 : vector<16xi32>
        %shift_right_arithmetic3A_224 = arith.constant 16 : i32
        %shift_right_arithmetic3A_225 = vector.broadcast %shift_right_arithmetic3A_224 : i32 to vector<16xi32>
        %shift_right_arithmetic3A_226 = arith.shrsi %get3A_215, %shift_right_arithmetic3A_225 : vector<16xi32>
        %and3A_227 = arith.constant 255 : i32
        %and3A_228 = vector.broadcast %and3A_227 : i32 to vector<16xi32>
        %and3A_229 = arith.andi %shift_right_arithmetic3A_226, %and3A_228 : vector<16xi32>
        %mul3A_230 = arith.constant 16 : i32
        %mul3A_231 = vector.broadcast %mul3A_230 : i32 to vector<16xi32>
        %mul3A_232 = arith.muli %and3A_229, %mul3A_231 : vector<16xi32>
        %add3A_233 = arith.addi %mul3A_232, %iota3A : vector<16xi32>
        tpu.vector_store_idx %arg10[%add3A_233], %broadcast_in_dim3A_5 masked %eq3A_223 {add = true} : memref<4096xi32, #tpu.memory_space<vmem>>[vector<16xi32>], vector<16xi32>, vector<16xi1>
        %scan3A_234 = arith.constant 3 : i32
        %scan3A_235 = arith.addi %scan3A_153, %scan3A_234 : i32
        %mul3A_236 = arith.constant 1 : i32
        %mul3A_237 = arith.muli %scan3A_235, %mul3A_236 : i32
        %add3A_238 = arith.constant 0 : i32
        %add3A_239 = arith.addi %add3A_238, %mul3A_237 : i32
        %mul3A_240 = arith.constant 16 : i32
        %mul3A_241 = arith.muli %add3A_239, %mul3A_240 : i32
        %get3A_242 = arith.index_cast %mul3A_241 : i32 to index
        %get3A_243 = tpu.vector_load %arg7[%get3A_242] {strides = array<i32>} : memref<20000xi32, #tpu.memory_space<vmem>>, vector<16xi32>,
        %shift_right_arithmetic3A_244 = arith.constant 24 : i32
        %shift_right_arithmetic3A_245 = vector.broadcast %shift_right_arithmetic3A_244 : i32 to vector<16xi32>
        %shift_right_arithmetic3A_246 = arith.shrsi %get3A_243, %shift_right_arithmetic3A_245 : vector<16xi32>
        %add3A_247 = arith.constant 128 : i32
        %add3A_248 = vector.broadcast %add3A_247 : i32 to vector<16xi32>
        %add3A_249 = arith.addi %shift_right_arithmetic3A_246, %add3A_248 : vector<16xi32>
        %eq3A_250 = vector.broadcast %while3A_32#2 : i32 to vector<16xi32>
        %eq3A_251 = arith.cmpi eq, %add3A_249, %eq3A_250 : vector<16xi32>
        %shift_right_arithmetic3A_252 = arith.constant 16 : i32
        %shift_right_arithmetic3A_253 = vector.broadcast %shift_right_arithmetic3A_252 : i32 to vector<16xi32>
        %shift_right_arithmetic3A_254 = arith.shrsi %get3A_243, %shift_right_arithmetic3A_253 : vector<16xi32>
        %and3A_255 = arith.constant 255 : i32
        %and3A_256 = vector.broadcast %and3A_255 : i32 to vector<16xi32>
        %and3A_257 = arith.andi %shift_right_arithmetic3A_254, %and3A_256 : vector<16xi32>
        %mul3A_258 = arith.constant 16 : i32
        %mul3A_259 = vector.broadcast %mul3A_258 : i32 to vector<16xi32>
        %mul3A_260 = arith.muli %and3A_257, %mul3A_259 : vector<16xi32>
        %add3A_261 = arith.addi %mul3A_260, %iota3A : vector<16xi32>
        tpu.vector_store_idx %arg10[%add3A_261], %broadcast_in_dim3A_5 masked %eq3A_251 {add = true} : memref<4096xi32, #tpu.memory_space<vmem>>[vector<16xi32>], vector<16xi32>, vector<16xi1>
        %scan3A_262 = arith.constant 4 : i32
        %scan3A_263 = arith.addi %scan3A_153, %scan3A_262 : i32
        %mul3A_264 = arith.constant 1 : i32
        %mul3A_265 = arith.muli %scan3A_263, %mul3A_264 : i32
        %add3A_266 = arith.constant 0 : i32
        %add3A_267 = arith.addi %add3A_266, %mul3A_265 : i32
        %mul3A_268 = arith.constant 16 : i32
        %mul3A_269 = arith.muli %add3A_267, %mul3A_268 : i32
        %get3A_270 = arith.index_cast %mul3A_269 : i32 to index
        %get3A_271 = tpu.vector_load %arg7[%get3A_270] {strides = array<i32>} : memref<20000xi32, #tpu.memory_space<vmem>>, vector<16xi32>,
        %shift_right_arithmetic3A_272 = arith.constant 24 : i32
        %shift_right_arithmetic3A_273 = vector.broadcast %shift_right_arithmetic3A_272 : i32 to vector<16xi32>
        %shift_right_arithmetic3A_274 = arith.shrsi %get3A_271, %shift_right_arithmetic3A_273 : vector<16xi32>
        %add3A_275 = arith.constant 128 : i32
        %add3A_276 = vector.broadcast %add3A_275 : i32 to vector<16xi32>
        %add3A_277 = arith.addi %shift_right_arithmetic3A_274, %add3A_276 : vector<16xi32>
        %eq3A_278 = vector.broadcast %while3A_32#2 : i32 to vector<16xi32>
        %eq3A_279 = arith.cmpi eq, %add3A_277, %eq3A_278 : vector<16xi32>
        %shift_right_arithmetic3A_280 = arith.constant 16 : i32
        %shift_right_arithmetic3A_281 = vector.broadcast %shift_right_arithmetic3A_280 : i32 to vector<16xi32>
        %shift_right_arithmetic3A_282 = arith.shrsi %get3A_271, %shift_right_arithmetic3A_281 : vector<16xi32>
        %and3A_283 = arith.constant 255 : i32
        %and3A_284 = vector.broadcast %and3A_283 : i32 to vector<16xi32>
        %and3A_285 = arith.andi %shift_right_arithmetic3A_282, %and3A_284 : vector<16xi32>
        %mul3A_286 = arith.constant 16 : i32
        %mul3A_287 = vector.broadcast %mul3A_286 : i32 to vector<16xi32>
        %mul3A_288 = arith.muli %and3A_285, %mul3A_287 : vector<16xi32>
        %add3A_289 = arith.addi %mul3A_288, %iota3A : vector<16xi32>
        tpu.vector_store_idx %arg10[%add3A_289], %broadcast_in_dim3A_5 masked %eq3A_279 {add = true} : memref<4096xi32, #tpu.memory_space<vmem>>[vector<16xi32>], vector<16xi32>, vector<16xi1>
      }
      %scan3A_43 = arith.constant 1250 : i32
      %while3A_44 = arith.constant 0 : i32
      %while3A_45 = arith.constant 0 : i32
      %while3A_46 = arith.constant 0 : i32
      %while3A_47 = arith.constant false
      %while3A_48:4 = scf.while (%while3A_153 = %while3A_44, %while3A_154 = %while3A_45, %while3A_155 = %while3A_46, %while3A_156 = %while3A_47) : (i32, i32, i32, i1) -> (i32, i32, i32, i1) {
        %not3A_157 = arith.constant true
        %not3A_158 = arith.xori %while3A_156, %not3A_157 : i1
        %lt3A_159 = arith.constant 256 : i32
        %lt3A_160 = arith.cmpi slt, %while3A_153, %lt3A_159 : i32
        %and3A = arith.andi %not3A_158, %lt3A_160 : i1
        scf.condition(%and3A) %while3A_153, %while3A_154, %while3A_155, %while3A_156 : i32, i32, i32, i1
      } do {
      ^bb0(%while3A_153: i32, %while3A_154: i32, %while3A_155: i32, %while3A_156: i1):
        %sub3A_157 = arith.constant 255 : i32
        %sub3A_158 = arith.subi %sub3A_157, %while3A_153 : i32
        %mul3A_159 = arith.constant 16 : i32
        %mul3A_160 = arith.muli %sub3A_158, %mul3A_159 : i32
        %get3A_161 = arith.index_cast %mul3A_160 : i32 to index
        %get3A_162 = tpu.vector_load %arg10[%get3A_161] {strides = array<i32>} : memref<4096xi32, #tpu.memory_space<vmem>>, vector<16xi32>,
        %reduce_sum3A = arith.constant true
        %reduce_sum3A_163 = vector.broadcast %reduce_sum3A : i1 to vector<16xi1>
        %reduce_sum3A_164 = tpu.scan <sum>, %get3A_162 masked %reduce_sum3A_163 : vector<16xi32>, vector<16xi1> -> vector<16xi32>
        %reduce_sum3A_165 = vector.extract %reduce_sum3A_164[15] : i32 from vector<16xi32>
        %add3A_166 = arith.addi %while3A_154, %reduce_sum3A_165 : i32
        %ge3A = arith.cmpi sge, %add3A_166, %sub3A_33 : i32
        %sub3A_167 = arith.constant 255 : i32
        %sub3A_168 = arith.subi %sub3A_167, %while3A_153 : i32
        %select_n3A = arith.select %ge3A, %sub3A_168, %while3A_155 : i32
        %add3A_169 = arith.addi %while3A_154, %reduce_sum3A_165 : i32
        %select_n3A_170 = arith.select %ge3A, %while3A_154, %add3A_169 : i32
        %add3A_171 = arith.constant 1 : i32
        %add3A_172 = arith.addi %while3A_153, %add3A_171 : i32
        scf.yield %add3A_172, %select_n3A_170, %select_n3A, %ge3A : i32, i32, i32, i1
      }
      %sub3A_49 = arith.subi %sub3A_33, %while3A_48#1 : i32
      %sub3A_50 = arith.constant 128 : i32
      %sub3A_51 = arith.subi %while3A_32#2, %sub3A_50 : i32
      %shift_left3A = arith.constant 8 : i32
      %shift_left3A_52 = arith.shli %sub3A_51, %shift_left3A : i32
      %or3A = arith.ori %shift_left3A_52, %while3A_48#2 : i32
      %scan3A_53 = arith.constant 0 : i32
      %scan3A_54 = arith.constant 8 : i32
      %scan3A_55 = arith.addi %scan3A_53, %scan3A_54 : i32
      %scan3A_56 = arith.constant 1 : i32
      scf.for %scan3A_153 = %scan3A_53 to %scan3A_55 step %scan3A_56  : i32 {
        %mul3A_154 = arith.constant 1 : i32
        %mul3A_155 = arith.muli %scan3A_153, %mul3A_154 : i32
        %add3A_156 = arith.constant 0 : i32
        %add3A_157 = arith.addi %add3A_156, %mul3A_155 : i32
        %mul3A_158 = arith.constant 16 : i32
        %mul3A_159 = arith.muli %add3A_157, %mul3A_158 : i32
        %swap3A = arith.index_cast %mul3A_159 : i32 to index
        %swap3A_160 = tpu.vector_load %arg11[%swap3A] {strides = array<i32>} : memref<128xi32, #tpu.memory_space<vmem>>, vector<16xi32>,
        tpu.vector_store %arg11[%swap3A], %broadcast_in_dim3A_3 {strides = array<i32>} : memref<128xi32, #tpu.memory_space<vmem>>, vector<16xi32>,
        %mul3A_161 = arith.constant 16 : i32
        %mul3A_162 = arith.muli %add3A_157, %mul3A_161 : i32
        %swap3A_163 = arith.index_cast %mul3A_162 : i32 to index
        %swap3A_164 = tpu.vector_load %arg12[%swap3A_163] {strides = array<i32>} : memref<128xi32, #tpu.memory_space<vmem>>, vector<16xi32>,
        tpu.vector_store %arg12[%swap3A_163], %broadcast_in_dim3A_3 {strides = array<i32>} : memref<128xi32, #tpu.memory_space<vmem>>, vector<16xi32>,
        %mul3A_165 = arith.constant 16 : i32
        %mul3A_166 = arith.muli %add3A_157, %mul3A_165 : i32
        %swap3A_167 = arith.index_cast %mul3A_166 : i32 to index
        %swap3A_168 = tpu.vector_load %arg13[%swap3A_167] {strides = array<i32>} : memref<128xi32, #tpu.memory_space<vmem>>, vector<16xi32>,
        tpu.vector_store %arg13[%swap3A_167], %broadcast_in_dim3A_3 {strides = array<i32>} : memref<128xi32, #tpu.memory_space<vmem>>, vector<16xi32>,
      }
      %scan3A_57 = arith.constant 8 : i32
      %scan3A_58 = arith.constant 0 : i32
      %scan3A_59 = arith.constant 14 : i32
      %scan3A_60 = arith.addi %scan3A_58, %scan3A_59 : i32
      %scan3A_61 = arith.constant 1 : i32
      scf.for %scan3A_153 = %scan3A_58 to %scan3A_60 step %scan3A_61  : i32 {
        %mul3A_154 = arith.constant 1 : i32
        %mul3A_155 = arith.muli %scan3A_153, %mul3A_154 : i32
        %add3A_156 = arith.constant 0 : i32
        %add3A_157 = arith.addi %add3A_156, %mul3A_155 : i32
        %mul3A_158 = arith.constant 16 : i32
        %mul3A_159 = arith.muli %add3A_157, %mul3A_158 : i32
        %swap3A = arith.index_cast %mul3A_159 : i32 to index
        %swap3A_160 = tpu.vector_load %arg16[%swap3A] {strides = array<i32>} : memref<224xi32, #tpu.memory_space<vmem>>, vector<16xi32>,
        tpu.vector_store %arg16[%swap3A], %broadcast_in_dim3A_3 {strides = array<i32>} : memref<224xi32, #tpu.memory_space<vmem>>, vector<16xi32>,
      }
      %scan3A_62 = arith.constant 14 : i32
      %scan3A_63 = arith.constant 0 : i32
      %scan3A_64 = arith.constant 7 : i32
      %scan3A_65 = arith.addi %scan3A_63, %scan3A_64 : i32
      %scan3A_66 = arith.constant 1 : i32
      scf.for %scan3A_153 = %scan3A_63 to %scan3A_65 step %scan3A_66  : i32 {
        %mul3A_154 = arith.constant 1 : i32
        %mul3A_155 = arith.muli %scan3A_153, %mul3A_154 : i32
        %add3A_156 = arith.constant 0 : i32
        %add3A_157 = arith.addi %add3A_156, %mul3A_155 : i32
        %mul3A_158 = arith.constant 16 : i32
        %mul3A_159 = arith.muli %add3A_157, %mul3A_158 : i32
        %swap3A = arith.index_cast %mul3A_159 : i32 to index
        %swap3A_160 = tpu.vector_load %arg18[%swap3A] {strides = array<i32>} : memref<112xi32, #tpu.memory_space<vmem>>, vector<16xi32>,
        tpu.vector_store %arg18[%swap3A], %broadcast_in_dim3A_3 {strides = array<i32>} : memref<112xi32, #tpu.memory_space<vmem>>, vector<16xi32>,
      }
      %scan3A_67 = arith.constant 7 : i32
      %scan3A_68 = arith.constant 0 : i32
      %scan3A_69 = arith.constant 0 : i32
      %scan3A_70 = arith.constant 0 : i32
      %scan3A_71 = arith.constant 0 : i32
      %scan3A_72 = arith.constant 1250 : i32
      %scan3A_73 = arith.addi %scan3A_71, %scan3A_72 : i32
      %scan3A_74 = arith.constant 1 : i32
      %scan3A_75:3 = scf.for %scan3A_153 = %scan3A_71 to %scan3A_73 step %scan3A_74 iter_args(%scan3A_154 = %scan3A_68, %scan3A_155 = %scan3A_69, %scan3A_156 = %scan3A_70) -> (i32, i32, i32)  : i32 {
        %mul3A_157 = arith.constant 16 : i32
        %mul3A_158 = arith.muli %scan3A_153, %mul3A_157 : i32
        %get3A_159 = arith.index_cast %mul3A_158 : i32 to index
        %get3A_160 = tpu.vector_load %arg7[%get3A_159] {strides = array<i32>} : memref<20000xi32, #tpu.memory_space<vmem>>, vector<16xi32>,
        %mul3A_161 = arith.constant 16 : i32
        %mul3A_162 = arith.muli %scan3A_153, %mul3A_161 : i32
        %add3A_163 = vector.broadcast %mul3A_162 : i32 to vector<16xi32>
        %add3A_164 = arith.addi %iota3A, %add3A_163 : vector<16xi32>
        %shift_right_arithmetic3A = arith.constant 16 : i32
        %shift_right_arithmetic3A_165 = vector.broadcast %shift_right_arithmetic3A : i32 to vector<16xi32>
        %shift_right_arithmetic3A_166 = arith.shrsi %get3A_160, %shift_right_arithmetic3A_165 : vector<16xi32>
        %gt3A = vector.broadcast %or3A : i32 to vector<16xi32>
        %gt3A_167 = arith.cmpi sgt, %shift_right_arithmetic3A_166, %gt3A : vector<16xi32>
        %swap3A = arith.index_cast %scan3A_154 : i32 to index
        %swap3A_168 = tpu.vector_load %arg13[%swap3A] masked %gt3A_167 {strides = array<i32>} : memref<128xi32, #tpu.memory_space<vmem>>, vector<16xi32>, vector<16xi1>
        tpu.vector_store %arg13[%swap3A], %add3A_164 masked %gt3A_167 {strides = array<i32>} : memref<128xi32, #tpu.memory_space<vmem>>, vector<16xi32>, vector<16xi1>
        %eq3A_169 = vector.broadcast %or3A : i32 to vector<16xi32>
        %eq3A_170 = arith.cmpi eq, %shift_right_arithmetic3A_166, %eq3A_169 : vector<16xi32>
        %swap3A_171 = arith.index_cast %scan3A_156 : i32 to index
        %swap3A_172 = tpu.vector_load %arg14[%swap3A_171] masked %eq3A_170 {strides = array<i32>} : memref<528xi32, #tpu.memory_space<vmem>>, vector<16xi32>, vector<16xi1>
        tpu.vector_store %arg14[%swap3A_171], %get3A_160 masked %eq3A_170 {strides = array<i32>} : memref<528xi32, #tpu.memory_space<vmem>>, vector<16xi32>, vector<16xi1>
        %swap3A_173 = arith.index_cast %scan3A_156 : i32 to index
        %swap3A_174 = tpu.vector_load %arg15[%swap3A_173] masked %eq3A_170 {strides = array<i32>} : memref<528xi32, #tpu.memory_space<vmem>>, vector<16xi32>, vector<16xi1>
        tpu.vector_store %arg15[%swap3A_173], %add3A_164 masked %eq3A_170 {strides = array<i32>} : memref<528xi32, #tpu.memory_space<vmem>>, vector<16xi32>, vector<16xi1>
        %convert_element_type3A_175 = arith.extui %eq3A_170 : vector<16xi1> to vector<16xi32>
        %reduce_sum3A = arith.constant true
        %reduce_sum3A_176 = vector.broadcast %reduce_sum3A : i1 to vector<16xi1>
        %reduce_sum3A_177 = tpu.scan <sum>, %convert_element_type3A_175 masked %reduce_sum3A_176 : vector<16xi32>, vector<16xi1> -> vector<16xi32>
        %reduce_sum3A_178 = vector.extract %reduce_sum3A_177[15] : i32 from vector<16xi32>
        %convert_element_type3A_179 = arith.extui %gt3A_167 : vector<16xi1> to vector<16xi32>
        %reduce_sum3A_180 = arith.constant true
        %reduce_sum3A_181 = vector.broadcast %reduce_sum3A_180 : i1 to vector<16xi1>
        %reduce_sum3A_182 = tpu.scan <sum>, %convert_element_type3A_179 masked %reduce_sum3A_181 : vector<16xi32>, vector<16xi1> -> vector<16xi32>
        %reduce_sum3A_183 = vector.extract %reduce_sum3A_182[15] : i32 from vector<16xi32>
        %add3A_184 = arith.addi %scan3A_154, %reduce_sum3A_183 : i32
        %add3A_185 = arith.addi %scan3A_155, %reduce_sum3A_178 : i32
        %add3A_186 = arith.addi %scan3A_156, %reduce_sum3A_178 : i32
        %min3A = arith.constant 512 : i32
        %min3A_187 = arith.minsi %add3A_186, %min3A : i32
        scf.yield %add3A_184, %add3A_185, %min3A_187 : i32, i32, i32
      }
      %scan3A_76 = arith.constant 1250 : i32
      %le3A = arith.constant 512 : i32
      %le3A_77 = arith.cmpi sle, %scan3A_75#1, %le3A : i32
      %convert_element_type3A_78 = arith.extui %le3A_77 : i1 to i32
      %cond3A_79 = arith.constant 0 : i32
      %cond3A_80 = arith.cmpi ne, %convert_element_type3A_78, %cond3A_79 : i32
      scf.if %cond3A_80 {
        %scan3A_153 = arith.constant 0 : i32
        %scan3A_154 = arith.constant 256 : i32
        %scan3A_155 = arith.addi %scan3A_153, %scan3A_154 : i32
        %scan3A_156 = arith.constant 8 : i32
        scf.for %scan3A_216 = %scan3A_153 to %scan3A_155 step %scan3A_156  : i32 {
          %mul3A_217 = arith.constant 1 : i32
          %mul3A_218 = arith.muli %scan3A_216, %mul3A_217 : i32
          %add3A_219 = arith.constant 0 : i32
          %add3A_220 = arith.addi %add3A_219, %mul3A_218 : i32
          %mul3A_221 = arith.constant 16 : i32
          %mul3A_222 = arith.muli %add3A_220, %mul3A_221 : i32
          %swap3A = arith.index_cast %mul3A_222 : i32 to index
          %swap3A_223 = tpu.vector_load %arg10[%swap3A] {strides = array<i32>} : memref<4096xi32, #tpu.memory_space<vmem>>, vector<16xi32>,
          tpu.vector_store %arg10[%swap3A], %broadcast_in_dim3A_3 {strides = array<i32>} : memref<4096xi32, #tpu.memory_space<vmem>>, vector<16xi32>,
          %scan3A_224 = arith.constant 1 : i32
          %scan3A_225 = arith.addi %scan3A_216, %scan3A_224 : i32
          %mul3A_226 = arith.constant 1 : i32
          %mul3A_227 = arith.muli %scan3A_225, %mul3A_226 : i32
          %add3A_228 = arith.constant 0 : i32
          %add3A_229 = arith.addi %add3A_228, %mul3A_227 : i32
          %mul3A_230 = arith.constant 16 : i32
          %mul3A_231 = arith.muli %add3A_229, %mul3A_230 : i32
          %swap3A_232 = arith.index_cast %mul3A_231 : i32 to index
          %swap3A_233 = tpu.vector_load %arg10[%swap3A_232] {strides = array<i32>} : memref<4096xi32, #tpu.memory_space<vmem>>, vector<16xi32>,
          tpu.vector_store %arg10[%swap3A_232], %broadcast_in_dim3A_3 {strides = array<i32>} : memref<4096xi32, #tpu.memory_space<vmem>>, vector<16xi32>,
          %scan3A_234 = arith.constant 2 : i32
          %scan3A_235 = arith.addi %scan3A_216, %scan3A_234 : i32
          %mul3A_236 = arith.constant 1 : i32
          %mul3A_237 = arith.muli %scan3A_235, %mul3A_236 : i32
          %add3A_238 = arith.constant 0 : i32
          %add3A_239 = arith.addi %add3A_238, %mul3A_237 : i32
          %mul3A_240 = arith.constant 16 : i32
          %mul3A_241 = arith.muli %add3A_239, %mul3A_240 : i32
          %swap3A_242 = arith.index_cast %mul3A_241 : i32 to index
          %swap3A_243 = tpu.vector_load %arg10[%swap3A_242] {strides = array<i32>} : memref<4096xi32, #tpu.memory_space<vmem>>, vector<16xi32>,
          tpu.vector_store %arg10[%swap3A_242], %broadcast_in_dim3A_3 {strides = array<i32>} : memref<4096xi32, #tpu.memory_space<vmem>>, vector<16xi32>,
          %scan3A_244 = arith.constant 3 : i32
          %scan3A_245 = arith.addi %scan3A_216, %scan3A_244 : i32
          %mul3A_246 = arith.constant 1 : i32
          %mul3A_247 = arith.muli %scan3A_245, %mul3A_246 : i32
          %add3A_248 = arith.constant 0 : i32
          %add3A_249 = arith.addi %add3A_248, %mul3A_247 : i32
          %mul3A_250 = arith.constant 16 : i32
          %mul3A_251 = arith.muli %add3A_249, %mul3A_250 : i32
          %swap3A_252 = arith.index_cast %mul3A_251 : i32 to index
          %swap3A_253 = tpu.vector_load %arg10[%swap3A_252] {strides = array<i32>} : memref<4096xi32, #tpu.memory_space<vmem>>, vector<16xi32>,
          tpu.vector_store %arg10[%swap3A_252], %broadcast_in_dim3A_3 {strides = array<i32>} : memref<4096xi32, #tpu.memory_space<vmem>>, vector<16xi32>,
          %scan3A_254 = arith.constant 4 : i32
          %scan3A_255 = arith.addi %scan3A_216, %scan3A_254 : i32
          %mul3A_256 = arith.constant 1 : i32
          %mul3A_257 = arith.muli %scan3A_255, %mul3A_256 : i32
          %add3A_258 = arith.constant 0 : i32
          %add3A_259 = arith.addi %add3A_258, %mul3A_257 : i32
          %mul3A_260 = arith.constant 16 : i32
          %mul3A_261 = arith.muli %add3A_259, %mul3A_260 : i32
          %swap3A_262 = arith.index_cast %mul3A_261 : i32 to index
          %swap3A_263 = tpu.vector_load %arg10[%swap3A_262] {strides = array<i32>} : memref<4096xi32, #tpu.memory_space<vmem>>, vector<16xi32>,
          tpu.vector_store %arg10[%swap3A_262], %broadcast_in_dim3A_3 {strides = array<i32>} : memref<4096xi32, #tpu.memory_space<vmem>>, vector<16xi32>,
          %scan3A_264 = arith.constant 5 : i32
          %scan3A_265 = arith.addi %scan3A_216, %scan3A_264 : i32
          %mul3A_266 = arith.constant 1 : i32
          %mul3A_267 = arith.muli %scan3A_265, %mul3A_266 : i32
          %add3A_268 = arith.constant 0 : i32
          %add3A_269 = arith.addi %add3A_268, %mul3A_267 : i32
          %mul3A_270 = arith.constant 16 : i32
          %mul3A_271 = arith.muli %add3A_269, %mul3A_270 : i32
          %swap3A_272 = arith.index_cast %mul3A_271 : i32 to index
          %swap3A_273 = tpu.vector_load %arg10[%swap3A_272] {strides = array<i32>} : memref<4096xi32, #tpu.memory_space<vmem>>, vector<16xi32>,
          tpu.vector_store %arg10[%swap3A_272], %broadcast_in_dim3A_3 {strides = array<i32>} : memref<4096xi32, #tpu.memory_space<vmem>>, vector<16xi32>,
          %scan3A_274 = arith.constant 6 : i32
          %scan3A_275 = arith.addi %scan3A_216, %scan3A_274 : i32
          %mul3A_276 = arith.constant 1 : i32
          %mul3A_277 = arith.muli %scan3A_275, %mul3A_276 : i32
          %add3A_278 = arith.constant 0 : i32
          %add3A_279 = arith.addi %add3A_278, %mul3A_277 : i32
          %mul3A_280 = arith.constant 16 : i32
          %mul3A_281 = arith.muli %add3A_279, %mul3A_280 : i32
          %swap3A_282 = arith.index_cast %mul3A_281 : i32 to index
          %swap3A_283 = tpu.vector_load %arg10[%swap3A_282] {strides = array<i32>} : memref<4096xi32, #tpu.memory_space<vmem>>, vector<16xi32>,
          tpu.vector_store %arg10[%swap3A_282], %broadcast_in_dim3A_3 {strides = array<i32>} : memref<4096xi32, #tpu.memory_space<vmem>>, vector<16xi32>,
          %scan3A_284 = arith.constant 7 : i32
          %scan3A_285 = arith.addi %scan3A_216, %scan3A_284 : i32
          %mul3A_286 = arith.constant 1 : i32
          %mul3A_287 = arith.muli %scan3A_285, %mul3A_286 : i32
          %add3A_288 = arith.constant 0 : i32
          %add3A_289 = arith.addi %add3A_288, %mul3A_287 : i32
          %mul3A_290 = arith.constant 16 : i32
          %mul3A_291 = arith.muli %add3A_289, %mul3A_290 : i32
          %swap3A_292 = arith.index_cast %mul3A_291 : i32 to index
          %swap3A_293 = tpu.vector_load %arg10[%swap3A_292] {strides = array<i32>} : memref<4096xi32, #tpu.memory_space<vmem>>, vector<16xi32>,
          tpu.vector_store %arg10[%swap3A_292], %broadcast_in_dim3A_3 {strides = array<i32>} : memref<4096xi32, #tpu.memory_space<vmem>>, vector<16xi32>,
        }
        %scan3A_157 = arith.constant 256 : i32
        %scan3A_158 = arith.constant 0 : i32
        %scan3A_159 = arith.constant 32 : i32
        %scan3A_160 = arith.addi %scan3A_158, %scan3A_159 : i32
        %scan3A_161 = arith.constant 1 : i32
        scf.for %scan3A_216 = %scan3A_158 to %scan3A_160 step %scan3A_161  : i32 {
          %mul3A_217 = arith.constant 1 : i32
          %mul3A_218 = arith.muli %scan3A_216, %mul3A_217 : i32
          %add3A_219 = arith.constant 0 : i32
          %add3A_220 = arith.addi %add3A_219, %mul3A_218 : i32
          %mul3A_221 = arith.constant 16 : i32
          %mul3A_222 = arith.muli %add3A_220, %mul3A_221 : i32
          %get3A_223 = arith.index_cast %mul3A_222 : i32 to index
          %get3A_224 = tpu.vector_load %arg14[%get3A_223] {strides = array<i32>} : memref<528xi32, #tpu.memory_space<vmem>>, vector<16xi32>,
          %mul3A_225 = arith.constant 16 : i32
          %mul3A_226 = arith.muli %add3A_220, %mul3A_225 : i32
          %add3A_227 = vector.broadcast %mul3A_226 : i32 to vector<16xi32>
          %add3A_228 = arith.addi %iota3A, %add3A_227 : vector<16xi32>
          %lt3A_229 = vector.broadcast %scan3A_75#2 : i32 to vector<16xi32>
          %lt3A_230 = arith.cmpi slt, %add3A_228, %lt3A_229 : vector<16xi32>
          %shift_right_arithmetic3A = arith.constant 8 : i32
          %shift_right_arithmetic3A_231 = vector.broadcast %shift_right_arithmetic3A : i32 to vector<16xi32>
          %shift_right_arithmetic3A_232 = arith.shrsi %get3A_224, %shift_right_arithmetic3A_231 : vector<16xi32>
          %and3A = arith.constant 255 : i32
          %and3A_233 = vector.broadcast %and3A : i32 to vector<16xi32>
          %and3A_234 = arith.andi %shift_right_arithmetic3A_232, %and3A_233 : vector<16xi32>
          %mul3A_235 = arith.constant 16 : i32
          %mul3A_236 = vector.broadcast %mul3A_235 : i32 to vector<16xi32>
          %mul3A_237 = arith.muli %and3A_234, %mul3A_236 : vector<16xi32>
          %add3A_238 = arith.addi %mul3A_237, %iota3A : vector<16xi32>
          tpu.vector_store_idx %arg10[%add3A_238], %broadcast_in_dim3A_5 masked %lt3A_230 {add = true} : memref<4096xi32, #tpu.memory_space<vmem>>[vector<16xi32>], vector<16xi32>, vector<16xi1>
        }
        %scan3A_162 = arith.constant 32 : i32
        %while3A_163 = arith.constant 0 : i32
        %while3A_164 = arith.constant 0 : i32
        %while3A_165 = arith.constant 0 : i32
        %while3A_166 = arith.constant false
        %while3A_167:4 = scf.while (%while3A_216 = %while3A_163, %while3A_217 = %while3A_164, %while3A_218 = %while3A_165, %while3A_219 = %while3A_166) : (i32, i32, i32, i1) -> (i32, i32, i32, i1) {
          %not3A_220 = arith.constant true
          %not3A_221 = arith.xori %while3A_219, %not3A_220 : i1
          %lt3A_222 = arith.constant 256 : i32
          %lt3A_223 = arith.cmpi slt, %while3A_216, %lt3A_222 : i32
          %and3A = arith.andi %not3A_221, %lt3A_223 : i1
          scf.condition(%and3A) %while3A_216, %while3A_217, %while3A_218, %while3A_219 : i32, i32, i32, i1
        } do {
        ^bb0(%while3A_216: i32, %while3A_217: i32, %while3A_218: i32, %while3A_219: i1):
          %sub3A_220 = arith.constant 255 : i32
          %sub3A_221 = arith.subi %sub3A_220, %while3A_216 : i32
          %mul3A_222 = arith.constant 16 : i32
          %mul3A_223 = arith.muli %sub3A_221, %mul3A_222 : i32
          %get3A_224 = arith.index_cast %mul3A_223 : i32 to index
          %get3A_225 = tpu.vector_load %arg10[%get3A_224] {strides = array<i32>} : memref<4096xi32, #tpu.memory_space<vmem>>, vector<16xi32>,
          %reduce_sum3A = arith.constant true
          %reduce_sum3A_226 = vector.broadcast %reduce_sum3A : i1 to vector<16xi1>
          %reduce_sum3A_227 = tpu.scan <sum>, %get3A_225 masked %reduce_sum3A_226 : vector<16xi32>, vector<16xi1> -> vector<16xi32>
          %reduce_sum3A_228 = vector.extract %reduce_sum3A_227[15] : i32 from vector<16xi32>
          %add3A_229 = arith.addi %while3A_217, %reduce_sum3A_228 : i32
          %ge3A = arith.cmpi sge, %add3A_229, %sub3A_49 : i32
          %sub3A_230 = arith.constant 255 : i32
          %sub3A_231 = arith.subi %sub3A_230, %while3A_216 : i32
          %select_n3A = arith.select %ge3A, %sub3A_231, %while3A_218 : i32
          %add3A_232 = arith.addi %while3A_217, %reduce_sum3A_228 : i32
          %select_n3A_233 = arith.select %ge3A, %while3A_217, %add3A_232 : i32
          %add3A_234 = arith.constant 1 : i32
          %add3A_235 = arith.addi %while3A_216, %add3A_234 : i32
          scf.yield %add3A_235, %select_n3A_233, %select_n3A, %ge3A : i32, i32, i32, i1
        }
        %sub3A_168 = arith.subi %sub3A_49, %while3A_167#1 : i32
        %scan3A_169 = arith.constant 0 : i32
        %scan3A_170 = arith.constant 256 : i32
        %scan3A_171 = arith.addi %scan3A_169, %scan3A_170 : i32
        %scan3A_172 = arith.constant 8 : i32
        scf.for %scan3A_216 = %scan3A_169 to %scan3A_171 step %scan3A_172  : i32 {
          %mul3A_217 = arith.constant 1 : i32
          %mul3A_218 = arith.muli %scan3A_216, %mul3A_217 : i32
          %add3A_219 = arith.constant 0 : i32
          %add3A_220 = arith.addi %add3A_219, %mul3A_218 : i32
          %mul3A_221 = arith.constant 16 : i32
          %mul3A_222 = arith.muli %add3A_220, %mul3A_221 : i32
          %swap3A = arith.index_cast %mul3A_222 : i32 to index
          %swap3A_223 = tpu.vector_load %arg10[%swap3A] {strides = array<i32>} : memref<4096xi32, #tpu.memory_space<vmem>>, vector<16xi32>,
          tpu.vector_store %arg10[%swap3A], %broadcast_in_dim3A_3 {strides = array<i32>} : memref<4096xi32, #tpu.memory_space<vmem>>, vector<16xi32>,
          %scan3A_224 = arith.constant 1 : i32
          %scan3A_225 = arith.addi %scan3A_216, %scan3A_224 : i32
          %mul3A_226 = arith.constant 1 : i32
          %mul3A_227 = arith.muli %scan3A_225, %mul3A_226 : i32
          %add3A_228 = arith.constant 0 : i32
          %add3A_229 = arith.addi %add3A_228, %mul3A_227 : i32
          %mul3A_230 = arith.constant 16 : i32
          %mul3A_231 = arith.muli %add3A_229, %mul3A_230 : i32
          %swap3A_232 = arith.index_cast %mul3A_231 : i32 to index
          %swap3A_233 = tpu.vector_load %arg10[%swap3A_232] {strides = array<i32>} : memref<4096xi32, #tpu.memory_space<vmem>>, vector<16xi32>,
          tpu.vector_store %arg10[%swap3A_232], %broadcast_in_dim3A_3 {strides = array<i32>} : memref<4096xi32, #tpu.memory_space<vmem>>, vector<16xi32>,
          %scan3A_234 = arith.constant 2 : i32
          %scan3A_235 = arith.addi %scan3A_216, %scan3A_234 : i32
          %mul3A_236 = arith.constant 1 : i32
          %mul3A_237 = arith.muli %scan3A_235, %mul3A_236 : i32
          %add3A_238 = arith.constant 0 : i32
          %add3A_239 = arith.addi %add3A_238, %mul3A_237 : i32
          %mul3A_240 = arith.constant 16 : i32
          %mul3A_241 = arith.muli %add3A_239, %mul3A_240 : i32
          %swap3A_242 = arith.index_cast %mul3A_241 : i32 to index
          %swap3A_243 = tpu.vector_load %arg10[%swap3A_242] {strides = array<i32>} : memref<4096xi32, #tpu.memory_space<vmem>>, vector<16xi32>,
          tpu.vector_store %arg10[%swap3A_242], %broadcast_in_dim3A_3 {strides = array<i32>} : memref<4096xi32, #tpu.memory_space<vmem>>, vector<16xi32>,
          %scan3A_244 = arith.constant 3 : i32
          %scan3A_245 = arith.addi %scan3A_216, %scan3A_244 : i32
          %mul3A_246 = arith.constant 1 : i32
          %mul3A_247 = arith.muli %scan3A_245, %mul3A_246 : i32
          %add3A_248 = arith.constant 0 : i32
          %add3A_249 = arith.addi %add3A_248, %mul3A_247 : i32
          %mul3A_250 = arith.constant 16 : i32
          %mul3A_251 = arith.muli %add3A_249, %mul3A_250 : i32
          %swap3A_252 = arith.index_cast %mul3A_251 : i32 to index
          %swap3A_253 = tpu.vector_load %arg10[%swap3A_252] {strides = array<i32>} : memref<4096xi32, #tpu.memory_space<vmem>>, vector<16xi32>,
          tpu.vector_store %arg10[%swap3A_252], %broadcast_in_dim3A_3 {strides = array<i32>} : memref<4096xi32, #tpu.memory_space<vmem>>, vector<16xi32>,
          %scan3A_254 = arith.constant 4 : i32
          %scan3A_255 = arith.addi %scan3A_216, %scan3A_254 : i32
          %mul3A_256 = arith.constant 1 : i32
          %mul3A_257 = arith.muli %scan3A_255, %mul3A_256 : i32
          %add3A_258 = arith.constant 0 : i32
          %add3A_259 = arith.addi %add3A_258, %mul3A_257 : i32
          %mul3A_260 = arith.constant 16 : i32
          %mul3A_261 = arith.muli %add3A_259, %mul3A_260 : i32
          %swap3A_262 = arith.index_cast %mul3A_261 : i32 to index
          %swap3A_263 = tpu.vector_load %arg10[%swap3A_262] {strides = array<i32>} : memref<4096xi32, #tpu.memory_space<vmem>>, vector<16xi32>,
          tpu.vector_store %arg10[%swap3A_262], %broadcast_in_dim3A_3 {strides = array<i32>} : memref<4096xi32, #tpu.memory_space<vmem>>, vector<16xi32>,
          %scan3A_264 = arith.constant 5 : i32
          %scan3A_265 = arith.addi %scan3A_216, %scan3A_264 : i32
          %mul3A_266 = arith.constant 1 : i32
          %mul3A_267 = arith.muli %scan3A_265, %mul3A_266 : i32
          %add3A_268 = arith.constant 0 : i32
          %add3A_269 = arith.addi %add3A_268, %mul3A_267 : i32
          %mul3A_270 = arith.constant 16 : i32
          %mul3A_271 = arith.muli %add3A_269, %mul3A_270 : i32
          %swap3A_272 = arith.index_cast %mul3A_271 : i32 to index
          %swap3A_273 = tpu.vector_load %arg10[%swap3A_272] {strides = array<i32>} : memref<4096xi32, #tpu.memory_space<vmem>>, vector<16xi32>,
          tpu.vector_store %arg10[%swap3A_272], %broadcast_in_dim3A_3 {strides = array<i32>} : memref<4096xi32, #tpu.memory_space<vmem>>, vector<16xi32>,
          %scan3A_274 = arith.constant 6 : i32
          %scan3A_275 = arith.addi %scan3A_216, %scan3A_274 : i32
          %mul3A_276 = arith.constant 1 : i32
          %mul3A_277 = arith.muli %scan3A_275, %mul3A_276 : i32
          %add3A_278 = arith.constant 0 : i32
          %add3A_279 = arith.addi %add3A_278, %mul3A_277 : i32
          %mul3A_280 = arith.constant 16 : i32
          %mul3A_281 = arith.muli %add3A_279, %mul3A_280 : i32
          %swap3A_282 = arith.index_cast %mul3A_281 : i32 to index
          %swap3A_283 = tpu.vector_load %arg10[%swap3A_282] {strides = array<i32>} : memref<4096xi32, #tpu.memory_space<vmem>>, vector<16xi32>,
          tpu.vector_store %arg10[%swap3A_282], %broadcast_in_dim3A_3 {strides = array<i32>} : memref<4096xi32, #tpu.memory_space<vmem>>, vector<16xi32>,
          %scan3A_284 = arith.constant 7 : i32
          %scan3A_285 = arith.addi %scan3A_216, %scan3A_284 : i32
          %mul3A_286 = arith.constant 1 : i32
          %mul3A_287 = arith.muli %scan3A_285, %mul3A_286 : i32
          %add3A_288 = arith.constant 0 : i32
          %add3A_289 = arith.addi %add3A_288, %mul3A_287 : i32
          %mul3A_290 = arith.constant 16 : i32
          %mul3A_291 = arith.muli %add3A_289, %mul3A_290 : i32
          %swap3A_292 = arith.index_cast %mul3A_291 : i32 to index
          %swap3A_293 = tpu.vector_load %arg10[%swap3A_292] {strides = array<i32>} : memref<4096xi32, #tpu.memory_space<vmem>>, vector<16xi32>,
          tpu.vector_store %arg10[%swap3A_292], %broadcast_in_dim3A_3 {strides = array<i32>} : memref<4096xi32, #tpu.memory_space<vmem>>, vector<16xi32>,
        }
        %scan3A_173 = arith.constant 256 : i32
        %scan3A_174 = arith.constant 0 : i32
        %scan3A_175 = arith.constant 32 : i32
        %scan3A_176 = arith.addi %scan3A_174, %scan3A_175 : i32
        %scan3A_177 = arith.constant 1 : i32
        scf.for %scan3A_216 = %scan3A_174 to %scan3A_176 step %scan3A_177  : i32 {
          %mul3A_217 = arith.constant 1 : i32
          %mul3A_218 = arith.muli %scan3A_216, %mul3A_217 : i32
          %add3A_219 = arith.constant 0 : i32
          %add3A_220 = arith.addi %add3A_219, %mul3A_218 : i32
          %mul3A_221 = arith.constant 16 : i32
          %mul3A_222 = arith.muli %add3A_220, %mul3A_221 : i32
          %get3A_223 = arith.index_cast %mul3A_222 : i32 to index
          %get3A_224 = tpu.vector_load %arg14[%get3A_223] {strides = array<i32>} : memref<528xi32, #tpu.memory_space<vmem>>, vector<16xi32>,
          %mul3A_225 = arith.constant 16 : i32
          %mul3A_226 = arith.muli %add3A_220, %mul3A_225 : i32
          %add3A_227 = vector.broadcast %mul3A_226 : i32 to vector<16xi32>
          %add3A_228 = arith.addi %iota3A, %add3A_227 : vector<16xi32>
          %lt3A_229 = vector.broadcast %scan3A_75#2 : i32 to vector<16xi32>
          %lt3A_230 = arith.cmpi slt, %add3A_228, %lt3A_229 : vector<16xi32>
          %shift_right_arithmetic3A = arith.constant 8 : i32
          %shift_right_arithmetic3A_231 = vector.broadcast %shift_right_arithmetic3A : i32 to vector<16xi32>
          %shift_right_arithmetic3A_232 = arith.shrsi %get3A_224, %shift_right_arithmetic3A_231 : vector<16xi32>
          %and3A = arith.constant 255 : i32
          %and3A_233 = vector.broadcast %and3A : i32 to vector<16xi32>
          %and3A_234 = arith.andi %shift_right_arithmetic3A_232, %and3A_233 : vector<16xi32>
          %eq3A_235 = vector.broadcast %while3A_167#2 : i32 to vector<16xi32>
          %eq3A_236 = arith.cmpi eq, %and3A_234, %eq3A_235 : vector<16xi32>
          %and3A_237 = arith.andi %lt3A_230, %eq3A_236 : vector<16xi1>
          %and3A_238 = arith.constant 255 : i32
          %and3A_239 = vector.broadcast %and3A_238 : i32 to vector<16xi32>
          %and3A_240 = arith.andi %get3A_224, %and3A_239 : vector<16xi32>
          %mul3A_241 = arith.constant 16 : i32
          %mul3A_242 = vector.broadcast %mul3A_241 : i32 to vector<16xi32>
          %mul3A_243 = arith.muli %and3A_240, %mul3A_242 : vector<16xi32>
          %add3A_244 = arith.addi %mul3A_243, %iota3A : vector<16xi32>
          tpu.vector_store_idx %arg10[%add3A_244], %broadcast_in_dim3A_5 masked %and3A_237 {add = true} : memref<4096xi32, #tpu.memory_space<vmem>>[vector<16xi32>], vector<16xi32>, vector<16xi1>
        }
        %scan3A_178 = arith.constant 32 : i32
        %while3A_179 = arith.constant 0 : i32
        %while3A_180 = arith.constant 0 : i32
        %while3A_181 = arith.constant 0 : i32
        %while3A_182 = arith.constant false
        %while3A_183:4 = scf.while (%while3A_216 = %while3A_179, %while3A_217 = %while3A_180, %while3A_218 = %while3A_181, %while3A_219 = %while3A_182) : (i32, i32, i32, i1) -> (i32, i32, i32, i1) {
          %not3A_220 = arith.constant true
          %not3A_221 = arith.xori %while3A_219, %not3A_220 : i1
          %lt3A_222 = arith.constant 256 : i32
          %lt3A_223 = arith.cmpi slt, %while3A_216, %lt3A_222 : i32
          %and3A = arith.andi %not3A_221, %lt3A_223 : i1
          scf.condition(%and3A) %while3A_216, %while3A_217, %while3A_218, %while3A_219 : i32, i32, i32, i1
        } do {
        ^bb0(%while3A_216: i32, %while3A_217: i32, %while3A_218: i32, %while3A_219: i1):
          %sub3A_220 = arith.constant 255 : i32
          %sub3A_221 = arith.subi %sub3A_220, %while3A_216 : i32
          %mul3A_222 = arith.constant 16 : i32
          %mul3A_223 = arith.muli %sub3A_221, %mul3A_222 : i32
          %get3A_224 = arith.index_cast %mul3A_223 : i32 to index
          %get3A_225 = tpu.vector_load %arg10[%get3A_224] {strides = array<i32>} : memref<4096xi32, #tpu.memory_space<vmem>>, vector<16xi32>,
          %reduce_sum3A = arith.constant true
          %reduce_sum3A_226 = vector.broadcast %reduce_sum3A : i1 to vector<16xi1>
          %reduce_sum3A_227 = tpu.scan <sum>, %get3A_225 masked %reduce_sum3A_226 : vector<16xi32>, vector<16xi1> -> vector<16xi32>
          %reduce_sum3A_228 = vector.extract %reduce_sum3A_227[15] : i32 from vector<16xi32>
          %add3A_229 = arith.addi %while3A_217, %reduce_sum3A_228 : i32
          %ge3A = arith.cmpi sge, %add3A_229, %sub3A_168 : i32
          %sub3A_230 = arith.constant 255 : i32
          %sub3A_231 = arith.subi %sub3A_230, %while3A_216 : i32
          %select_n3A = arith.select %ge3A, %sub3A_231, %while3A_218 : i32
          %add3A_232 = arith.addi %while3A_217, %reduce_sum3A_228 : i32
          %select_n3A_233 = arith.select %ge3A, %while3A_217, %add3A_232 : i32
          %add3A_234 = arith.constant 1 : i32
          %add3A_235 = arith.addi %while3A_216, %add3A_234 : i32
          scf.yield %add3A_235, %select_n3A_233, %select_n3A, %ge3A : i32, i32, i32, i1
        }
        %sub3A_184 = arith.subi %sub3A_168, %while3A_183#1 : i32
        %shift_left3A_185 = arith.constant 16 : i32
        %shift_left3A_186 = arith.shli %or3A, %shift_left3A_185 : i32
        %shift_left3A_187 = arith.constant 8 : i32
        %shift_left3A_188 = arith.shli %while3A_167#2, %shift_left3A_187 : i32
        %or3A_189 = arith.ori %shift_left3A_186, %shift_left3A_188 : i32
        %or3A_190 = arith.ori %or3A_189, %while3A_183#2 : i32
        %sub3A_191 = arith.constant 100 : i32
        %sub3A_192 = arith.subi %sub3A_191, %sub3A_184 : i32
        %scan3A_193 = arith.constant 0 : i32
        %scan3A_194 = arith.constant 0 : i32
        %scan3A_195 = arith.constant 0 : i32
        %scan3A_196 = arith.constant 32 : i32
        %scan3A_197 = arith.addi %scan3A_195, %scan3A_196 : i32
        %scan3A_198 = arith.constant 1 : i32
        %scan3A_199:2 = scf.for %scan3A_216 = %scan3A_195 to %scan3A_197 step %scan3A_198 iter_args(%scan3A_217 = %scan3A_193, %scan3A_218 = %scan3A_194) -> (i32, i32)  : i32 {
          %mul3A_219 = arith.constant 16 : i32
          %mul3A_220 = arith.muli %scan3A_216, %mul3A_219 : i32
          %get3A_221 = arith.index_cast %mul3A_220 : i32 to index
          %get3A_222 = tpu.vector_load %arg14[%get3A_221] {strides = array<i32>} : memref<528xi32, #tpu.memory_space<vmem>>, vector<16xi32>,
          %mul3A_223 = arith.constant 16 : i32
          %mul3A_224 = arith.muli %scan3A_216, %mul3A_223 : i32
          %get3A_225 = arith.index_cast %mul3A_224 : i32 to index
          %get3A_226 = tpu.vector_load %arg15[%get3A_225] {strides = array<i32>} : memref<528xi32, #tpu.memory_space<vmem>>, vector<16xi32>,
          %mul3A_227 = arith.constant 16 : i32
          %mul3A_228 = arith.muli %scan3A_216, %mul3A_227 : i32
          %add3A_229 = vector.broadcast %mul3A_228 : i32 to vector<16xi32>
          %add3A_230 = arith.addi %iota3A, %add3A_229 : vector<16xi32>
          %lt3A_231 = vector.broadcast %scan3A_75#2 : i32 to vector<16xi32>
          %lt3A_232 = arith.cmpi slt, %add3A_230, %lt3A_231 : vector<16xi32>
          %gt3A = vector.broadcast %or3A_190 : i32 to vector<16xi32>
          %gt3A_233 = arith.cmpi sgt, %get3A_222, %gt3A : vector<16xi32>
          %and3A = arith.andi %lt3A_232, %gt3A_233 : vector<16xi1>
          %swap3A = arith.index_cast %scan3A_217 : i32 to index
          %swap3A_234 = tpu.vector_load %arg11[%swap3A] masked %and3A {strides = array<i32>} : memref<128xi32, #tpu.memory_space<vmem>>, vector<16xi32>, vector<16xi1>
          tpu.vector_store %arg11[%swap3A], %get3A_226 masked %and3A {strides = array<i32>} : memref<128xi32, #tpu.memory_space<vmem>>, vector<16xi32>, vector<16xi1>
          %eq3A_235 = vector.broadcast %or3A_190 : i32 to vector<16xi32>
          %eq3A_236 = arith.cmpi eq, %get3A_222, %eq3A_235 : vector<16xi32>
          %and3A_237 = arith.andi %lt3A_232, %eq3A_236 : vector<16xi1>
          %jit3A = arith.constant 1 : i32
          %jit3A_238 = arith.constant 0 : i32
          %broadcast_in_dim3A_239 = vector.broadcast %jit3A : i32 to vector<16xi32>
          %broadcast_in_dim3A_240 = vector.broadcast %jit3A_238 : i32 to vector<16xi32>
          %select_n3A = arith.select %and3A_237, %broadcast_in_dim3A_239, %broadcast_in_dim3A_240 : vector<16xi1>, vector<16xi32>
          %broadcast_in_dim3A_241 = arith.constant true
          %broadcast_in_dim3A_242 = vector.broadcast %broadcast_in_dim3A_241 : i1 to vector<16xi1>
          %masked_cumsum3A = tpu.scan <sum>, %select_n3A masked %broadcast_in_dim3A_242 : vector<16xi32>, vector<16xi1> -> vector<16xi32>
          %add3A_243 = vector.broadcast %scan3A_218 : i32 to vector<16xi32>
          %add3A_244 = arith.addi %add3A_243, %masked_cumsum3A : vector<16xi32>
          %le3A_245 = vector.broadcast %sub3A_184 : i32 to vector<16xi32>
          %le3A_246 = arith.cmpi sle, %add3A_244, %le3A_245 : vector<16xi32>
          %and3A_247 = arith.andi %and3A_237, %le3A_246 : vector<16xi1>
          %swap3A_248 = arith.index_cast %scan3A_218 : i32 to index
          %swap3A_249 = tpu.vector_load %arg12[%swap3A_248] masked %and3A_247 {strides = array<i32>} : memref<128xi32, #tpu.memory_space<vmem>>, vector<16xi32>, vector<16xi1>
          tpu.vector_store %arg12[%swap3A_248], %get3A_226 masked %and3A_247 {strides = array<i32>} : memref<128xi32, #tpu.memory_space<vmem>>, vector<16xi32>, vector<16xi1>
          %convert_element_type3A_250 = arith.extui %and3A : vector<16xi1> to vector<16xi32>
          %reduce_sum3A = arith.constant true
          %reduce_sum3A_251 = vector.broadcast %reduce_sum3A : i1 to vector<16xi1>
          %reduce_sum3A_252 = tpu.scan <sum>, %convert_element_type3A_250 masked %reduce_sum3A_251 : vector<16xi32>, vector<16xi1> -> vector<16xi32>
          %reduce_sum3A_253 = vector.extract %reduce_sum3A_252[15] : i32 from vector<16xi32>
          %add3A_254 = arith.addi %scan3A_217, %reduce_sum3A_253 : i32
          %convert_element_type3A_255 = arith.extui %and3A_247 : vector<16xi1> to vector<16xi32>
          %reduce_sum3A_256 = arith.constant true
          %reduce_sum3A_257 = vector.broadcast %reduce_sum3A_256 : i1 to vector<16xi1>
          %reduce_sum3A_258 = tpu.scan <sum>, %convert_element_type3A_255 masked %reduce_sum3A_257 : vector<16xi32>, vector<16xi1> -> vector<16xi32>
          %reduce_sum3A_259 = vector.extract %reduce_sum3A_258[15] : i32 from vector<16xi32>
          %add3A_260 = arith.addi %scan3A_218, %reduce_sum3A_259 : i32
          scf.yield %add3A_254, %add3A_260 : i32, i32
        }
        %scan3A_200 = arith.constant 32 : i32
        %scan3A_201 = arith.constant 0 : i32
        %scan3A_202 = arith.constant 7 : i32
        %scan3A_203 = arith.addi %scan3A_201, %scan3A_202 : i32
        %scan3A_204 = arith.constant 1 : i32
        scf.for %scan3A_216 = %scan3A_201 to %scan3A_203 step %scan3A_204  : i32 {
          %mul3A_217 = arith.constant 1 : i32
          %mul3A_218 = arith.muli %scan3A_216, %mul3A_217 : i32
          %add3A_219 = arith.constant 0 : i32
          %add3A_220 = arith.addi %add3A_219, %mul3A_218 : i32
          %mul3A_221 = arith.constant 16 : i32
          %mul3A_222 = arith.muli %add3A_220, %mul3A_221 : i32
          %get3A_223 = arith.index_cast %mul3A_222 : i32 to index
          %get3A_224 = tpu.vector_load %arg13[%get3A_223] {strides = array<i32>} : memref<128xi32, #tpu.memory_space<vmem>>, vector<16xi32>,
          %mul3A_225 = arith.constant 16 : i32
          %mul3A_226 = arith.muli %add3A_220, %mul3A_225 : i32
          %swap3A = arith.index_cast %mul3A_226 : i32 to index
          %swap3A_227 = tpu.vector_load %arg16[%swap3A] {strides = array<i32>} : memref<224xi32, #tpu.memory_space<vmem>>, vector<16xi32>,
          tpu.vector_store %arg16[%swap3A], %get3A_224 {strides = array<i32>} : memref<224xi32, #tpu.memory_space<vmem>>, vector<16xi32>,
        }
        %scan3A_205 = arith.constant 7 : i32
        %scan3A_206 = arith.constant 0 : i32
        %scan3A_207 = arith.constant 7 : i32
        %scan3A_208 = arith.addi %scan3A_206, %scan3A_207 : i32
        %scan3A_209 = arith.constant 1 : i32
        scf.for %scan3A_216 = %scan3A_206 to %scan3A_208 step %scan3A_209  : i32 {
          %mul3A_217 = arith.constant 1 : i32
          %mul3A_218 = arith.muli %scan3A_216, %mul3A_217 : i32
          %add3A_219 = arith.constant 0 : i32
          %add3A_220 = arith.addi %add3A_219, %mul3A_218 : i32
          %mul3A_221 = arith.constant 16 : i32
          %mul3A_222 = arith.muli %add3A_220, %mul3A_221 : i32
          %get3A_223 = arith.index_cast %mul3A_222 : i32 to index
          %get3A_224 = tpu.vector_load %arg11[%get3A_223] {strides = array<i32>} : memref<128xi32, #tpu.memory_space<vmem>>, vector<16xi32>,
          %mul3A_225 = arith.constant 16 : i32
          %mul3A_226 = arith.muli %add3A_220, %mul3A_225 : i32
          %add3A_227 = arith.addi %scan3A_75#0, %mul3A_226 : i32
          %swap3A = arith.index_cast %add3A_227 : i32 to index
          %swap3A_228 = tpu.vector_load %arg16[%swap3A] {strides = array<i32>} : memref<224xi32, #tpu.memory_space<vmem>>, vector<16xi32>,
          tpu.vector_store %arg16[%swap3A], %get3A_224 {strides = array<i32>} : memref<224xi32, #tpu.memory_space<vmem>>, vector<16xi32>,
        }
        %scan3A_210 = arith.constant 7 : i32
        %scan3A_211 = arith.constant 0 : i32
        %scan3A_212 = arith.constant 7 : i32
        %scan3A_213 = arith.addi %scan3A_211, %scan3A_212 : i32
        %scan3A_214 = arith.constant 1 : i32
        scf.for %scan3A_216 = %scan3A_211 to %scan3A_213 step %scan3A_214  : i32 {
          %mul3A_217 = arith.constant 1 : i32
          %mul3A_218 = arith.muli %scan3A_216, %mul3A_217 : i32
          %add3A_219 = arith.constant 0 : i32
          %add3A_220 = arith.addi %add3A_219, %mul3A_218 : i32
          %mul3A_221 = arith.constant 16 : i32
          %mul3A_222 = arith.muli %add3A_220, %mul3A_221 : i32
          %get3A_223 = arith.index_cast %mul3A_222 : i32 to index
          %get3A_224 = tpu.vector_load %arg12[%get3A_223] {strides = array<i32>} : memref<128xi32, #tpu.memory_space<vmem>>, vector<16xi32>,
          %mul3A_225 = arith.constant 16 : i32
          %mul3A_226 = arith.muli %add3A_220, %mul3A_225 : i32
          %add3A_227 = arith.addi %sub3A_192, %mul3A_226 : i32
          %swap3A = arith.index_cast %add3A_227 : i32 to index
          %swap3A_228 = tpu.vector_load %arg16[%swap3A] {strides = array<i32>} : memref<224xi32, #tpu.memory_space<vmem>>, vector<16xi32>,
          tpu.vector_store %arg16[%swap3A], %get3A_224 {strides = array<i32>} : memref<224xi32, #tpu.memory_space<vmem>>, vector<16xi32>,
        }
        %scan3A_215 = arith.constant 7 : i32
      } else {
      }
      %not3A = arith.constant true
      %not3A_81 = arith.xori %le3A_77, %not3A : i1
      %convert_element_type3A_82 = arith.extui %not3A_81 : i1 to i32
      %cond3A_83 = arith.constant 0 : i32
      %cond3A_84 = arith.cmpi ne, %convert_element_type3A_82, %cond3A_83 : i32
      scf.if %cond3A_84 {
        %scan3A_153 = arith.constant 0 : i32
        %scan3A_154 = arith.constant 256 : i32
        %scan3A_155 = arith.addi %scan3A_153, %scan3A_154 : i32
        %scan3A_156 = arith.constant 8 : i32
        scf.for %scan3A_211 = %scan3A_153 to %scan3A_155 step %scan3A_156  : i32 {
          %mul3A_212 = arith.constant 1 : i32
          %mul3A_213 = arith.muli %scan3A_211, %mul3A_212 : i32
          %add3A_214 = arith.constant 0 : i32
          %add3A_215 = arith.addi %add3A_214, %mul3A_213 : i32
          %mul3A_216 = arith.constant 16 : i32
          %mul3A_217 = arith.muli %add3A_215, %mul3A_216 : i32
          %swap3A = arith.index_cast %mul3A_217 : i32 to index
          %swap3A_218 = tpu.vector_load %arg10[%swap3A] {strides = array<i32>} : memref<4096xi32, #tpu.memory_space<vmem>>, vector<16xi32>,
          tpu.vector_store %arg10[%swap3A], %broadcast_in_dim3A_3 {strides = array<i32>} : memref<4096xi32, #tpu.memory_space<vmem>>, vector<16xi32>,
          %scan3A_219 = arith.constant 1 : i32
          %scan3A_220 = arith.addi %scan3A_211, %scan3A_219 : i32
          %mul3A_221 = arith.constant 1 : i32
          %mul3A_222 = arith.muli %scan3A_220, %mul3A_221 : i32
          %add3A_223 = arith.constant 0 : i32
          %add3A_224 = arith.addi %add3A_223, %mul3A_222 : i32
          %mul3A_225 = arith.constant 16 : i32
          %mul3A_226 = arith.muli %add3A_224, %mul3A_225 : i32
          %swap3A_227 = arith.index_cast %mul3A_226 : i32 to index
          %swap3A_228 = tpu.vector_load %arg10[%swap3A_227] {strides = array<i32>} : memref<4096xi32, #tpu.memory_space<vmem>>, vector<16xi32>,
          tpu.vector_store %arg10[%swap3A_227], %broadcast_in_dim3A_3 {strides = array<i32>} : memref<4096xi32, #tpu.memory_space<vmem>>, vector<16xi32>,
          %scan3A_229 = arith.constant 2 : i32
          %scan3A_230 = arith.addi %scan3A_211, %scan3A_229 : i32
          %mul3A_231 = arith.constant 1 : i32
          %mul3A_232 = arith.muli %scan3A_230, %mul3A_231 : i32
          %add3A_233 = arith.constant 0 : i32
          %add3A_234 = arith.addi %add3A_233, %mul3A_232 : i32
          %mul3A_235 = arith.constant 16 : i32
          %mul3A_236 = arith.muli %add3A_234, %mul3A_235 : i32
          %swap3A_237 = arith.index_cast %mul3A_236 : i32 to index
          %swap3A_238 = tpu.vector_load %arg10[%swap3A_237] {strides = array<i32>} : memref<4096xi32, #tpu.memory_space<vmem>>, vector<16xi32>,
          tpu.vector_store %arg10[%swap3A_237], %broadcast_in_dim3A_3 {strides = array<i32>} : memref<4096xi32, #tpu.memory_space<vmem>>, vector<16xi32>,
          %scan3A_239 = arith.constant 3 : i32
          %scan3A_240 = arith.addi %scan3A_211, %scan3A_239 : i32
          %mul3A_241 = arith.constant 1 : i32
          %mul3A_242 = arith.muli %scan3A_240, %mul3A_241 : i32
          %add3A_243 = arith.constant 0 : i32
          %add3A_244 = arith.addi %add3A_243, %mul3A_242 : i32
          %mul3A_245 = arith.constant 16 : i32
          %mul3A_246 = arith.muli %add3A_244, %mul3A_245 : i32
          %swap3A_247 = arith.index_cast %mul3A_246 : i32 to index
          %swap3A_248 = tpu.vector_load %arg10[%swap3A_247] {strides = array<i32>} : memref<4096xi32, #tpu.memory_space<vmem>>, vector<16xi32>,
          tpu.vector_store %arg10[%swap3A_247], %broadcast_in_dim3A_3 {strides = array<i32>} : memref<4096xi32, #tpu.memory_space<vmem>>, vector<16xi32>,
          %scan3A_249 = arith.constant 4 : i32
          %scan3A_250 = arith.addi %scan3A_211, %scan3A_249 : i32
          %mul3A_251 = arith.constant 1 : i32
          %mul3A_252 = arith.muli %scan3A_250, %mul3A_251 : i32
          %add3A_253 = arith.constant 0 : i32
          %add3A_254 = arith.addi %add3A_253, %mul3A_252 : i32
          %mul3A_255 = arith.constant 16 : i32
          %mul3A_256 = arith.muli %add3A_254, %mul3A_255 : i32
          %swap3A_257 = arith.index_cast %mul3A_256 : i32 to index
          %swap3A_258 = tpu.vector_load %arg10[%swap3A_257] {strides = array<i32>} : memref<4096xi32, #tpu.memory_space<vmem>>, vector<16xi32>,
          tpu.vector_store %arg10[%swap3A_257], %broadcast_in_dim3A_3 {strides = array<i32>} : memref<4096xi32, #tpu.memory_space<vmem>>, vector<16xi32>,
          %scan3A_259 = arith.constant 5 : i32
          %scan3A_260 = arith.addi %scan3A_211, %scan3A_259 : i32
          %mul3A_261 = arith.constant 1 : i32
          %mul3A_262 = arith.muli %scan3A_260, %mul3A_261 : i32
          %add3A_263 = arith.constant 0 : i32
          %add3A_264 = arith.addi %add3A_263, %mul3A_262 : i32
          %mul3A_265 = arith.constant 16 : i32
          %mul3A_266 = arith.muli %add3A_264, %mul3A_265 : i32
          %swap3A_267 = arith.index_cast %mul3A_266 : i32 to index
          %swap3A_268 = tpu.vector_load %arg10[%swap3A_267] {strides = array<i32>} : memref<4096xi32, #tpu.memory_space<vmem>>, vector<16xi32>,
          tpu.vector_store %arg10[%swap3A_267], %broadcast_in_dim3A_3 {strides = array<i32>} : memref<4096xi32, #tpu.memory_space<vmem>>, vector<16xi32>,
          %scan3A_269 = arith.constant 6 : i32
          %scan3A_270 = arith.addi %scan3A_211, %scan3A_269 : i32
          %mul3A_271 = arith.constant 1 : i32
          %mul3A_272 = arith.muli %scan3A_270, %mul3A_271 : i32
          %add3A_273 = arith.constant 0 : i32
          %add3A_274 = arith.addi %add3A_273, %mul3A_272 : i32
          %mul3A_275 = arith.constant 16 : i32
          %mul3A_276 = arith.muli %add3A_274, %mul3A_275 : i32
          %swap3A_277 = arith.index_cast %mul3A_276 : i32 to index
          %swap3A_278 = tpu.vector_load %arg10[%swap3A_277] {strides = array<i32>} : memref<4096xi32, #tpu.memory_space<vmem>>, vector<16xi32>,
          tpu.vector_store %arg10[%swap3A_277], %broadcast_in_dim3A_3 {strides = array<i32>} : memref<4096xi32, #tpu.memory_space<vmem>>, vector<16xi32>,
          %scan3A_279 = arith.constant 7 : i32
          %scan3A_280 = arith.addi %scan3A_211, %scan3A_279 : i32
          %mul3A_281 = arith.constant 1 : i32
          %mul3A_282 = arith.muli %scan3A_280, %mul3A_281 : i32
          %add3A_283 = arith.constant 0 : i32
          %add3A_284 = arith.addi %add3A_283, %mul3A_282 : i32
          %mul3A_285 = arith.constant 16 : i32
          %mul3A_286 = arith.muli %add3A_284, %mul3A_285 : i32
          %swap3A_287 = arith.index_cast %mul3A_286 : i32 to index
          %swap3A_288 = tpu.vector_load %arg10[%swap3A_287] {strides = array<i32>} : memref<4096xi32, #tpu.memory_space<vmem>>, vector<16xi32>,
          tpu.vector_store %arg10[%swap3A_287], %broadcast_in_dim3A_3 {strides = array<i32>} : memref<4096xi32, #tpu.memory_space<vmem>>, vector<16xi32>,
        }
        %scan3A_157 = arith.constant 256 : i32
        %scan3A_158 = arith.constant 0 : i32
        %scan3A_159 = arith.constant 1250 : i32
        %scan3A_160 = arith.addi %scan3A_158, %scan3A_159 : i32
        %scan3A_161 = arith.constant 1 : i32
        scf.for %scan3A_211 = %scan3A_158 to %scan3A_160 step %scan3A_161  : i32 {
          %mul3A_212 = arith.constant 1 : i32
          %mul3A_213 = arith.muli %scan3A_211, %mul3A_212 : i32
          %add3A_214 = arith.constant 0 : i32
          %add3A_215 = arith.addi %add3A_214, %mul3A_213 : i32
          %mul3A_216 = arith.constant 16 : i32
          %mul3A_217 = arith.muli %add3A_215, %mul3A_216 : i32
          %get3A_218 = arith.index_cast %mul3A_217 : i32 to index
          %get3A_219 = tpu.vector_load %arg7[%get3A_218] {strides = array<i32>} : memref<20000xi32, #tpu.memory_space<vmem>>, vector<16xi32>,
          %shift_right_arithmetic3A = arith.constant 16 : i32
          %shift_right_arithmetic3A_220 = vector.broadcast %shift_right_arithmetic3A : i32 to vector<16xi32>
          %shift_right_arithmetic3A_221 = arith.shrsi %get3A_219, %shift_right_arithmetic3A_220 : vector<16xi32>
          %eq3A_222 = vector.broadcast %or3A : i32 to vector<16xi32>
          %eq3A_223 = arith.cmpi eq, %shift_right_arithmetic3A_221, %eq3A_222 : vector<16xi32>
          %shift_right_arithmetic3A_224 = arith.constant 8 : i32
          %shift_right_arithmetic3A_225 = vector.broadcast %shift_right_arithmetic3A_224 : i32 to vector<16xi32>
          %shift_right_arithmetic3A_226 = arith.shrsi %get3A_219, %shift_right_arithmetic3A_225 : vector<16xi32>
          %and3A = arith.constant 255 : i32
          %and3A_227 = vector.broadcast %and3A : i32 to vector<16xi32>
          %and3A_228 = arith.andi %shift_right_arithmetic3A_226, %and3A_227 : vector<16xi32>
          %mul3A_229 = arith.constant 16 : i32
          %mul3A_230 = vector.broadcast %mul3A_229 : i32 to vector<16xi32>
          %mul3A_231 = arith.muli %and3A_228, %mul3A_230 : vector<16xi32>
          %add3A_232 = arith.addi %mul3A_231, %iota3A : vector<16xi32>
          tpu.vector_store_idx %arg10[%add3A_232], %broadcast_in_dim3A_5 masked %eq3A_223 {add = true} : memref<4096xi32, #tpu.memory_space<vmem>>[vector<16xi32>], vector<16xi32>, vector<16xi1>
        }
        %scan3A_162 = arith.constant 1250 : i32
        %while3A_163 = arith.constant 0 : i32
        %while3A_164 = arith.constant 0 : i32
        %while3A_165 = arith.constant 0 : i32
        %while3A_166 = arith.constant false
        %while3A_167:4 = scf.while (%while3A_211 = %while3A_163, %while3A_212 = %while3A_164, %while3A_213 = %while3A_165, %while3A_214 = %while3A_166) : (i32, i32, i32, i1) -> (i32, i32, i32, i1) {
          %not3A_215 = arith.constant true
          %not3A_216 = arith.xori %while3A_214, %not3A_215 : i1
          %lt3A_217 = arith.constant 256 : i32
          %lt3A_218 = arith.cmpi slt, %while3A_211, %lt3A_217 : i32
          %and3A = arith.andi %not3A_216, %lt3A_218 : i1
          scf.condition(%and3A) %while3A_211, %while3A_212, %while3A_213, %while3A_214 : i32, i32, i32, i1
        } do {
        ^bb0(%while3A_211: i32, %while3A_212: i32, %while3A_213: i32, %while3A_214: i1):
          %sub3A_215 = arith.constant 255 : i32
          %sub3A_216 = arith.subi %sub3A_215, %while3A_211 : i32
          %mul3A_217 = arith.constant 16 : i32
          %mul3A_218 = arith.muli %sub3A_216, %mul3A_217 : i32
          %get3A_219 = arith.index_cast %mul3A_218 : i32 to index
          %get3A_220 = tpu.vector_load %arg10[%get3A_219] {strides = array<i32>} : memref<4096xi32, #tpu.memory_space<vmem>>, vector<16xi32>,
          %reduce_sum3A = arith.constant true
          %reduce_sum3A_221 = vector.broadcast %reduce_sum3A : i1 to vector<16xi1>
          %reduce_sum3A_222 = tpu.scan <sum>, %get3A_220 masked %reduce_sum3A_221 : vector<16xi32>, vector<16xi1> -> vector<16xi32>
          %reduce_sum3A_223 = vector.extract %reduce_sum3A_222[15] : i32 from vector<16xi32>
          %add3A_224 = arith.addi %while3A_212, %reduce_sum3A_223 : i32
          %ge3A = arith.cmpi sge, %add3A_224, %sub3A_49 : i32
          %sub3A_225 = arith.constant 255 : i32
          %sub3A_226 = arith.subi %sub3A_225, %while3A_211 : i32
          %select_n3A = arith.select %ge3A, %sub3A_226, %while3A_213 : i32
          %add3A_227 = arith.addi %while3A_212, %reduce_sum3A_223 : i32
          %select_n3A_228 = arith.select %ge3A, %while3A_212, %add3A_227 : i32
          %add3A_229 = arith.constant 1 : i32
          %add3A_230 = arith.addi %while3A_211, %add3A_229 : i32
          scf.yield %add3A_230, %select_n3A_228, %select_n3A, %ge3A : i32, i32, i32, i1
        }
        %sub3A_168 = arith.subi %sub3A_49, %while3A_167#1 : i32
        %scan3A_169 = arith.constant 0 : i32
        %scan3A_170 = arith.constant 256 : i32
        %scan3A_171 = arith.addi %scan3A_169, %scan3A_170 : i32
        %scan3A_172 = arith.constant 8 : i32
        scf.for %scan3A_211 = %scan3A_169 to %scan3A_171 step %scan3A_172  : i32 {
          %mul3A_212 = arith.constant 1 : i32
          %mul3A_213 = arith.muli %scan3A_211, %mul3A_212 : i32
          %add3A_214 = arith.constant 0 : i32
          %add3A_215 = arith.addi %add3A_214, %mul3A_213 : i32
          %mul3A_216 = arith.constant 16 : i32
          %mul3A_217 = arith.muli %add3A_215, %mul3A_216 : i32
          %swap3A = arith.index_cast %mul3A_217 : i32 to index
          %swap3A_218 = tpu.vector_load %arg10[%swap3A] {strides = array<i32>} : memref<4096xi32, #tpu.memory_space<vmem>>, vector<16xi32>,
          tpu.vector_store %arg10[%swap3A], %broadcast_in_dim3A_3 {strides = array<i32>} : memref<4096xi32, #tpu.memory_space<vmem>>, vector<16xi32>,
          %scan3A_219 = arith.constant 1 : i32
          %scan3A_220 = arith.addi %scan3A_211, %scan3A_219 : i32
          %mul3A_221 = arith.constant 1 : i32
          %mul3A_222 = arith.muli %scan3A_220, %mul3A_221 : i32
          %add3A_223 = arith.constant 0 : i32
          %add3A_224 = arith.addi %add3A_223, %mul3A_222 : i32
          %mul3A_225 = arith.constant 16 : i32
          %mul3A_226 = arith.muli %add3A_224, %mul3A_225 : i32
          %swap3A_227 = arith.index_cast %mul3A_226 : i32 to index
          %swap3A_228 = tpu.vector_load %arg10[%swap3A_227] {strides = array<i32>} : memref<4096xi32, #tpu.memory_space<vmem>>, vector<16xi32>,
          tpu.vector_store %arg10[%swap3A_227], %broadcast_in_dim3A_3 {strides = array<i32>} : memref<4096xi32, #tpu.memory_space<vmem>>, vector<16xi32>,
          %scan3A_229 = arith.constant 2 : i32
          %scan3A_230 = arith.addi %scan3A_211, %scan3A_229 : i32
          %mul3A_231 = arith.constant 1 : i32
          %mul3A_232 = arith.muli %scan3A_230, %mul3A_231 : i32
          %add3A_233 = arith.constant 0 : i32
          %add3A_234 = arith.addi %add3A_233, %mul3A_232 : i32
          %mul3A_235 = arith.constant 16 : i32
          %mul3A_236 = arith.muli %add3A_234, %mul3A_235 : i32
          %swap3A_237 = arith.index_cast %mul3A_236 : i32 to index
          %swap3A_238 = tpu.vector_load %arg10[%swap3A_237] {strides = array<i32>} : memref<4096xi32, #tpu.memory_space<vmem>>, vector<16xi32>,
          tpu.vector_store %arg10[%swap3A_237], %broadcast_in_dim3A_3 {strides = array<i32>} : memref<4096xi32, #tpu.memory_space<vmem>>, vector<16xi32>,
          %scan3A_239 = arith.constant 3 : i32
          %scan3A_240 = arith.addi %scan3A_211, %scan3A_239 : i32
          %mul3A_241 = arith.constant 1 : i32
          %mul3A_242 = arith.muli %scan3A_240, %mul3A_241 : i32
          %add3A_243 = arith.constant 0 : i32
          %add3A_244 = arith.addi %add3A_243, %mul3A_242 : i32
          %mul3A_245 = arith.constant 16 : i32
          %mul3A_246 = arith.muli %add3A_244, %mul3A_245 : i32
          %swap3A_247 = arith.index_cast %mul3A_246 : i32 to index
          %swap3A_248 = tpu.vector_load %arg10[%swap3A_247] {strides = array<i32>} : memref<4096xi32, #tpu.memory_space<vmem>>, vector<16xi32>,
          tpu.vector_store %arg10[%swap3A_247], %broadcast_in_dim3A_3 {strides = array<i32>} : memref<4096xi32, #tpu.memory_space<vmem>>, vector<16xi32>,
          %scan3A_249 = arith.constant 4 : i32
          %scan3A_250 = arith.addi %scan3A_211, %scan3A_249 : i32
          %mul3A_251 = arith.constant 1 : i32
          %mul3A_252 = arith.muli %scan3A_250, %mul3A_251 : i32
          %add3A_253 = arith.constant 0 : i32
          %add3A_254 = arith.addi %add3A_253, %mul3A_252 : i32
          %mul3A_255 = arith.constant 16 : i32
          %mul3A_256 = arith.muli %add3A_254, %mul3A_255 : i32
          %swap3A_257 = arith.index_cast %mul3A_256 : i32 to index
          %swap3A_258 = tpu.vector_load %arg10[%swap3A_257] {strides = array<i32>} : memref<4096xi32, #tpu.memory_space<vmem>>, vector<16xi32>,
          tpu.vector_store %arg10[%swap3A_257], %broadcast_in_dim3A_3 {strides = array<i32>} : memref<4096xi32, #tpu.memory_space<vmem>>, vector<16xi32>,
          %scan3A_259 = arith.constant 5 : i32
          %scan3A_260 = arith.addi %scan3A_211, %scan3A_259 : i32
          %mul3A_261 = arith.constant 1 : i32
          %mul3A_262 = arith.muli %scan3A_260, %mul3A_261 : i32
          %add3A_263 = arith.constant 0 : i32
          %add3A_264 = arith.addi %add3A_263, %mul3A_262 : i32
          %mul3A_265 = arith.constant 16 : i32
          %mul3A_266 = arith.muli %add3A_264, %mul3A_265 : i32
          %swap3A_267 = arith.index_cast %mul3A_266 : i32 to index
          %swap3A_268 = tpu.vector_load %arg10[%swap3A_267] {strides = array<i32>} : memref<4096xi32, #tpu.memory_space<vmem>>, vector<16xi32>,
          tpu.vector_store %arg10[%swap3A_267], %broadcast_in_dim3A_3 {strides = array<i32>} : memref<4096xi32, #tpu.memory_space<vmem>>, vector<16xi32>,
          %scan3A_269 = arith.constant 6 : i32
          %scan3A_270 = arith.addi %scan3A_211, %scan3A_269 : i32
          %mul3A_271 = arith.constant 1 : i32
          %mul3A_272 = arith.muli %scan3A_270, %mul3A_271 : i32
          %add3A_273 = arith.constant 0 : i32
          %add3A_274 = arith.addi %add3A_273, %mul3A_272 : i32
          %mul3A_275 = arith.constant 16 : i32
          %mul3A_276 = arith.muli %add3A_274, %mul3A_275 : i32
          %swap3A_277 = arith.index_cast %mul3A_276 : i32 to index
          %swap3A_278 = tpu.vector_load %arg10[%swap3A_277] {strides = array<i32>} : memref<4096xi32, #tpu.memory_space<vmem>>, vector<16xi32>,
          tpu.vector_store %arg10[%swap3A_277], %broadcast_in_dim3A_3 {strides = array<i32>} : memref<4096xi32, #tpu.memory_space<vmem>>, vector<16xi32>,
          %scan3A_279 = arith.constant 7 : i32
          %scan3A_280 = arith.addi %scan3A_211, %scan3A_279 : i32
          %mul3A_281 = arith.constant 1 : i32
          %mul3A_282 = arith.muli %scan3A_280, %mul3A_281 : i32
          %add3A_283 = arith.constant 0 : i32
          %add3A_284 = arith.addi %add3A_283, %mul3A_282 : i32
          %mul3A_285 = arith.constant 16 : i32
          %mul3A_286 = arith.muli %add3A_284, %mul3A_285 : i32
          %swap3A_287 = arith.index_cast %mul3A_286 : i32 to index
          %swap3A_288 = tpu.vector_load %arg10[%swap3A_287] {strides = array<i32>} : memref<4096xi32, #tpu.memory_space<vmem>>, vector<16xi32>,
          tpu.vector_store %arg10[%swap3A_287], %broadcast_in_dim3A_3 {strides = array<i32>} : memref<4096xi32, #tpu.memory_space<vmem>>, vector<16xi32>,
        }
        %scan3A_173 = arith.constant 256 : i32
        %scan3A_174 = arith.constant 0 : i32
        %scan3A_175 = arith.constant 1250 : i32
        %scan3A_176 = arith.addi %scan3A_174, %scan3A_175 : i32
        %scan3A_177 = arith.constant 1 : i32
        scf.for %scan3A_211 = %scan3A_174 to %scan3A_176 step %scan3A_177  : i32 {
          %mul3A_212 = arith.constant 1 : i32
          %mul3A_213 = arith.muli %scan3A_211, %mul3A_212 : i32
          %add3A_214 = arith.constant 0 : i32
          %add3A_215 = arith.addi %add3A_214, %mul3A_213 : i32
          %mul3A_216 = arith.constant 16 : i32
          %mul3A_217 = arith.muli %add3A_215, %mul3A_216 : i32
          %get3A_218 = arith.index_cast %mul3A_217 : i32 to index
          %get3A_219 = tpu.vector_load %arg7[%get3A_218] {strides = array<i32>} : memref<20000xi32, #tpu.memory_space<vmem>>, vector<16xi32>,
          %shift_right_arithmetic3A = arith.constant 16 : i32
          %shift_right_arithmetic3A_220 = vector.broadcast %shift_right_arithmetic3A : i32 to vector<16xi32>
          %shift_right_arithmetic3A_221 = arith.shrsi %get3A_219, %shift_right_arithmetic3A_220 : vector<16xi32>
          %eq3A_222 = vector.broadcast %or3A : i32 to vector<16xi32>
          %eq3A_223 = arith.cmpi eq, %shift_right_arithmetic3A_221, %eq3A_222 : vector<16xi32>
          %shift_right_arithmetic3A_224 = arith.constant 8 : i32
          %shift_right_arithmetic3A_225 = vector.broadcast %shift_right_arithmetic3A_224 : i32 to vector<16xi32>
          %shift_right_arithmetic3A_226 = arith.shrsi %get3A_219, %shift_right_arithmetic3A_225 : vector<16xi32>
          %and3A = arith.constant 255 : i32
          %and3A_227 = vector.broadcast %and3A : i32 to vector<16xi32>
          %and3A_228 = arith.andi %shift_right_arithmetic3A_226, %and3A_227 : vector<16xi32>
          %eq3A_229 = vector.broadcast %while3A_167#2 : i32 to vector<16xi32>
          %eq3A_230 = arith.cmpi eq, %and3A_228, %eq3A_229 : vector<16xi32>
          %and3A_231 = arith.andi %eq3A_223, %eq3A_230 : vector<16xi1>
          %and3A_232 = arith.constant 255 : i32
          %and3A_233 = vector.broadcast %and3A_232 : i32 to vector<16xi32>
          %and3A_234 = arith.andi %get3A_219, %and3A_233 : vector<16xi32>
          %mul3A_235 = arith.constant 16 : i32
          %mul3A_236 = vector.broadcast %mul3A_235 : i32 to vector<16xi32>
          %mul3A_237 = arith.muli %and3A_234, %mul3A_236 : vector<16xi32>
          %add3A_238 = arith.addi %mul3A_237, %iota3A : vector<16xi32>
          tpu.vector_store_idx %arg10[%add3A_238], %broadcast_in_dim3A_5 masked %and3A_231 {add = true} : memref<4096xi32, #tpu.memory_space<vmem>>[vector<16xi32>], vector<16xi32>, vector<16xi1>
        }
        %scan3A_178 = arith.constant 1250 : i32
        %while3A_179 = arith.constant 0 : i32
        %while3A_180 = arith.constant 0 : i32
        %while3A_181 = arith.constant 0 : i32
        %while3A_182 = arith.constant false
        %while3A_183:4 = scf.while (%while3A_211 = %while3A_179, %while3A_212 = %while3A_180, %while3A_213 = %while3A_181, %while3A_214 = %while3A_182) : (i32, i32, i32, i1) -> (i32, i32, i32, i1) {
          %not3A_215 = arith.constant true
          %not3A_216 = arith.xori %while3A_214, %not3A_215 : i1
          %lt3A_217 = arith.constant 256 : i32
          %lt3A_218 = arith.cmpi slt, %while3A_211, %lt3A_217 : i32
          %and3A = arith.andi %not3A_216, %lt3A_218 : i1
          scf.condition(%and3A) %while3A_211, %while3A_212, %while3A_213, %while3A_214 : i32, i32, i32, i1
        } do {
        ^bb0(%while3A_211: i32, %while3A_212: i32, %while3A_213: i32, %while3A_214: i1):
          %sub3A_215 = arith.constant 255 : i32
          %sub3A_216 = arith.subi %sub3A_215, %while3A_211 : i32
          %mul3A_217 = arith.constant 16 : i32
          %mul3A_218 = arith.muli %sub3A_216, %mul3A_217 : i32
          %get3A_219 = arith.index_cast %mul3A_218 : i32 to index
          %get3A_220 = tpu.vector_load %arg10[%get3A_219] {strides = array<i32>} : memref<4096xi32, #tpu.memory_space<vmem>>, vector<16xi32>,
          %reduce_sum3A = arith.constant true
          %reduce_sum3A_221 = vector.broadcast %reduce_sum3A : i1 to vector<16xi1>
          %reduce_sum3A_222 = tpu.scan <sum>, %get3A_220 masked %reduce_sum3A_221 : vector<16xi32>, vector<16xi1> -> vector<16xi32>
          %reduce_sum3A_223 = vector.extract %reduce_sum3A_222[15] : i32 from vector<16xi32>
          %add3A_224 = arith.addi %while3A_212, %reduce_sum3A_223 : i32
          %ge3A = arith.cmpi sge, %add3A_224, %sub3A_168 : i32
          %sub3A_225 = arith.constant 255 : i32
          %sub3A_226 = arith.subi %sub3A_225, %while3A_211 : i32
          %select_n3A = arith.select %ge3A, %sub3A_226, %while3A_213 : i32
          %add3A_227 = arith.addi %while3A_212, %reduce_sum3A_223 : i32
          %select_n3A_228 = arith.select %ge3A, %while3A_212, %add3A_227 : i32
          %add3A_229 = arith.constant 1 : i32
          %add3A_230 = arith.addi %while3A_211, %add3A_229 : i32
          scf.yield %add3A_230, %select_n3A_228, %select_n3A, %ge3A : i32, i32, i32, i1
        }
        %sub3A_184 = arith.subi %sub3A_168, %while3A_183#1 : i32
        %shift_left3A_185 = arith.constant 16 : i32
        %shift_left3A_186 = arith.shli %or3A, %shift_left3A_185 : i32
        %shift_left3A_187 = arith.constant 8 : i32
        %shift_left3A_188 = arith.shli %while3A_167#2, %shift_left3A_187 : i32
        %or3A_189 = arith.ori %shift_left3A_186, %shift_left3A_188 : i32
        %or3A_190 = arith.ori %or3A_189, %while3A_183#2 : i32
        %sub3A_191 = arith.constant 100 : i32
        %sub3A_192 = arith.subi %sub3A_191, %sub3A_184 : i32
        %scan3A_193 = arith.constant 0 : i32
        %scan3A_194 = arith.constant 0 : i32
        %scan3A_195 = arith.constant 0 : i32
        %scan3A_196 = arith.constant 1250 : i32
        %scan3A_197 = arith.addi %scan3A_195, %scan3A_196 : i32
        %scan3A_198 = arith.constant 1 : i32
        %scan3A_199:2 = scf.for %scan3A_211 = %scan3A_195 to %scan3A_197 step %scan3A_198 iter_args(%scan3A_212 = %scan3A_193, %scan3A_213 = %scan3A_194) -> (i32, i32)  : i32 {
          %mul3A_214 = arith.constant 16 : i32
          %mul3A_215 = arith.muli %scan3A_211, %mul3A_214 : i32
          %get3A_216 = arith.index_cast %mul3A_215 : i32 to index
          %get3A_217 = tpu.vector_load %arg7[%get3A_216] {strides = array<i32>} : memref<20000xi32, #tpu.memory_space<vmem>>, vector<16xi32>,
          %mul3A_218 = arith.constant 16 : i32
          %mul3A_219 = arith.muli %scan3A_211, %mul3A_218 : i32
          %add3A_220 = vector.broadcast %mul3A_219 : i32 to vector<16xi32>
          %add3A_221 = arith.addi %iota3A, %add3A_220 : vector<16xi32>
          %gt3A = vector.broadcast %or3A_190 : i32 to vector<16xi32>
          %gt3A_222 = arith.cmpi sgt, %get3A_217, %gt3A : vector<16xi32>
          %swap3A = arith.index_cast %scan3A_212 : i32 to index
          %swap3A_223 = tpu.vector_load %arg11[%swap3A] masked %gt3A_222 {strides = array<i32>} : memref<128xi32, #tpu.memory_space<vmem>>, vector<16xi32>, vector<16xi1>
          tpu.vector_store %arg11[%swap3A], %add3A_221 masked %gt3A_222 {strides = array<i32>} : memref<128xi32, #tpu.memory_space<vmem>>, vector<16xi32>, vector<16xi1>
          %eq3A_224 = vector.broadcast %or3A_190 : i32 to vector<16xi32>
          %eq3A_225 = arith.cmpi eq, %get3A_217, %eq3A_224 : vector<16xi32>
          %jit3A = arith.constant 1 : i32
          %jit3A_226 = arith.constant 0 : i32
          %broadcast_in_dim3A_227 = vector.broadcast %jit3A : i32 to vector<16xi32>
          %broadcast_in_dim3A_228 = vector.broadcast %jit3A_226 : i32 to vector<16xi32>
          %select_n3A = arith.select %eq3A_225, %broadcast_in_dim3A_227, %broadcast_in_dim3A_228 : vector<16xi1>, vector<16xi32>
          %broadcast_in_dim3A_229 = arith.constant true
          %broadcast_in_dim3A_230 = vector.broadcast %broadcast_in_dim3A_229 : i1 to vector<16xi1>
          %masked_cumsum3A = tpu.scan <sum>, %select_n3A masked %broadcast_in_dim3A_230 : vector<16xi32>, vector<16xi1> -> vector<16xi32>
          %add3A_231 = vector.broadcast %scan3A_213 : i32 to vector<16xi32>
          %add3A_232 = arith.addi %add3A_231, %masked_cumsum3A : vector<16xi32>
          %le3A_233 = vector.broadcast %sub3A_184 : i32 to vector<16xi32>
          %le3A_234 = arith.cmpi sle, %add3A_232, %le3A_233 : vector<16xi32>
          %and3A = arith.andi %eq3A_225, %le3A_234 : vector<16xi1>
          %swap3A_235 = arith.index_cast %scan3A_213 : i32 to index
          %swap3A_236 = tpu.vector_load %arg12[%swap3A_235] masked %and3A {strides = array<i32>} : memref<128xi32, #tpu.memory_space<vmem>>, vector<16xi32>, vector<16xi1>
          tpu.vector_store %arg12[%swap3A_235], %add3A_221 masked %and3A {strides = array<i32>} : memref<128xi32, #tpu.memory_space<vmem>>, vector<16xi32>, vector<16xi1>
          %convert_element_type3A_237 = arith.extui %gt3A_222 : vector<16xi1> to vector<16xi32>
          %reduce_sum3A = arith.constant true
          %reduce_sum3A_238 = vector.broadcast %reduce_sum3A : i1 to vector<16xi1>
          %reduce_sum3A_239 = tpu.scan <sum>, %convert_element_type3A_237 masked %reduce_sum3A_238 : vector<16xi32>, vector<16xi1> -> vector<16xi32>
          %reduce_sum3A_240 = vector.extract %reduce_sum3A_239[15] : i32 from vector<16xi32>
          %add3A_241 = arith.addi %scan3A_212, %reduce_sum3A_240 : i32
          %convert_element_type3A_242 = arith.extui %and3A : vector<16xi1> to vector<16xi32>
          %reduce_sum3A_243 = arith.constant true
          %reduce_sum3A_244 = vector.broadcast %reduce_sum3A_243 : i1 to vector<16xi1>
          %reduce_sum3A_245 = tpu.scan <sum>, %convert_element_type3A_242 masked %reduce_sum3A_244 : vector<16xi32>, vector<16xi1> -> vector<16xi32>
          %reduce_sum3A_246 = vector.extract %reduce_sum3A_245[15] : i32 from vector<16xi32>
          %add3A_247 = arith.addi %scan3A_213, %reduce_sum3A_246 : i32
          scf.yield %add3A_241, %add3A_247 : i32, i32
        }
        %scan3A_200 = arith.constant 1250 : i32
        %scan3A_201 = arith.constant 0 : i32
        %scan3A_202 = arith.constant 7 : i32
        %scan3A_203 = arith.addi %scan3A_201, %scan3A_202 : i32
        %scan3A_204 = arith.constant 1 : i32
        scf.for %scan3A_211 = %scan3A_201 to %scan3A_203 step %scan3A_204  : i32 {
          %mul3A_212 = arith.constant 1 : i32
          %mul3A_213 = arith.muli %scan3A_211, %mul3A_212 : i32
          %add3A_214 = arith.constant 0 : i32
          %add3A_215 = arith.addi %add3A_214, %mul3A_213 : i32
          %mul3A_216 = arith.constant 16 : i32
          %mul3A_217 = arith.muli %add3A_215, %mul3A_216 : i32
          %get3A_218 = arith.index_cast %mul3A_217 : i32 to index
          %get3A_219 = tpu.vector_load %arg11[%get3A_218] {strides = array<i32>} : memref<128xi32, #tpu.memory_space<vmem>>, vector<16xi32>,
          %mul3A_220 = arith.constant 16 : i32
          %mul3A_221 = arith.muli %add3A_215, %mul3A_220 : i32
          %swap3A = arith.index_cast %mul3A_221 : i32 to index
          %swap3A_222 = tpu.vector_load %arg16[%swap3A] {strides = array<i32>} : memref<224xi32, #tpu.memory_space<vmem>>, vector<16xi32>,
          tpu.vector_store %arg16[%swap3A], %get3A_219 {strides = array<i32>} : memref<224xi32, #tpu.memory_space<vmem>>, vector<16xi32>,
        }
        %scan3A_205 = arith.constant 7 : i32
        %scan3A_206 = arith.constant 0 : i32
        %scan3A_207 = arith.constant 7 : i32
        %scan3A_208 = arith.addi %scan3A_206, %scan3A_207 : i32
        %scan3A_209 = arith.constant 1 : i32
        scf.for %scan3A_211 = %scan3A_206 to %scan3A_208 step %scan3A_209  : i32 {
          %mul3A_212 = arith.constant 1 : i32
          %mul3A_213 = arith.muli %scan3A_211, %mul3A_212 : i32
          %add3A_214 = arith.constant 0 : i32
          %add3A_215 = arith.addi %add3A_214, %mul3A_213 : i32
          %mul3A_216 = arith.constant 16 : i32
          %mul3A_217 = arith.muli %add3A_215, %mul3A_216 : i32
          %get3A_218 = arith.index_cast %mul3A_217 : i32 to index
          %get3A_219 = tpu.vector_load %arg12[%get3A_218] {strides = array<i32>} : memref<128xi32, #tpu.memory_space<vmem>>, vector<16xi32>,
          %mul3A_220 = arith.constant 16 : i32
          %mul3A_221 = arith.muli %add3A_215, %mul3A_220 : i32
          %add3A_222 = arith.addi %sub3A_192, %mul3A_221 : i32
          %swap3A = arith.index_cast %add3A_222 : i32 to index
          %swap3A_223 = tpu.vector_load %arg16[%swap3A] {strides = array<i32>} : memref<224xi32, #tpu.memory_space<vmem>>, vector<16xi32>,
          tpu.vector_store %arg16[%swap3A], %get3A_219 {strides = array<i32>} : memref<224xi32, #tpu.memory_space<vmem>>, vector<16xi32>,
        }
        %scan3A_210 = arith.constant 7 : i32
      } else {
      }
      %scan3A_85 = arith.constant 0 : i32
      %scan3A_86 = arith.constant 7 : i32
      %scan3A_87 = arith.addi %scan3A_85, %scan3A_86 : i32
      %scan3A_88 = arith.constant 1 : i32
      scf.for %scan3A_153 = %scan3A_85 to %scan3A_87 step %scan3A_88  : i32 {
        %mul3A_154 = arith.constant 1 : i32
        %mul3A_155 = arith.muli %scan3A_153, %mul3A_154 : i32
        %add3A_156 = arith.constant 0 : i32
        %add3A_157 = arith.addi %add3A_156, %mul3A_155 : i32
        %mul3A_158 = arith.constant 16 : i32
        %mul3A_159 = arith.muli %add3A_157, %mul3A_158 : i32
        %get3A_160 = arith.index_cast %mul3A_159 : i32 to index
        %get3A_161 = tpu.vector_load %arg16[%get3A_160] {strides = array<i32>} : memref<224xi32, #tpu.memory_space<vmem>>, vector<16xi32>,
        %gather3A = tpu.vector_load_idx %arg7[%get3A_161] : memref<20000xi32, #tpu.memory_space<vmem>>[vector<16xi32>], vector<16xi32>,
        %mul3A_162 = arith.constant 16 : i32
        %mul3A_163 = arith.muli %add3A_157, %mul3A_162 : i32
        %add3A_164 = vector.broadcast %mul3A_163 : i32 to vector<16xi32>
        %add3A_165 = arith.addi %iota3A, %add3A_164 : vector<16xi32>
        %lt3A_166 = arith.constant 100 : i32
        %lt3A_167 = vector.broadcast %lt3A_166 : i32 to vector<16xi32>
        %lt3A_168 = arith.cmpi slt, %add3A_165, %lt3A_167 : vector<16xi32>
        %jit3A = arith.constant -2147483648 : i32
        %broadcast_in_dim3A_169 = vector.broadcast %jit3A : i32 to vector<16xi32>
        %select_n3A = arith.select %lt3A_168, %gather3A, %broadcast_in_dim3A_169 : vector<16xi1>, vector<16xi32>
        %mul3A_170 = arith.constant 16 : i32
        %mul3A_171 = arith.muli %add3A_157, %mul3A_170 : i32
        %swap3A = arith.index_cast %mul3A_171 : i32 to index
        %swap3A_172 = tpu.vector_load %arg17[%swap3A] {strides = array<i32>} : memref<112xi32, #tpu.memory_space<vmem>>, vector<16xi32>,
        tpu.vector_store %arg17[%swap3A], %select_n3A {strides = array<i32>} : memref<112xi32, #tpu.memory_space<vmem>>, vector<16xi32>,
      }
      %scan3A_89 = arith.constant 7 : i32
      %eq3A = arith.constant 0 : i32
      %eq3A_90 = vector.broadcast %eq3A : i32 to vector<16xi32>
      %eq3A_91 = arith.cmpi eq, %iota3A, %eq3A_90 : vector<16xi32>
      %scan3A_92 = arith.constant 0 : i32
      %scan3A_93 = arith.constant 0 : i32
      %scan3A_94 = arith.constant 100 : i32
      %scan3A_95 = arith.addi %scan3A_93, %scan3A_94 : i32
      %scan3A_96 = arith.constant 1 : i32
      scf.for %scan3A_153 = %scan3A_93 to %scan3A_95 step %scan3A_96  : i32 {
        %get3A_154 = arith.constant 0 : index
        %get3A_155 = tpu.vector_load %arg17[%get3A_154] {strides = array<i32>} : memref<112xi32, #tpu.memory_space<vmem>>, vector<16xi32>,
        %get3A_156 = arith.constant 16 : index
        %get3A_157 = tpu.vector_load %arg17[%get3A_156] {strides = array<i32>} : memref<112xi32, #tpu.memory_space<vmem>>, vector<16xi32>,
        %max3A = arith.maxsi %get3A_155, %get3A_157 : vector<16xi32>
        %get3A_158 = arith.constant 32 : index
        %get3A_159 = tpu.vector_load %arg17[%get3A_158] {strides = array<i32>} : memref<112xi32, #tpu.memory_space<vmem>>, vector<16xi32>,
        %max3A_160 = arith.maxsi %max3A, %get3A_159 : vector<16xi32>
        %get3A_161 = arith.constant 48 : index
        %get3A_162 = tpu.vector_load %arg17[%get3A_161] {strides = array<i32>} : memref<112xi32, #tpu.memory_space<vmem>>, vector<16xi32>,
        %max3A_163 = arith.maxsi %max3A_160, %get3A_162 : vector<16xi32>
        %get3A_164 = arith.constant 64 : index
        %get3A_165 = tpu.vector_load %arg17[%get3A_164] {strides = array<i32>} : memref<112xi32, #tpu.memory_space<vmem>>, vector<16xi32>,
        %max3A_166 = arith.maxsi %max3A_163, %get3A_165 : vector<16xi32>
        %get3A_167 = arith.constant 80 : index
        %get3A_168 = tpu.vector_load %arg17[%get3A_167] {strides = array<i32>} : memref<112xi32, #tpu.memory_space<vmem>>, vector<16xi32>,
        %max3A_169 = arith.maxsi %max3A_166, %get3A_168 : vector<16xi32>
        %get3A_170 = arith.constant 96 : index
        %get3A_171 = tpu.vector_load %arg17[%get3A_170] {strides = array<i32>} : memref<112xi32, #tpu.memory_space<vmem>>, vector<16xi32>,
        %max3A_172 = arith.maxsi %max3A_169, %get3A_171 : vector<16xi32>
        %reduce_max3A = arith.constant true
        %reduce_max3A_173 = vector.broadcast %reduce_max3A : i1 to vector<16xi1>
        %reduce_max3A_174 = arith.constant -2147483648 : i32
        %reduce_max3A_175 = vector.broadcast %reduce_max3A_174 : i32 to vector<16xi32>
        %reduce_max3A_176 = arith.xori %max3A_172, %reduce_max3A_175 : vector<16xi32>
        %reduce_max3A_177 = tpu.scan <max>, %reduce_max3A_176 masked %reduce_max3A_173 : vector<16xi32>, vector<16xi1> -> vector<16xi32>
        %reduce_max3A_178 = arith.xori %reduce_max3A_177, %reduce_max3A_175 : vector<16xi32>
        %reduce_max3A_179 = vector.extract %reduce_max3A_178[15] : i32 from vector<16xi32>
        %get3A_180 = arith.constant 0 : index
        %get3A_181 = tpu.vector_load %arg17[%get3A_180] {strides = array<i32>} : memref<112xi32, #tpu.memory_space<vmem>>, vector<16xi32>,
        %eq3A_182 = vector.broadcast %reduce_max3A_179 : i32 to vector<16xi32>
        %eq3A_183 = arith.cmpi eq, %get3A_181, %eq3A_182 : vector<16xi32>
        %all_reduce_ffs3A = tpu.all_reduce %eq3A_183 {dim = 0 : i64, kind = #tpu.reduction_kind<find_first_set>} : vector<16xi1> -> vector<16xi32>
        %slice3A_184 = vector.extract_strided_slice %all_reduce_ffs3A {offsets = [0], sizes = [1], strides = [1]} : vector<16xi32> to vector<1xi32>
        %squeeze3A_185 = vector.extract %slice3A_184[0] : i32 from vector<1xi32>
        %lt3A_186 = arith.constant 16 : i32
        %lt3A_187 = arith.cmpi slt, %squeeze3A_185, %lt3A_186 : i32
        %add3A_188 = arith.constant 0 : i32
        %add3A_189 = arith.addi %add3A_188, %squeeze3A_185 : i32
        %min3A = arith.constant 10000 : i32
        %min3A_190 = arith.minsi %min3A, %add3A_189 : i32
        %jit3A = arith.constant 10000 : i32
        %select_n3A = arith.select %lt3A_187, %min3A_190, %jit3A : i32
        %get3A_191 = arith.constant 16 : index
        %get3A_192 = tpu.vector_load %arg17[%get3A_191] {strides = array<i32>} : memref<112xi32, #tpu.memory_space<vmem>>, vector<16xi32>,
        %eq3A_193 = vector.broadcast %reduce_max3A_179 : i32 to vector<16xi32>
        %eq3A_194 = arith.cmpi eq, %get3A_192, %eq3A_193 : vector<16xi32>
        %all_reduce_ffs3A_195 = tpu.all_reduce %eq3A_194 {dim = 0 : i64, kind = #tpu.reduction_kind<find_first_set>} : vector<16xi1> -> vector<16xi32>
        %slice3A_196 = vector.extract_strided_slice %all_reduce_ffs3A_195 {offsets = [0], sizes = [1], strides = [1]} : vector<16xi32> to vector<1xi32>
        %squeeze3A_197 = vector.extract %slice3A_196[0] : i32 from vector<1xi32>
        %lt3A_198 = arith.constant 16 : i32
        %lt3A_199 = arith.cmpi slt, %squeeze3A_197, %lt3A_198 : i32
        %add3A_200 = arith.constant 16 : i32
        %add3A_201 = arith.addi %add3A_200, %squeeze3A_197 : i32
        %min3A_202 = arith.minsi %select_n3A, %add3A_201 : i32
        %select_n3A_203 = arith.select %lt3A_199, %min3A_202, %select_n3A : i32
        %get3A_204 = arith.constant 32 : index
        %get3A_205 = tpu.vector_load %arg17[%get3A_204] {strides = array<i32>} : memref<112xi32, #tpu.memory_space<vmem>>, vector<16xi32>,
        %eq3A_206 = vector.broadcast %reduce_max3A_179 : i32 to vector<16xi32>
        %eq3A_207 = arith.cmpi eq, %get3A_205, %eq3A_206 : vector<16xi32>
        %all_reduce_ffs3A_208 = tpu.all_reduce %eq3A_207 {dim = 0 : i64, kind = #tpu.reduction_kind<find_first_set>} : vector<16xi1> -> vector<16xi32>
        %slice3A_209 = vector.extract_strided_slice %all_reduce_ffs3A_208 {offsets = [0], sizes = [1], strides = [1]} : vector<16xi32> to vector<1xi32>
        %squeeze3A_210 = vector.extract %slice3A_209[0] : i32 from vector<1xi32>
        %lt3A_211 = arith.constant 16 : i32
        %lt3A_212 = arith.cmpi slt, %squeeze3A_210, %lt3A_211 : i32
        %add3A_213 = arith.constant 32 : i32
        %add3A_214 = arith.addi %add3A_213, %squeeze3A_210 : i32
        %min3A_215 = arith.minsi %select_n3A_203, %add3A_214 : i32
        %select_n3A_216 = arith.select %lt3A_212, %min3A_215, %select_n3A_203 : i32
        %get3A_217 = arith.constant 48 : index
        %get3A_218 = tpu.vector_load %arg17[%get3A_217] {strides = array<i32>} : memref<112xi32, #tpu.memory_space<vmem>>, vector<16xi32>,
        %eq3A_219 = vector.broadcast %reduce_max3A_179 : i32 to vector<16xi32>
        %eq3A_220 = arith.cmpi eq, %get3A_218, %eq3A_219 : vector<16xi32>
        %all_reduce_ffs3A_221 = tpu.all_reduce %eq3A_220 {dim = 0 : i64, kind = #tpu.reduction_kind<find_first_set>} : vector<16xi1> -> vector<16xi32>
        %slice3A_222 = vector.extract_strided_slice %all_reduce_ffs3A_221 {offsets = [0], sizes = [1], strides = [1]} : vector<16xi32> to vector<1xi32>
        %squeeze3A_223 = vector.extract %slice3A_222[0] : i32 from vector<1xi32>
        %lt3A_224 = arith.constant 16 : i32
        %lt3A_225 = arith.cmpi slt, %squeeze3A_223, %lt3A_224 : i32
        %add3A_226 = arith.constant 48 : i32
        %add3A_227 = arith.addi %add3A_226, %squeeze3A_223 : i32
        %min3A_228 = arith.minsi %select_n3A_216, %add3A_227 : i32
        %select_n3A_229 = arith.select %lt3A_225, %min3A_228, %select_n3A_216 : i32
        %get3A_230 = arith.constant 64 : index
        %get3A_231 = tpu.vector_load %arg17[%get3A_230] {strides = array<i32>} : memref<112xi32, #tpu.memory_space<vmem>>, vector<16xi32>,
        %eq3A_232 = vector.broadcast %reduce_max3A_179 : i32 to vector<16xi32>
        %eq3A_233 = arith.cmpi eq, %get3A_231, %eq3A_232 : vector<16xi32>
        %all_reduce_ffs3A_234 = tpu.all_reduce %eq3A_233 {dim = 0 : i64, kind = #tpu.reduction_kind<find_first_set>} : vector<16xi1> -> vector<16xi32>
        %slice3A_235 = vector.extract_strided_slice %all_reduce_ffs3A_234 {offsets = [0], sizes = [1], strides = [1]} : vector<16xi32> to vector<1xi32>
        %squeeze3A_236 = vector.extract %slice3A_235[0] : i32 from vector<1xi32>
        %lt3A_237 = arith.constant 16 : i32
        %lt3A_238 = arith.cmpi slt, %squeeze3A_236, %lt3A_237 : i32
        %add3A_239 = arith.constant 64 : i32
        %add3A_240 = arith.addi %add3A_239, %squeeze3A_236 : i32
        %min3A_241 = arith.minsi %select_n3A_229, %add3A_240 : i32
        %select_n3A_242 = arith.select %lt3A_238, %min3A_241, %select_n3A_229 : i32
        %get3A_243 = arith.constant 80 : index
        %get3A_244 = tpu.vector_load %arg17[%get3A_243] {strides = array<i32>} : memref<112xi32, #tpu.memory_space<vmem>>, vector<16xi32>,
        %eq3A_245 = vector.broadcast %reduce_max3A_179 : i32 to vector<16xi32>
        %eq3A_246 = arith.cmpi eq, %get3A_244, %eq3A_245 : vector<16xi32>
        %all_reduce_ffs3A_247 = tpu.all_reduce %eq3A_246 {dim = 0 : i64, kind = #tpu.reduction_kind<find_first_set>} : vector<16xi1> -> vector<16xi32>
        %slice3A_248 = vector.extract_strided_slice %all_reduce_ffs3A_247 {offsets = [0], sizes = [1], strides = [1]} : vector<16xi32> to vector<1xi32>
        %squeeze3A_249 = vector.extract %slice3A_248[0] : i32 from vector<1xi32>
        %lt3A_250 = arith.constant 16 : i32
        %lt3A_251 = arith.cmpi slt, %squeeze3A_249, %lt3A_250 : i32
        %add3A_252 = arith.constant 80 : i32
        %add3A_253 = arith.addi %add3A_252, %squeeze3A_249 : i32
        %min3A_254 = arith.minsi %select_n3A_242, %add3A_253 : i32
        %select_n3A_255 = arith.select %lt3A_251, %min3A_254, %select_n3A_242 : i32
        %get3A_256 = arith.constant 96 : index
        %get3A_257 = tpu.vector_load %arg17[%get3A_256] {strides = array<i32>} : memref<112xi32, #tpu.memory_space<vmem>>, vector<16xi32>,
        %eq3A_258 = vector.broadcast %reduce_max3A_179 : i32 to vector<16xi32>
        %eq3A_259 = arith.cmpi eq, %get3A_257, %eq3A_258 : vector<16xi32>
        %all_reduce_ffs3A_260 = tpu.all_reduce %eq3A_259 {dim = 0 : i64, kind = #tpu.reduction_kind<find_first_set>} : vector<16xi1> -> vector<16xi32>
        %slice3A_261 = vector.extract_strided_slice %all_reduce_ffs3A_260 {offsets = [0], sizes = [1], strides = [1]} : vector<16xi32> to vector<1xi32>
        %squeeze3A_262 = vector.extract %slice3A_261[0] : i32 from vector<1xi32>
        %lt3A_263 = arith.constant 16 : i32
        %lt3A_264 = arith.cmpi slt, %squeeze3A_262, %lt3A_263 : i32
        %add3A_265 = arith.constant 96 : i32
        %add3A_266 = arith.addi %add3A_265, %squeeze3A_262 : i32
        %min3A_267 = arith.minsi %select_n3A_255, %add3A_266 : i32
        %select_n3A_268 = arith.select %lt3A_264, %min3A_267, %select_n3A_255 : i32
        %broadcast_in_dim3A_269 = vector.broadcast %scan3A_153 : i32 to vector<16xi32>
        %broadcast_in_dim3A_270 = vector.broadcast %select_n3A_268 : i32 to vector<16xi32>
        tpu.vector_store_idx %arg18[%broadcast_in_dim3A_269], %broadcast_in_dim3A_270 masked %eq3A_91 : memref<112xi32, #tpu.memory_space<vmem>>[vector<16xi32>], vector<16xi32>, vector<16xi1>
        %broadcast_in_dim3A_271 = vector.broadcast %select_n3A_268 : i32 to vector<16xi32>
        %broadcast_in_dim3A_272 = arith.constant -2147483648 : i32
        %broadcast_in_dim3A_273 = vector.broadcast %broadcast_in_dim3A_272 : i32 to vector<16xi32>
        tpu.vector_store_idx %arg17[%broadcast_in_dim3A_271], %broadcast_in_dim3A_273 masked %eq3A_91 : memref<112xi32, #tpu.memory_space<vmem>>[vector<16xi32>], vector<16xi32>, vector<16xi1>
      }
      %scan3A_97 = arith.constant 100 : i32
      %dma_wait3A = arith.constant 0 : i32
      %dma_wait3A_98 = tpu.memref_slice %arg3[%add3A, %dma_wait3A] : memref<16x20000xi32, #tpu.memory_space<hbm>> -> memref<1x20000xi32, #tpu.memory_space<hbm>>
      %dma_wait3A_99 = tpu.memref_squeeze %dma_wait3A_98 : memref<1x20000xi32, #tpu.memory_space<hbm>> -> memref<20000xi32, #tpu.memory_space<hbm>>
      %dma_wait3A_100 = arith.constant 0 : i32
      %dma_wait3A_101 = tpu.memref_slice %arg3[%add3A, %dma_wait3A_100] : memref<16x20000xi32, #tpu.memory_space<hbm>> -> memref<1x20000xi32, #tpu.memory_space<hbm>>
      %dma_wait3A_102 = tpu.memref_squeeze %dma_wait3A_101 : memref<1x20000xi32, #tpu.memory_space<hbm>> -> memref<20000xi32, #tpu.memory_space<hbm>>
      tpu.wait_dma2 semaphore(%arg21 : memref<!tpu.dma_semaphore, #tpu.memory_space<semaphore_mem>>) src(%dma_wait3A_102 : memref<20000xi32, #tpu.memory_space<hbm>>) dst(%arg8 : memref<20000xi32, #tpu.memory_space<vmem>>)
      %dma_wait3A_103 = arith.constant 0 : i32
      %dma_wait3A_104 = arith.constant 0 : i32
      %dma_wait3A_105 = tpu.memref_slice %arg4[%add3A, %dma_wait3A_103, %dma_wait3A_104] : memref<16x84x20000xf32, #tpu.memory_space<hbm>> -> memref<1x4x20000xf32, #tpu.memory_space<hbm>>
      %dma_wait3A_106 = tpu.memref_squeeze %dma_wait3A_105 : memref<1x4x20000xf32, #tpu.memory_space<hbm>> -> memref<4x20000xf32, #tpu.memory_space<hbm>>
      %dma_wait3A_107 = arith.constant 0 : i32
      %dma_wait3A_108 = arith.constant 0 : i32
      %dma_wait3A_109 = tpu.memref_slice %arg4[%add3A, %dma_wait3A_107, %dma_wait3A_108] : memref<16x84x20000xf32, #tpu.memory_space<hbm>> -> memref<1x4x20000xf32, #tpu.memory_space<hbm>>
      %dma_wait3A_110 = tpu.memref_squeeze %dma_wait3A_109 : memref<1x4x20000xf32, #tpu.memory_space<hbm>> -> memref<4x20000xf32, #tpu.memory_space<hbm>>
      tpu.wait_dma2 semaphore(%arg22 : memref<!tpu.dma_semaphore, #tpu.memory_space<semaphore_mem>>) src(%dma_wait3A_110 : memref<4x20000xf32, #tpu.memory_space<hbm>>) dst(%arg9 : memref<4x20000xf32, #tpu.memory_space<vmem>>)
      %get3A = arith.constant 0 : index
      %get3A_111 = tpu.vector_load %arg20[%get3A] {strides = array<i32>} : memref<16xf32, #tpu.memory_space<vmem>>, vector<16xf32>,
      %slice3A = vector.extract_strided_slice %get3A_111 {offsets = [0], sizes = [1], strides = [1]} : vector<16xf32> to vector<1xf32>
      %squeeze3A = vector.extract %slice3A[0] : f32 from vector<1xf32>
      %slice3A_112 = vector.extract_strided_slice %get3A_111 {offsets = [1], sizes = [1], strides = [1]} : vector<16xf32> to vector<1xf32>
      %squeeze3A_113 = vector.extract %slice3A_112[0] : f32 from vector<1xf32>
      %slice3A_114 = vector.extract_strided_slice %get3A_111 {offsets = [2], sizes = [1], strides = [1]} : vector<16xf32> to vector<1xf32>
      %squeeze3A_115 = vector.extract %slice3A_114[0] : f32 from vector<1xf32>
      %slice3A_116 = vector.extract_strided_slice %get3A_111 {offsets = [3], sizes = [1], strides = [1]} : vector<16xf32> to vector<1xf32>
      %squeeze3A_117 = vector.extract %slice3A_116[0] : f32 from vector<1xf32>
      %slice3A_118 = vector.extract_strided_slice %get3A_111 {offsets = [4], sizes = [1], strides = [1]} : vector<16xf32> to vector<1xf32>
      %squeeze3A_119 = vector.extract %slice3A_118[0] : f32 from vector<1xf32>
      %slice3A_120 = vector.extract_strided_slice %get3A_111 {offsets = [5], sizes = [1], strides = [1]} : vector<16xf32> to vector<1xf32>
      %squeeze3A_121 = vector.extract %slice3A_120[0] : f32 from vector<1xf32>
      %slice3A_122 = vector.extract_strided_slice %get3A_111 {offsets = [6], sizes = [1], strides = [1]} : vector<16xf32> to vector<1xf32>
      %squeeze3A_123 = vector.extract %slice3A_122[0] : f32 from vector<1xf32>
      %slice3A_124 = vector.extract_strided_slice %get3A_111 {offsets = [7], sizes = [1], strides = [1]} : vector<16xf32> to vector<1xf32>
      %squeeze3A_125 = vector.extract %slice3A_124[0] : f32 from vector<1xf32>
      %slice3A_126 = vector.extract_strided_slice %get3A_111 {offsets = [8], sizes = [1], strides = [1]} : vector<16xf32> to vector<1xf32>
      %squeeze3A_127 = vector.extract %slice3A_126[0] : f32 from vector<1xf32>
      %slice3A_128 = vector.extract_strided_slice %get3A_111 {offsets = [9], sizes = [1], strides = [1]} : vector<16xf32> to vector<1xf32>
      %squeeze3A_129 = vector.extract %slice3A_128[0] : f32 from vector<1xf32>
      %slice3A_130 = vector.extract_strided_slice %get3A_111 {offsets = [10], sizes = [1], strides = [1]} : vector<16xf32> to vector<1xf32>
      %squeeze3A_131 = vector.extract %slice3A_130[0] : f32 from vector<1xf32>
      %slice3A_132 = vector.extract_strided_slice %get3A_111 {offsets = [11], sizes = [1], strides = [1]} : vector<16xf32> to vector<1xf32>
      %squeeze3A_133 = vector.extract %slice3A_132[0] : f32 from vector<1xf32>
      %slice3A_134 = vector.extract_strided_slice %get3A_111 {offsets = [12], sizes = [1], strides = [1]} : vector<16xf32> to vector<1xf32>
      %squeeze3A_135 = vector.extract %slice3A_134[0] : f32 from vector<1xf32>
      %slice3A_136 = vector.extract_strided_slice %get3A_111 {offsets = [13], sizes = [1], strides = [1]} : vector<16xf32> to vector<1xf32>
      %squeeze3A_137 = vector.extract %slice3A_136[0] : f32 from vector<1xf32>
      %slice3A_138 = vector.extract_strided_slice %get3A_111 {offsets = [14], sizes = [1], strides = [1]} : vector<16xf32> to vector<1xf32>
      %squeeze3A_139 = vector.extract %slice3A_138[0] : f32 from vector<1xf32>
      %slice3A_140 = vector.extract_strided_slice %get3A_111 {offsets = [15], sizes = [1], strides = [1]} : vector<16xf32> to vector<1xf32>
      %squeeze3A_141 = vector.extract %slice3A_140[0] : f32 from vector<1xf32>
      %convert_element_type3A_142 = arith.sitofp %add3A : i32 to f32
      %broadcast_in_dim3A_143 = vector.broadcast %convert_element_type3A_142 : f32 to vector<16xf32>
      %scan3A_144 = arith.constant 0 : i32
      %scan3A_145 = arith.constant 7 : i32
      %scan3A_146 = arith.addi %scan3A_144, %scan3A_145 : i32
      %scan3A_147 = arith.constant 1 : i32
      scf.for %scan3A_153 = %scan3A_144 to %scan3A_146 step %scan3A_147  : i32 {
        %mul3A_154 = arith.constant 1 : i32
        %mul3A_155 = arith.muli %scan3A_153, %mul3A_154 : i32
        %add3A_156 = arith.constant 0 : i32
        %add3A_157 = arith.addi %add3A_156, %mul3A_155 : i32
        %mul3A_158 = arith.constant 16 : i32
        %mul3A_159 = arith.muli %add3A_157, %mul3A_158 : i32
        %get3A_160 = arith.index_cast %mul3A_159 : i32 to index
        %get3A_161 = tpu.vector_load %arg18[%get3A_160] {strides = array<i32>} : memref<112xi32, #tpu.memory_space<vmem>>, vector<16xi32>,
        %gather3A = tpu.vector_load_idx %arg16[%get3A_161] : memref<224xi32, #tpu.memory_space<vmem>>[vector<16xi32>], vector<16xi32>,
        %gather3A_162 = tpu.vector_load_idx %arg7[%gather3A] : memref<20000xi32, #tpu.memory_space<vmem>>[vector<16xi32>], vector<16xi32>,
        %lt3A_163 = arith.constant 0 : i32
        %lt3A_164 = vector.broadcast %lt3A_163 : i32 to vector<16xi32>
        %lt3A_165 = arith.cmpi slt, %gather3A_162, %lt3A_164 : vector<16xi32>
        %xor3A = arith.constant 2147483647 : i32
        %xor3A_166 = vector.broadcast %xor3A : i32 to vector<16xi32>
        %xor3A_167 = arith.xori %gather3A_162, %xor3A_166 : vector<16xi32>
        %select_n3A = arith.select %lt3A_165, %xor3A_167, %gather3A_162 : vector<16xi1>, vector<16xi32>
        %bitcast3A = vector.bitcast %select_n3A : vector<16xi32> to vector<16xf32>
        %gather3A_168 = tpu.vector_load_idx %arg8[%gather3A] : memref<20000xi32, #tpu.memory_space<vmem>>[vector<16xi32>], vector<16xi32>,
        %convert_element_type3A_169 = arith.sitofp %gather3A_168 : vector<16xi32> to vector<16xf32>
        %gather3A_170 = tpu.vector_load_idx %arg9[%broadcast_in_dim3A_3, %gather3A] : memref<4x20000xf32, #tpu.memory_space<vmem>>[vector<16xi32>, vector<16xi32>], vector<16xf32>,
        %add3A_171 = arith.constant 1 : i32
        %add3A_172 = vector.broadcast %add3A_171 : i32 to vector<16xi32>
        %add3A_173 = arith.addi %broadcast_in_dim3A_3, %add3A_172 : vector<16xi32>
        %gather3A_174 = tpu.vector_load_idx %arg9[%add3A_173, %gather3A] : memref<4x20000xf32, #tpu.memory_space<vmem>>[vector<16xi32>, vector<16xi32>], vector<16xf32>,
        %add3A_175 = arith.constant 2 : i32
        %add3A_176 = vector.broadcast %add3A_175 : i32 to vector<16xi32>
        %add3A_177 = arith.addi %broadcast_in_dim3A_3, %add3A_176 : vector<16xi32>
        %gather3A_178 = tpu.vector_load_idx %arg9[%add3A_177, %gather3A] : memref<4x20000xf32, #tpu.memory_space<vmem>>[vector<16xi32>, vector<16xi32>], vector<16xf32>,
        %add3A_179 = arith.constant 3 : i32
        %add3A_180 = vector.broadcast %add3A_179 : i32 to vector<16xi32>
        %add3A_181 = arith.addi %broadcast_in_dim3A_3, %add3A_180 : vector<16xi32>
        %gather3A_182 = tpu.vector_load_idx %arg9[%add3A_181, %gather3A] : memref<4x20000xf32, #tpu.memory_space<vmem>>[vector<16xi32>, vector<16xi32>], vector<16xf32>,
        %mul3A_183 = vector.broadcast %squeeze3A : f32 to vector<16xf32>
        %mul3A_184 = arith.mulf %gather3A_170, %mul3A_183 : vector<16xf32>
        %mul3A_185 = vector.broadcast %squeeze3A_119 : f32 to vector<16xf32>
        %mul3A_186 = arith.mulf %gather3A_174, %mul3A_185 : vector<16xf32>
        %add3A_187 = arith.addf %mul3A_184, %mul3A_186 : vector<16xf32>
        %mul3A_188 = vector.broadcast %squeeze3A_127 : f32 to vector<16xf32>
        %mul3A_189 = arith.mulf %gather3A_178, %mul3A_188 : vector<16xf32>
        %add3A_190 = arith.addf %add3A_187, %mul3A_189 : vector<16xf32>
        %mul3A_191 = vector.broadcast %squeeze3A_135 : f32 to vector<16xf32>
        %mul3A_192 = arith.mulf %gather3A_182, %mul3A_191 : vector<16xf32>
        %add3A_193 = arith.addf %add3A_190, %mul3A_192 : vector<16xf32>
        %mul3A_194 = vector.broadcast %squeeze3A_113 : f32 to vector<16xf32>
        %mul3A_195 = arith.mulf %gather3A_170, %mul3A_194 : vector<16xf32>
        %mul3A_196 = vector.broadcast %squeeze3A_121 : f32 to vector<16xf32>
        %mul3A_197 = arith.mulf %gather3A_174, %mul3A_196 : vector<16xf32>
        %add3A_198 = arith.addf %mul3A_195, %mul3A_197 : vector<16xf32>
        %mul3A_199 = vector.broadcast %squeeze3A_129 : f32 to vector<16xf32>
        %mul3A_200 = arith.mulf %gather3A_178, %mul3A_199 : vector<16xf32>
        %add3A_201 = arith.addf %add3A_198, %mul3A_200 : vector<16xf32>
        %mul3A_202 = vector.broadcast %squeeze3A_137 : f32 to vector<16xf32>
        %mul3A_203 = arith.mulf %gather3A_182, %mul3A_202 : vector<16xf32>
        %add3A_204 = arith.addf %add3A_201, %mul3A_203 : vector<16xf32>
        %mul3A_205 = vector.broadcast %squeeze3A_115 : f32 to vector<16xf32>
        %mul3A_206 = arith.mulf %gather3A_170, %mul3A_205 : vector<16xf32>
        %mul3A_207 = vector.broadcast %squeeze3A_123 : f32 to vector<16xf32>
        %mul3A_208 = arith.mulf %gather3A_174, %mul3A_207 : vector<16xf32>
        %add3A_209 = arith.addf %mul3A_206, %mul3A_208 : vector<16xf32>
        %mul3A_210 = vector.broadcast %squeeze3A_131 : f32 to vector<16xf32>
        %mul3A_211 = arith.mulf %gather3A_178, %mul3A_210 : vector<16xf32>
        %add3A_212 = arith.addf %add3A_209, %mul3A_211 : vector<16xf32>
        %mul3A_213 = vector.broadcast %squeeze3A_139 : f32 to vector<16xf32>
        %mul3A_214 = arith.mulf %gather3A_182, %mul3A_213 : vector<16xf32>
        %add3A_215 = arith.addf %add3A_212, %mul3A_214 : vector<16xf32>
        %mul3A_216 = vector.broadcast %squeeze3A_117 : f32 to vector<16xf32>
        %mul3A_217 = arith.mulf %gather3A_170, %mul3A_216 : vector<16xf32>
        %mul3A_218 = vector.broadcast %squeeze3A_125 : f32 to vector<16xf32>
        %mul3A_219 = arith.mulf %gather3A_174, %mul3A_218 : vector<16xf32>
        %add3A_220 = arith.addf %mul3A_217, %mul3A_219 : vector<16xf32>
        %mul3A_221 = vector.broadcast %squeeze3A_133 : f32 to vector<16xf32>
        %mul3A_222 = arith.mulf %gather3A_178, %mul3A_221 : vector<16xf32>
        %add3A_223 = arith.addf %add3A_220, %mul3A_222 : vector<16xf32>
        %mul3A_224 = vector.broadcast %squeeze3A_141 : f32 to vector<16xf32>
        %mul3A_225 = arith.mulf %gather3A_182, %mul3A_224 : vector<16xf32>
        %add3A_226 = arith.addf %add3A_223, %mul3A_225 : vector<16xf32>
        %mul3A_227 = arith.constant 8 : i32
        %mul3A_228 = vector.broadcast %mul3A_227 : i32 to vector<16xi32>
        %mul3A_229 = arith.muli %iota3A, %mul3A_228 : vector<16xi32>
        %mul3A_230 = arith.constant 16 : i32
        %mul3A_231 = arith.muli %add3A_157, %mul3A_230 : i32
        %mul3A_232 = arith.constant 8 : i32
        %mul3A_233 = arith.muli %mul3A_231, %mul3A_232 : i32
        %add3A_234 = vector.broadcast %mul3A_233 : i32 to vector<16xi32>
        %add3A_235 = arith.addi %mul3A_229, %add3A_234 : vector<16xi32>
        %add3A_236 = arith.constant 0 : i32
        %add3A_237 = vector.broadcast %add3A_236 : i32 to vector<16xi32>
        %add3A_238 = arith.addi %add3A_235, %add3A_237 : vector<16xi32>
        tpu.vector_store_idx %arg19[%add3A_238], %broadcast_in_dim3A_143 : memref<896xf32, #tpu.memory_space<vmem>>[vector<16xi32>], vector<16xf32>,
        %add3A_239 = arith.constant 1 : i32
        %add3A_240 = vector.broadcast %add3A_239 : i32 to vector<16xi32>
        %add3A_241 = arith.addi %add3A_235, %add3A_240 : vector<16xi32>
        tpu.vector_store_idx %arg19[%add3A_241], %add3A_193 : memref<896xf32, #tpu.memory_space<vmem>>[vector<16xi32>], vector<16xf32>,
        %add3A_242 = arith.constant 2 : i32
        %add3A_243 = vector.broadcast %add3A_242 : i32 to vector<16xi32>
        %add3A_244 = arith.addi %add3A_235, %add3A_243 : vector<16xi32>
        tpu.vector_store_idx %arg19[%add3A_244], %add3A_204 : memref<896xf32, #tpu.memory_space<vmem>>[vector<16xi32>], vector<16xf32>,
        %add3A_245 = arith.constant 3 : i32
        %add3A_246 = vector.broadcast %add3A_245 : i32 to vector<16xi32>
        %add3A_247 = arith.addi %add3A_235, %add3A_246 : vector<16xi32>
        tpu.vector_store_idx %arg19[%add3A_247], %add3A_215 : memref<896xf32, #tpu.memory_space<vmem>>[vector<16xi32>], vector<16xf32>,
        %add3A_248 = arith.constant 4 : i32
        %add3A_249 = vector.broadcast %add3A_248 : i32 to vector<16xi32>
        %add3A_250 = arith.addi %add3A_235, %add3A_249 : vector<16xi32>
        tpu.vector_store_idx %arg19[%add3A_250], %add3A_226 : memref<896xf32, #tpu.memory_space<vmem>>[vector<16xi32>], vector<16xf32>,
        %add3A_251 = arith.constant 5 : i32
        %add3A_252 = vector.broadcast %add3A_251 : i32 to vector<16xi32>
        %add3A_253 = arith.addi %add3A_235, %add3A_252 : vector<16xi32>
        tpu.vector_store_idx %arg19[%add3A_253], %convert_element_type3A_169 : memref<896xf32, #tpu.memory_space<vmem>>[vector<16xi32>], vector<16xf32>,
        %add3A_254 = arith.constant 6 : i32
        %add3A_255 = vector.broadcast %add3A_254 : i32 to vector<16xi32>
        %add3A_256 = arith.addi %add3A_235, %add3A_255 : vector<16xi32>
        tpu.vector_store_idx %arg19[%add3A_256], %bitcast3A : memref<896xf32, #tpu.memory_space<vmem>>[vector<16xi32>], vector<16xf32>,
      }
      %scan3A_148 = arith.constant 7 : i32
      %mul3A_149 = arith.constant 100 : i32
      %mul3A_150 = arith.muli %add3A, %mul3A_149 : i32
      %mul3A_151 = arith.constant 8 : i32
      %mul3A_152 = arith.muli %mul3A_150, %mul3A_151 : i32
      "tpu.region"() ({
        %run_scoped3A = tpu.sem_alloc : memref<!tpu.dma_semaphore, #tpu.memory_space<semaphore_mem>>
        %dma_start3A_153 = arith.constant 0 : i32
        %dma_start3A_154 = tpu.memref_slice %arg19[%dma_start3A_153] : memref<896xf32, #tpu.memory_space<vmem>> -> memref<800xf32, #tpu.memory_space<vmem>>
        %dma_start3A_155 = tpu.memref_slice %arg6[%mul3A_152] : memref<12800xf32, #tpu.memory_space<hbm>> -> memref<800xf32, #tpu.memory_space<hbm>>
        %dma_start3A_156 = tpu.memref_slice %arg6[%mul3A_152] : memref<12800xf32, #tpu.memory_space<hbm>> -> memref<800xf32, #tpu.memory_space<hbm>>
        %dma_start3A_157 = arith.constant 0 : i32
        %dma_start3A_158 = tpu.memref_slice %arg19[%dma_start3A_157] : memref<896xf32, #tpu.memory_space<vmem>> -> memref<800xf32, #tpu.memory_space<vmem>>
        tpu.enqueue_dma source(%dma_start3A_158 : memref<800xf32, #tpu.memory_space<vmem>>) target(%dma_start3A_156 : memref<800xf32, #tpu.memory_space<hbm>>) target_semaphore(%run_scoped3A : memref<!tpu.dma_semaphore, #tpu.memory_space<semaphore_mem>>)
        %dma_wait3A_159 = arith.constant 0 : i32
        %dma_wait3A_160 = tpu.memref_slice %arg19[%dma_wait3A_159] : memref<896xf32, #tpu.memory_space<vmem>> -> memref<800xf32, #tpu.memory_space<vmem>>
        %dma_wait3A_161 = tpu.memref_slice %arg6[%mul3A_152] : memref<12800xf32, #tpu.memory_space<hbm>> -> memref<800xf32, #tpu.memory_space<hbm>>
        %dma_wait3A_162 = tpu.memref_slice %arg6[%mul3A_152] : memref<12800xf32, #tpu.memory_space<hbm>> -> memref<800xf32, #tpu.memory_space<hbm>>
        %dma_wait3A_163 = arith.constant 0 : i32
        %dma_wait3A_164 = tpu.memref_slice %arg19[%dma_wait3A_163] : memref<896xf32, #tpu.memory_space<vmem>> -> memref<800xf32, #tpu.memory_space<vmem>>
        tpu.wait_dma2 semaphore(%run_scoped3A : memref<!tpu.dma_semaphore, #tpu.memory_space<semaphore_mem>>) src(%dma_wait3A_164 : memref<800xf32, #tpu.memory_space<vmem>>) dst(%dma_wait3A_162 : memref<800xf32, #tpu.memory_space<hbm>>)
        tpu.yield
      }) : () -> ()
    } else {
    }
    return
  }
}

module attributes {stable_mosaic.version = 14 : i64} {
  func.func @_stage1_body(%arg0: i32, %arg1: memref<16x84x2048xf32, #tpu.memory_space<vmem>>, %arg2: memref<16x2048xi32, #tpu.memory_space<vmem>>, %arg3: memref<16x2048xi32, #tpu.memory_space<vmem>>) attributes {dimension_semantics = [#tpu.dimension_semantics<arbitrary>], iteration_bounds = array<i64: 10>, scalar_prefetch = 0 : i64, scratch_operands = 0 : i64, tpu.core_type = #tpu.core_type<tc>, window_params = [{transform_indices = @transform_0, window_bounds = array<i64: 16, 84, 2048>}, {transform_indices = @transform_1, window_bounds = array<i64: 16, 2048>}, {transform_indices = @transform_2, window_bounds = array<i64: 16, 2048>}]} {
    %get3A = arith.constant 0 : index
    %get3A_0 = arith.constant 0 : index
    %get3A_1 = arith.constant 0 : index
    %get3A_2 = vector.load %arg1[%get3A, %get3A_0, %get3A_1] : memref<16x84x2048xf32, #tpu.memory_space<vmem>>, vector<16x84x2048xf32>
    %iota3A = tpu.iota {dimensions = array<i32: 1>} : vector<16x84x2048xi32>
    %ge3A = arith.constant 4 : i32
    %ge3A_3 = vector.broadcast %ge3A : i32 to vector<16x84x2048xi32>
    %ge3A_4 = arith.cmpi sge, %iota3A, %ge3A_3 : vector<16x84x2048xi32>
    %jit3A = arith.constant 0xFF800000 : f32
    %broadcast_in_dim3A = vector.broadcast %jit3A : f32 to vector<16x84x2048xf32>
    %select_n3A = arith.select %ge3A_4, %get3A_2, %broadcast_in_dim3A : vector<16x84x2048xi1>, vector<16x84x2048xf32>
    %reduce_max3A = arith.constant dense<0xFF800000> : vector<16x2048xf32>
    %reduce_max3A_5 = vector.multi_reduction <maximumf>, %select_n3A, %reduce_max3A [1] : vector<16x84x2048xf32> to vector<16x2048xf32>
    %broadcast_in_dim3A_6 = vector.shape_cast %reduce_max3A_5 : vector<16x2048xf32> to vector<16x1x2048xf32>
    %eq3A = vector.broadcast %broadcast_in_dim3A_6 : vector<16x1x2048xf32> to vector<16x84x2048xf32>
    %eq3A_7 = arith.cmpf oeq, %select_n3A, %eq3A : vector<16x84x2048xf32>
    %sub3A = arith.constant 4 : i32
    %sub3A_8 = vector.broadcast %sub3A : i32 to vector<16x84x2048xi32>
    %sub3A_9 = arith.subi %iota3A, %sub3A_8 : vector<16x84x2048xi32>
    %jit3A_10 = arith.constant 84 : i32
    %broadcast_in_dim3A_11 = vector.broadcast %jit3A_10 : i32 to vector<16x84x2048xi32>
    %select_n3A_12 = arith.select %eq3A_7, %sub3A_9, %broadcast_in_dim3A_11 : vector<16x84x2048xi1>, vector<16x84x2048xi32>
    %reduce_min3A = arith.constant dense<2147483647> : vector<16x2048xi32>
    %reduce_min3A_13 = vector.multi_reduction <minsi>, %select_n3A_12, %reduce_min3A [1] : vector<16x84x2048xi32> to vector<16x2048xi32>
    %bitcast_convert_type3A = tpu.bitcast %reduce_max3A_5 : vector<16x2048xf32> -> vector<16x2048xi32>
    %lt3A = arith.constant 0 : i32
    %lt3A_14 = vector.broadcast %lt3A : i32 to vector<16x2048xi32>
    %lt3A_15 = arith.cmpi slt, %bitcast_convert_type3A, %lt3A_14 : vector<16x2048xi32>
    %xor3A = arith.constant 2147483647 : i32
    %xor3A_16 = vector.broadcast %xor3A : i32 to vector<16x2048xi32>
    %xor3A_17 = arith.xori %bitcast_convert_type3A, %xor3A_16 : vector<16x2048xi32>
    %select_n3A_18 = arith.select %lt3A_15, %xor3A_17, %bitcast_convert_type3A : vector<16x2048xi1>, vector<16x2048xi32>
    %swap3A = arith.constant 0 : index
    %swap3A_19 = arith.constant 0 : index
    %swap3A_20 = vector.load %arg2[%swap3A, %swap3A_19] : memref<16x2048xi32, #tpu.memory_space<vmem>>, vector<16x2048xi32>
    tpu.vector_store %arg2[%swap3A, %swap3A_19], %select_n3A_18 {strides = array<i32>} : memref<16x2048xi32, #tpu.memory_space<vmem>>, vector<16x2048xi32>,
    %swap3A_21 = arith.constant 0 : index
    %swap3A_22 = arith.constant 0 : index
    %swap3A_23 = vector.load %arg3[%swap3A_21, %swap3A_22] : memref<16x2048xi32, #tpu.memory_space<vmem>>, vector<16x2048xi32>
    tpu.vector_store %arg3[%swap3A_21, %swap3A_22], %reduce_min3A_13 {strides = array<i32>} : memref<16x2048xi32, #tpu.memory_space<vmem>>, vector<16x2048xi32>,
    return
  }
  func.func @transform_0(%arg0: i32) -> (i32, i32, i32) {
    %c0_i32 = arith.constant 0 : i32
    %c0_i32_0 = arith.constant 0 : i32
    %c0_i32_1 = arith.constant 0 : i32
    return %c0_i32, %c0_i32_0, %arg0 : i32, i32, i32
  }
  func.func @transform_1(%arg0: i32) -> (i32, i32) {
    %c0_i32 = arith.constant 0 : i32
    %c0_i32_0 = arith.constant 0 : i32
    return %c0_i32, %arg0 : i32, i32
  }
  func.func @transform_2(%arg0: i32) -> (i32, i32) {
    %c0_i32 = arith.constant 0 : i32
    %c0_i32_0 = arith.constant 0 : i32
    return %c0_i32, %arg0 : i32, i32
  }
}

</mosaic_0001>

<sc_bundles>
// kernel: kernel.4.cloned.1.call-start
scs
__scs_entry_jumppad:
0x0: {  	(pc) =	sbr.rel $0x88, $3  }
0x1: {  	(tag) =	ssettag $0x0;
	lr =	simm.s32 $0x1  }
0x2: {  	[smem:$0x3F9F] =	sst lr;
	_ =	strace $0xD0000000  }
0x3: {  	_ = 	snop  }
0x4: {  	_ = 	snop  }
0x5: {  	_ = 	snop  }
0x6: {  	_ = 	snop  }
0x7: {  	_ = 	snop  }
__scs_overlays_trampoline_lowered:
0x8: {  	[smem:$0x3FAE] =	sst s0  }
0x9: {  	[smem:$0x3FAF] =	sst s1  }
0xa: {  	[smem:$0x3FB0] =	sst s2  }
0xb: {  	[smem:$0x3FB1] =	sst s3  }
0xc: {  	[smem:$0x3FB2] =	sst s4  }
0xd: {  	[smem:$0x3FB3] =	sst s5  }
0xe: {  	[smem:$0x3FB4] =	sst s6  }
0xf: {  	[smem:$0x3FB5] =	sst s7  }
0x10: {  	[smem:$0x3FB6] =	sst s8  }
0x11: {  	[smem:$0x3FB7] =	sst s9;
	s0 =	simm.s32 @!p0 $0x0  }
0x12: {  	s1 =	sld [smem:$0x3F9D];
	s0 =	simm.s32 @p0 $0x1  }
0x13: {  	[smem:$0x3FB8] =	sst s0;
	s0 =	simm.s32 @!p1 $0x0  }
0x14: {  	s2 =	sld [smem:$0x3F9C];
	s0 =	simm.s32 @p1 $0x1  }
0x15: {  	[smem:$0x3FB9] =	sst s0;
	s0 =	simm.s32 @!p2 $0x0  }
0x16: {  	s3 =	sld [smem:$0x3FDB];
	s0 =	simm.s32 @p2 $0x1  }
0x17: {  	s4 =	simm.s32 $0x1BF5;
	[smem:$0x3FBB] =	sst s0  }
0x18: {  	s0 =	sld [smem:$0x3F9E];
	_ =	swait.ge [sflag:s4], $0x0  }
0x19: {  	s7 =	sld [smem:$0x3F9F]  }
0x1a: {  	s8 =	sadd.s32 $0xFFFFE003, lr  }
0x1b: {  	s9 =	sadd.s32 $0xFFFFFEF7, lr;
	s5 =	simm.s32 $0xFFFFFFFF;
	p2 =	slt.u32 s8, $0xFFFFF086  }
0x1c: {  	p1 =	slt.u32 s9, $0xF7A;
	s5 =	simm.s32 @!p2 $0x0  }
0x1d: {  	s5 =	simm.s32 @p1 $0x1;
	p0 =	seq.s32 s7, s2  }
0x1e: {  	s7 =	smul.u32 @!p0 $0xF7A, s2;
	p2 =	seq.s32 @!p0 s5, $0x0  }
0x1f: {  	s9 =	smul.u32 $0xF7A, s1;
	s8 =	simm.s32 @!p0 $0x1BF5;
	p2 =	por !p2, p0  }
0x20: {  	[sflag:s8] =	ssyncset.s32 @!p0 $0xFFFFF086;
	s6 =	sadd.s32 @!p0 s3, s7;
	s7 =	simm.s32 @!p0 $0x108  }
0x21: {  	s3 =	sadd.s32 s3, s9;
	s6 =	sadd.s32 @!p0 $0x88, s6;
	s7 =	simm.s32 @p2 $0x1082  }
0x22: {  	[simem:s7], [sflag:s8] =	dma.local @!p0 [hbm:s6], $0xF7A  }
0x23: {  	s9 =	sor.u32 $0xD0000000, s2;
	s6 =	simm.s32 $0x108;
	_ =	swait.ge @!p0 [sflag:s8], $0x0  }
0x24: {  	s3 =	sadd.s32 $0x88, s3;
	s6 =	simm.s32 @!p1 $0x1082;
	[sflag:s4] =	ssyncset.s32 $0xFFFFF086  }
0x25: {  	[simem:s6], [sflag:s4] =	dma.local [hbm:s3], $0xF7A  }
0x26: {  	[smem:$0x3F9F] =	sst s1;
	(tag) =	ssettag s2;
	_ =	strace s9  }
0x27: {  	s1 =	sld [smem:$0x3FAF]  }
0x28: {  	s2 =	sld [smem:$0x3FB0]  }
0x29: {  	s4 =	sld [smem:$0x3FB2]  }
0x2a: {  	p0 =	seq.s32 s5, $0x0;
	s5 =	sld [smem:$0x3FB3]  }
0x2b: {  	s6 =	sld [smem:$0x3FB4]  }
0x2c: {  	s7 =	sld [smem:$0x3FB5]  }
0x2d: {  	s3 =	simm.s32 $0x108;
	s8 =	sld [smem:$0x3FB6]  }
0x2e: {  	s3 =	simm.s32 @!p0 $0x1082;
	s9 =	sld [smem:$0x3FB7]  }
0x2f: {  	lr =	sadd.s32 s0, s3;
	s0 =	sld [smem:$0x3FAE]  }
0x30: {  	s3 =	sld [smem:$0x3FB1]  }
0x31: {  	[smem:$0x3FBA] =	sst s10  }
0x32: {  	s10 =	sld [smem:$0x3FB8];
	_ =	sdelay $0x3  }
0x33: {  	p0 =	seq.s32 s10, $0x1;
	s10 =	sld [smem:$0x3FBA];
	_ =	sdelay $0x3  }
0x34: {  	[smem:$0x3FBA] =	sst s10  }
0x35: {  	s10 =	sld [smem:$0x3FB9];
	_ =	sdelay $0x3  }
0x36: {  	p1 =	seq.s32 s10, $0x1;
	s10 =	sld [smem:$0x3FBA];
	_ =	sdelay $0x3  }
0x37: {  	[smem:$0x3FBA] =	sst s10  }
0x38: {  	s10 =	sld [smem:$0x3FBB]  }
0x39: {  	_ = 	snop;
	(pc) =	sbr.ind lr, $3  }
0x3a: {  	_ = 	snop  }
0x3b: {  	_ = 	snop  }
0x3c: {  	p2 =	seq.s32 s10, $0x1;
	s10 =	sld [smem:$0x3FBA]  }
0x3d: {  	_ =	shalt  }
0x3e: {  	_ =	shalt  }
0x3f: {  	_ =	shalt  }
0x40: {  	_ =	shalt  }
0x41: {  	_ =	shalt  }
0x42: {  	_ =	shalt  }
0x43: {  	_ =	shalt  }
0x44: {  	_ =	shalt  }
0x45: {  	_ =	shalt  }
0x46: {  	_ =	shalt  }
0x47: {  	_ =	shalt  }
0x48: {  	_ =	shalt  }
0x49: {  	_ =	shalt  }
0x4a: {  	_ =	shalt  }
0x4b: {  	_ =	shalt  }
0x4c: {  	_ =	shalt  }
0x4d: {  	_ =	shalt  }
0x4e: {  	_ =	shalt  }
0x4f: {  	_ =	shalt  }
0x50: {  	_ =	shalt  }
0x51: {  	_ =	shalt  }
0x52: {  	_ =	shalt  }
0x53: {  	_ =	shalt  }
0x54: {  	_ =	shalt  }
0x55: {  	_ =	shalt  }
0x56: {  	_ =	shalt  }
0x57: {  	_ =	shalt  }
0x58: {  	_ =	shalt  }
0x59: {  	_ =	shalt  }
0x5a: {  	_ =	shalt  }
0x5b: {  	_ =	shalt  }
0x5c: {  	_ =	shalt  }
0x5d: {  	_ =	shalt  }
0x5e: {  	_ =	shalt  }
0x5f: {  	_ =	shalt  }
0x60: {  	_ =	shalt  }
0x61: {  	_ =	shalt  }
0x62: {  	_ =	shalt  }
0x63: {  	_ =	shalt  }
0x64: {  	_ =	shalt  }
0x65: {  	_ =	shalt  }
0x66: {  	_ =	shalt  }
0x67: {  	_ =	shalt  }
0x68: {  	_ =	shalt  }
0x69: {  	_ =	shalt  }
0x6a: {  	_ =	shalt  }
0x6b: {  	_ =	shalt  }
0x6c: {  	_ =	shalt  }
0x6d: {  	_ =	shalt  }
0x6e: {  	_ =	shalt  }
0x6f: {  	_ =	shalt  }
0x70: {  	_ =	shalt  }
0x71: {  	_ =	shalt  }
0x72: {  	_ =	shalt  }
0x73: {  	_ =	shalt  }
0x74: {  	_ =	shalt  }
0x75: {  	_ =	shalt  }
0x76: {  	_ =	shalt  }
0x77: {  	_ =	shalt  }
0x78: {  	_ =	shalt  }
0x79: {  	_ =	shalt  }
0x7a: {  	_ =	shalt  }
0x7b: {  	_ =	shalt  }
0x7c: {  	_ =	shalt  }
0x7d: {  	_ =	shalt  }
0x7e: {  	_ =	shalt  }
0x7f: {  	_ =	shalt  }
0x80: {  	_ =	shalt  }
0x81: {  	_ =	shalt  }
0x82: {  	_ =	shalt  }
0x83: {  	_ =	shalt  }
0x84: {  	_ =	shalt  }
0x85: {  	_ =	shalt  }
0x86: {  	_ =	shalt  }
0x87: {  	_ =	shalt  }
.Lfunc_end0:
.L_simem_size_0:
called_computation_lowered:
.L_overlay_start_0:
0x88: {  	s2 =	sld [smem:$0x3FD9]  }
0x89: {  	s3 =	sld [smem:$0x3FFE];
	_ =	sdelay $0x1  }
0x8a: {  	s1 =	srdreg.scid  }
0x8b: {  	s0 =	sand.u32 $0x1, s1  }
0x8c: {  	s17 =	sshll.u32 s0, $0xA;
	s2 =	sadd.s32 s3, s2  }
0x8d: {  	s2 =	sadd.s32 s2, s17  }
0x8e: {  	[smem:$0x3FC6] =	sst s2  }
0x8f: {  	_ = 	snop  }
0x90: {  	s2 =	sld [smem:$0x3FD0];
	(tm) =	ssettm $0x1  }
0x91: {  	s18 =	sld [smem:$0x3FFB];
	_ =	sdelay $0x3  }
0x92: {  	_ =	strace s18  }
0x93: {  	s3 =	sld [smem:$0x3FFC];
	_ =	sdelay $0x3  }
0x94: {  	_ =	strace s3  }
0x95: {  	s3 =	sld [smem:$0x3FFD];
	_ =	sdelay $0x3  }
0x96: {  	_ =	strace s3  }
0x97: {  	_ =	strace $0x8FFFFFFF  }
0x98: {  	s19 =	sld [smem:$0x3FDB];
	_ =	sdelay $0x1  }
0x99: {  	s4 =	simm.s32 $_scs_section_size  }
0x9a: {  	s5 =	simm.s32 $_size__tile_overlayer_lowered;
	s6 =	simm.s32 $_tile_overlayer_lowered  }
0x9b: {  	s22 =	simm.s32 $0x1BFF;
	s21 =	sshll.u32 s6, $0x1;
	s3 =	sadd.s32 s4, s19  }
0x9c: {  	s7 =	simm.s32 $0x0;
	s20 =	sshll.u32 s5, $0x1;
	s5 =	sadd.s32 s21, s3  }
0x9d: {  	[timem:s7], [sflag:s22] =	dma.local [hbm:s5], s20  }
0x9e: {  	_ =	swait.ge [sflag:s22], s20  }
0x9f: {  	s4 =	ssub.s32 $0x0, s20;
	[sflag:s22] =	ssyncset.done $0x0  }
0xa0: {  	[sflag:s22] =	ssyncadd.s32 s4;
	_ =	sdelay $0x1  }
0xa1: {  	s23 =	simm.s32 $0x1B8B  }
0xa2: {  	_ =	swait.ge [sflag:s23], $0x1  }
0xa3: {  	[sflag:s23] =	ssyncset.done $0x0  }
0xa4: {  	s25 =	simm.s32 $0x1B8E;
	s24 =	sld [smem:$0x3FFE];
	[sflag:s23] =	ssyncadd.s32 $0xFFFFFFFF  }
0xa5: {  	s26 =	simm.s32 $execute0_lowered;
	[smem:$0x3FD2] =	sst s25  }
0xa6: {  	s5 =	sshll.u32 s26, $0x1;
	_ =	strace $0x80000046;
	[dreg:$0x1] =	wrdreg $0xFFFFFFFF  }
0xa7: {  	s28 =	simm.s32 $_size_execute0_lowered;
	s3 =	sadd.s32 s3, s5;
	[dreg:$0x0] =	wrdreg $0x0  }
0xa8: {  	s5 =	sshll.u32 s28, $0x1;
	[dreg:$0x2] =	wrdreg s3  }
0xa9: {  	[dreg:$0x3] =	wrdreg s5  }
0xaa: {  	[dreg:$0x4] =	wrdreg $0xC0  }
0xab: {  	_ =	task [dreg:s7], $0x5FFFF  }
0xac: {  	[dreg:$0x1] =	wrdreg $0xFFFFFFFF  }
0xad: {  	[dreg:$0x0] =	wrdreg $0x60  }
0xae: {  	[dreg:$0x2] =	wrdreg s24  }
0xaf: {  	[dreg:$0x3] =	wrdreg s2  }
0xb0: {  	[dreg:$0x4] =	wrdreg $0x9  }
0xb1: {  	_ =	task.clear_ibuf [dreg:s7], $0x5FFFF;
	_ =	strace $0x90000046  }
0xb2: {  	s29 =	simm.s32 $0x9;
	_ =	strace $0x80000048  }
0xb3: {  	_ =	swait.ge [sflag:s29], $0x1  }
0xb4: {  	[sflag:s29] =	ssyncadd.s32 $0xFFFFFFFF  }
0xb5: {  	_ =	strace $0x90000048  }
0xb6: {  	_ =	sfence  }
0xb7: {  	s30 =	sld [smem:$0x0];
	_ =	sdelay $0x2  }
0xb8: {  	s31 =	sshll.u32 s1, $0xD;
	s1 =	sshrl.u32 s1, $0x2  }
0xb9: {  	s3 =	sand.u32 $0x4000, s31;
	s1 =	sadd.s32 s1, s30  }
0xba: {  	s0 =	sor.u32 s3, s0;
	s1 =	sshll.u32 s1, $0x11  }
0xbb: {  	s0 =	sor.u32 s1, s0  }
0xbc: {  	s0 =	sadd.s32 $0x8F2B, s0  }
0xbd: {  	[sflag:s0] =	ssyncadd.remote.s32 $0x1  }
0xbe: {  	_ =	sfence.sel $0xFFFF  }
0xbf: {  	[dreg:$0x0] =	wrdreg $0xFFFFFFFF;
	(pc) =	sbr.abs _section_cstart, $3  }
0xc0: {  	[dreg:$0x1] =	wrdreg $0xFFFFFFFF  }
0xc1: {  	_ =	task.clear_ibuf [dreg:s7], $0x2FFFF;
	_ =	strace $0x9FFFFFFF  }
0xc2: {  	(tm) =	ssettm $0x7FFFFFFF  }
0xc3: {  	_ =	shalt  }
tec
execute0_lowered:
.L_overlay_start_1:
0x0: {  	(tag) =	ssettag $0x1  }
0x1: {  	s3 =	stileid.u32  }
0x2: {  	p0 =	sgt.u32 s3, $0x7  }
.Ltmp0:
0x3: {  	_ = 	snop;
	(pc) =	sbr.rel @p0 .LBB2_51-.Ltmp0, $4  }
0x4: {  	_ = 	snop  }
0x5: {  	s1 =	rddreg [dreg:$0x0];
	s2 =	simm.s32 $0x0  }
0x6: {  	[smem:$0x7FF] =	sst s2  }
0x7: {  	s0 =	rddreg [dreg:$0x1];
	_ =	strace $0x80000047  }
0x8: {  	s3 =	srdreg.scid;
	s10 =	stileid.u32;
	s6 =	sadd.s32 $0x360400, s1  }
0x9: {  	s7 =	sadd.s32 $0x36A200, s1;
	s9 =	sadd.s32 $0xC00, s1;
	s13 =	simm.s32 $0x9D00  }
0xa: {  	s14 =	simm.s32 $0x3;
	s16 =	simm.s32 $0x1D700;
	s17 =	simm.s32 $0x1D740  }
0xb: {  	s18 =	simm.s32 $0x1EF00;
	s19 =	simm.s32 $0x1EE80;
	s4 =	sand.u32 $0x1, s3  }
0xc: {  	s20 =	simm.s32 $0x1;
	s21 =	simm.s32 $0x2;
	s3 =	sshll.u32 s4, $0x3  }
0xd: {  	s22 =	simm.s32 $0x1ED80;
	s23 =	simm.s32 $0x1EF80;
	s5 =	sadd.s32 s10, s3  }
0xe: {  	s24 =	simm.s32 $0x0;
	s8 =	sshrl.u32 s5, $0x3;
	s29 =	smul.u32 $0x64, s5  }
0xf: {  	s11 =	ssub.s32 $0x2, s4;
	s3 =	sadd.s32 $0xA00, s1;
	s28 =	smul.u32 $0x27400, s8  }
0x10: {  	v0 =	vlaneseq.u32;
	s10 =	sshll.u32 s10, $0x7;
	s31 =	sshrl.u32 s11, $0x1;
	s12 =	scvt.s32.f32 s5  }
0x11: {  	v3 =	vimm.s32 $0x0;
	v2 =	vmul.u32 $0x8, v0;
	s30 =	smul.u32 $0x35F80, s5;
	s4 =	sadd.s32 s0, s29;
	s1 =	sor.u32 s10, s28  }
0x12: {  	v5 =	vimm.s32 $0x1;
	vm0 =	vmmov $0xf;
	v6 =	vimm.s32 $0x80000000;
	s0 =	ssub.s32 s11, s31;
	s11 =	simm.s32 $0x4E80;
	s1 =	sshrl.u32 s1, $0x3  }
0x13: {  	v4 =	vor.u32 $0x800, v0;
	v7 =	vor.u32 $0x1, v2;
	v8 =	vor.u32 $0x2, v2;
	s8 =	smax.u32 s0, $0x1;
	s10 =	simm.s32 $0x400;
	s5 =	sadd.s32 s6, s1  }
0x14: {  	v9 =	vor.u32 $0x3, v2;
	v10 =	vor.u32 $0x4, v2;
	v1 =	vmov s12;
	s6 =	sadd.s32 s9, s30;
	s7 =	sadd.s32 s7, s1;
	s9 =	simm.s32 $0x80  }
.LBB2_2:
0x15: {  	[tilespmem:s11], [sflag:$0x1] =	stream.strided.gather [hbm4b:s7+s9], $0x4E80, s10, s9, $0x38;
	[tilespmem:$0x1F380] =	vst v63  }
0x16: {  	s0 =	simm.s32 $0x200  }
0x17: {  	[tilespmem:s13], [sflag:$0x2] =	stream.strided.gather [hbm4b:s6+s0], $0x13A00, s10, s0, $0x38;
	[tilespmem:$0x1F380] =	vst v63  }
0x18: {  	_ = 	snop  }
0x19: {  	[tilespmem:s2], [sflag:$0x3] =	stream.strided.gather [hbm4b:s5+s9], $0x4E80, s10, s9, $0x38;
	[tilespmem:$0x1F380] =	vst v63  }
0x1a: {  	_ =	swait.ge [sflag:s14], $0x4E80  }
0x1b: {  	[sflag:s14] =	ssyncset.done $0x0  }
0x1c: {  	s31 =	simm.s32 $0x1F300;
	[sflag:s14] =	ssyncadd.s32 $0xFFFFB180  }
0x1d: {  	[tilespmem:s31], [sflag:$0x3] =	stream.linear.gather [hbm4b:s3+s2], $0x80, $0x38;
	[tilespmem:$0x1F380] =	vst v63  }
0x1e: {  	_ =	swait.ge [sflag:s14], $0x80  }
0x1f: {  	[sflag:s14] =	ssyncset.done $0x0  }
0x20: {  	[sflag:s14] =	ssyncadd.s32 $0xFFFFFF80  }
0x21: {  	[tilespmem:s17+$0xFFFFFFC0] =	vst v3  }
0x22: {  	[tilespmem:s17+$0x30] =	vst v3  }
0x23: {  	[tilespmem:s17+$0x20] =	vst v3  }
0x24: {  	[tilespmem:s17+$0x10] =	vst v3  }
0x25: {  	[tilespmem:s17+$0x0] =	vst v3  }
0x26: {  	[tilespmem:s17+$0xFFFFFFF0] =	vst v3  }
0x27: {  	s25 =	simm.s32 $0x0;
	s26 =	simm.s32 $0x1D740;
	s0 =	simm.s32 $0x20;
	[tilespmem:s17+$0xFFFFFFE0] =	vst v3  }
.LBB2_3:
0x28: {  	s25 =	sadd.s32 $0x8, s25;
	[tilespmem:s26+$0xFFFFFFD0] =	vst v3;
	s26 =	sadd.s32 $0x80, s26;
	s1 =	simm.s32 $0xFFFFFFFB  }
0x29: {  	[tilespmem:s26+$0xFFFFFFC0] =	vst v3;
	p0 =	slt.u32 s25, $0xF8  }
0x2a: {  	[tilespmem:s26+$0x30] =	vst v3  }
.Ltmp1:
0x2b: {  	[tilespmem:s26+$0x20] =	vst v3;
	(pc) =	sbr.rel @p0 .LBB2_3-.Ltmp1, $4  }
0x2c: {  	[tilespmem:s26+$0x10] =	vst v3  }
0x2d: {  	[tilespmem:s26+$0x0] =	vst v3  }
0x2e: {  	[tilespmem:s26+$0xFFFFFFF0] =	vst v3  }
0x2f: {  	[tilespmem:s26+$0xFFFFFFE0] =	vst v3  }
0x30: {  	[tilespmem:s26+$0xFFFFFFD0] =	vst v3  }
.LBB2_5:
0x31: {  	v11 =	vld [tilespmem:s0+$0xFFFFFFE0];
	_ =	sdelay $0x4  }
0x32: {  	v11 =	vshra.s32 v11, $0x14  }
0x33: {  	v11 =	vand.u32 $0xFFFFFFF0, v11  }
0x34: {  	v11 =	vadd.s32 v4, v11;
	_ =	sdelay $0x4  }
0x35: {  	[tilespmem:v11+s16+$0x0] =	vst.idx.add.s32.msk $0xffff, v5  }
0x36: {  	v11 =	vld [tilespmem:s0+$0xFFFFFFF0];
	_ =	sdelay $0x4  }
0x37: {  	v11 =	vshra.s32 v11, $0x14  }
0x38: {  	v11 =	vand.u32 $0xFFFFFFF0, v11  }
0x39: {  	v11 =	vadd.s32 v4, v11;
	_ =	sdelay $0x4  }
0x3a: {  	[tilespmem:v11+s16+$0x0] =	vst.idx.add.s32.msk $0xffff, v5  }
0x3b: {  	v11 =	vld [tilespmem:s0+$0x0];
	_ =	sdelay $0x4  }
0x3c: {  	v11 =	vshra.s32 v11, $0x14  }
0x3d: {  	v11 =	vand.u32 $0xFFFFFFF0, v11  }
0x3e: {  	v11 =	vadd.s32 v4, v11;
	_ =	sdelay $0x4  }
0x3f: {  	[tilespmem:v11+s16+$0x0] =	vst.idx.add.s32.msk $0xffff, v5  }
0x40: {  	v11 =	vld [tilespmem:s0+$0x10];
	_ =	sdelay $0x4  }
0x41: {  	v11 =	vshra.s32 v11, $0x14  }
0x42: {  	v11 =	vand.u32 $0xFFFFFFF0, v11  }
0x43: {  	v11 =	vadd.s32 v4, v11;
	_ =	sdelay $0x4  }
0x44: {  	[tilespmem:v11+s16+$0x0] =	vst.idx.add.s32.msk $0xffff, v5  }
0x45: {  	v11 =	vld [tilespmem:s0+$0x20];
	_ =	sdelay $0x4  }
0x46: {  	v11 =	vshra.s32 v11, $0x14  }
0x47: {  	s1 =	sadd.s32 $0x5, s1;
	v11 =	vand.u32 $0xFFFFFFF0, v11  }
0x48: {  	p0 =	slt.u32 s1, $0x4DD;
	v11 =	vadd.s32 v4, v11  }
.Ltmp2:
0x49: {  	_ = 	snop;
	(pc) =	sbr.rel @p0 .LBB2_5-.Ltmp2, $3  }
0x4a: {  	_ =	sdelay $0x1  }
0x4b: {  	s25 =	simm.s32 $0x0;
	s28 =	simm.s32 $0x1E6F0;
	s29 =	simm.s32 $0xFF  }
0x4c: {  	s26 =	simm.s32 $0x0;
	s30 =	simm.s32 $0x0;
	s0 =	sadd.s32 $0x50, s0;
	[tilespmem:v11+s16+$0x0] =	vst.idx.add.s32.msk $0xffff, v5  }
.LBB2_6:
0x4d: {  	v11 =	vld [tilespmem:s28+$0x0];
	_ =	sdelay $0x4  }
0x4e: {  	(xrf0) =	vadd.scan.msk.s32 $0xffff, v11;
	_ =	sdelay $0x5  }
0x4f: {  	v11, _, _ =	vpop (xrf0)  }
0x50: {  	(v2sf) =	vpush v11, $0xF;
	_ =	sdelay $0xe  }
0x51: {  	s1 =	spop (v2sf)  }
0x52: {  	s0 =	smov.u32 s26;
	p0 =	sgt.u32 s30, $0xFE;
	s26 =	sadd.s32 s26, s1  }
0x53: {  	p2 =	sgt.s32 @!p0 s26, $0x63  }
0x54: {  	p2 =	por p0, p2  }
.Ltmp3:
0x55: {  	_ = 	snop;
	(pc) =	sbr.rel @!p2 .LBB2_6-.Ltmp3, $3  }
0x56: {  	_ =	sdelay $0x1  }
0x57: {  	s30 =	sadd.s32 $0x1, s30;
	s28 =	sadd.s32 $0xFFFFFFF0, s28;
	p1 =	sgt.s32 s26, $0x63  }
0x58: {  	s25 =	smov.u32 @p1 s29;
	s29 =	sadd.s32 $0xFFFFFFFF, s29;
	s26 =	smov.u32 @p1 s0  }
0x59: {  	s0 =	simm.s32 $0x1D740;
	s1 =	simm.s32 $0xFFFFFFF8  }
0x5a: {  	s0 =	simm.s32 @p0 $0x1D740;
	s1 =	simm.s32 @p0 $0xFFFFFFF8  }
0x5b: {  	[tilespmem:s0+$0xFFFFFFC0] =	vst v3;
	s1 =	sadd.s32 $0x8, s1  }
0x5c: {  	[tilespmem:s0+$0x30] =	vst v3;
	p0 =	slt.u32 s1, $0xF8  }
.Ltmp4:
0x5d: {  	[tilespmem:s0+$0x20] =	vst v3;
	(pc) =	sbr.rel @!p0 .LBB2_9-.Ltmp4, $4  }
0x5e: {  	[tilespmem:s0+$0x10] =	vst v3  }
0x5f: {  	[tilespmem:s0+$0x0] =	vst v3  }
0x60: {  	[tilespmem:s0+$0xFFFFFFF0] =	vst v3  }
0x61: {  	[tilespmem:s0+$0xFFFFFFE0] =	vst v3  }
.LBB2_8:
0x62: {  	s1 =	sadd.s32 $0x8, s1;
	[tilespmem:s0+$0xFFFFFFD0] =	vst v3;
	s0 =	sadd.s32 $0x80, s0  }
0x63: {  	[tilespmem:s0+$0xFFFFFFC0] =	vst v3;
	p0 =	slt.u32 s1, $0xF8  }
0x64: {  	[tilespmem:s0+$0x30] =	vst v3  }
.Ltmp5:
0x65: {  	[tilespmem:s0+$0x20] =	vst v3;
	(pc) =	sbr.rel @p0 .LBB2_8-.Ltmp5, $4  }
0x66: {  	[tilespmem:s0+$0x10] =	vst v3  }
0x67: {  	[tilespmem:s0+$0x0] =	vst v3  }
0x68: {  	[tilespmem:s0+$0xFFFFFFF0] =	vst v3  }
0x69: {  	[tilespmem:s0+$0xFFFFFFE0] =	vst v3  }
.LBB2_9:
0x6a: {  	[tilespmem:s0+$0xFFFFFFD0] =	vst v3;
	v11 =	vmov s25;
	s0 =	simm.s32 $0xFFFFFFFB;
	s1 =	simm.s32 $0x20  }
.LBB2_10:
0x6b: {  	v12 =	vld [tilespmem:s1+$0xFFFFFFE0];
	_ =	sdelay $0x4  }
0x6c: {  	v13 =	vshra.s32 v12, $0x18  }
0x6d: {  	v12 =	vshrl.u32 v12, $0xC;
	v13 =	vadd.s32 $0x80, v13  }
0x6e: {  	v12 =	vand.u32 $0xFF0, v12;
	vm1 =	veq.s32 v13, v11  }
0x6f: {  	v12 =	vor.u32 v0, v12;
	_ =	sdelay $0x4  }
0x70: {  	[tilespmem:v12+s16+$0x0] =	vst.idx.add.s32.msk vm1, v5  }
0x71: {  	v12 =	vld [tilespmem:s1+$0xFFFFFFF0];
	_ =	sdelay $0x4  }
0x72: {  	v60 =	vshra.s32 v12, $0x18  }
0x73: {  	v12 =	vshrl.u32 v12, $0xC;
	v13 =	vadd.s32 $0x80, v60  }
0x74: {  	v12 =	vand.u32 $0xFF0, v12;
	vm1 =	veq.s32 v13, v11  }
0x75: {  	v12 =	vor.u32 v0, v12;
	_ =	sdelay $0x4  }
0x76: {  	[tilespmem:v12+s16+$0x0] =	vst.idx.add.s32.msk vm1, v5  }
0x77: {  	v12 =	vld [tilespmem:s1+$0x0];
	_ =	sdelay $0x4  }
0x78: {  	v61 =	vshra.s32 v12, $0x18  }
0x79: {  	v12 =	vshrl.u32 v12, $0xC;
	v13 =	vadd.s32 $0x80, v61  }
0x7a: {  	v12 =	vand.u32 $0xFF0, v12;
	vm1 =	veq.s32 v13, v11  }
0x7b: {  	v12 =	vor.u32 v0, v12;
	_ =	sdelay $0x4  }
0x7c: {  	[tilespmem:v12+s16+$0x0] =	vst.idx.add.s32.msk vm1, v5  }
0x7d: {  	v12 =	vld [tilespmem:s1+$0x10];
	_ =	sdelay $0x4  }
0x7e: {  	v62 =	vshra.s32 v12, $0x18  }
0x7f: {  	v12 =	vshrl.u32 v12, $0xC;
	v13 =	vadd.s32 $0x80, v62  }
0x80: {  	v12 =	vand.u32 $0xFF0, v12;
	vm1 =	veq.s32 v13, v11  }
0x81: {  	v12 =	vor.u32 v0, v12;
	_ =	sdelay $0x4  }
0x82: {  	[tilespmem:v12+s16+$0x0] =	vst.idx.add.s32.msk vm1, v5  }
0x83: {  	v12 =	vld [tilespmem:s1+$0x20];
	_ =	sdelay $0x4  }
0x84: {  	v63 =	vshra.s32 v12, $0x18  }
0x85: {  	v12 =	vshrl.u32 v12, $0xC;
	v13 =	vadd.s32 $0x80, v63  }
0x86: {  	s0 =	sadd.s32 $0x5, s0;
	v12 =	vand.u32 $0xFF0, v12;
	vm1 =	veq.s32 v13, v11  }
0x87: {  	p0 =	slt.u32 s0, $0x4DD;
	v12 =	vor.u32 v0, v12  }
.Ltmp6:
0x88: {  	_ = 	snop;
	(pc) =	sbr.rel @p0 .LBB2_10-.Ltmp6, $2  }
0x89: {  	_ =	sdelay $0x2  }
0x8a: {  	s1 =	sadd.s32 $0x50, s1;
	[tilespmem:v12+s16+$0x0] =	vst.idx.add.s32.msk vm1, v5  }
0x8b: {  	s28 =	ssub.s32 $0x64, s26;
	s29 =	simm.s32 $0x0;
	s1 =	simm.s32 $0x1E6F0  }
0x8c: {  	s26 =	simm.s32 $0xFF;
	s0 =	simm.s32 $0x0;
	s30 =	simm.s32 $0x0  }
.LBB2_12:
0x8d: {  	v11 =	vld [tilespmem:s1+$0x0];
	_ =	sdelay $0x4  }
0x8e: {  	(xrf0) =	vadd.scan.msk.s32 $0xffff, v11;
	_ =	sdelay $0x5  }
0x8f: {  	v11, _, _ =	vpop (xrf0)  }
0x90: {  	(v2sf) =	vpush v11, $0xF;
	_ =	sdelay $0xe  }
0x91: {  	s12 =	smov.u32 s29;
	s29 =	spop (v2sf)  }
0x92: {  	p0 =	sgt.u32 s30, $0xFE;
	s29 =	sadd.s32 s12, s29  }
0x93: {  	p2 =	slt.s32 @!p0 s29, s28  }
0x94: {  	p0 =	por p0, !p2  }
.Ltmp7:
0x95: {  	_ = 	snop;
	(pc) =	sbr.rel @!p0 .LBB2_12-.Ltmp7, $3  }
0x96: {  	_ =	sdelay $0x1  }
0x97: {  	s30 =	sadd.s32 $0x1, s30;
	s1 =	sadd.s32 $0xFFFFFFF0, s1;
	p1 =	sge.s32 s29, s28  }
0x98: {  	s0 =	smov.u32 @p1 s26;
	s26 =	sadd.s32 $0xFFFFFFFF, s26;
	s29 =	smov.u32 @p1 s12  }
0x99: {  	[tilespmem:$0x1E700] =	vst v3  }
0x9a: {  	[tilespmem:$0x1E780] =	vst v3  }
0x9b: {  	[tilespmem:$0x1E800] =	vst v3  }
0x9c: {  	[tilespmem:$0x1E710] =	vst v3  }
0x9d: {  	[tilespmem:$0x1E790] =	vst v3  }
0x9e: {  	[tilespmem:$0x1E810] =	vst v3  }
0x9f: {  	[tilespmem:$0x1E720] =	vst v3  }
0xa0: {  	[tilespmem:$0x1E7A0] =	vst v3  }
0xa1: {  	[tilespmem:$0x1E820] =	vst v3  }
0xa2: {  	[tilespmem:$0x1E730] =	vst v3  }
0xa3: {  	[tilespmem:$0x1E7B0] =	vst v3  }
0xa4: {  	[tilespmem:$0x1E830] =	vst v3  }
0xa5: {  	[tilespmem:$0x1E740] =	vst v3  }
0xa6: {  	[tilespmem:$0x1E7C0] =	vst v3  }
0xa7: {  	[tilespmem:$0x1E840] =	vst v3  }
0xa8: {  	[tilespmem:$0x1E750] =	vst v3  }
0xa9: {  	[tilespmem:$0x1E7D0] =	vst v3  }
0xaa: {  	[tilespmem:$0x1E850] =	vst v3  }
0xab: {  	[tilespmem:$0x1E760] =	vst v3  }
0xac: {  	[tilespmem:$0x1E7E0] =	vst v3  }
0xad: {  	[tilespmem:$0x1E860] =	vst v3  }
0xae: {  	[tilespmem:$0x1E770] =	vst v3  }
0xaf: {  	[tilespmem:$0x1E7F0] =	vst v3  }
0xb0: {  	[tilespmem:$0x1E870] =	vst v3  }
0xb1: {  	[tilespmem:$0x1ED80] =	vst v3  }
0xb2: {  	[tilespmem:$0x1ED90] =	vst v3  }
0xb3: {  	[tilespmem:$0x1EDA0] =	vst v3  }
0xb4: {  	[tilespmem:$0x1EDB0] =	vst v3  }
0xb5: {  	[tilespmem:$0x1EDC0] =	vst v3  }
0xb6: {  	[tilespmem:$0x1EDD0] =	vst v3  }
0xb7: {  	[tilespmem:$0x1EDE0] =	vst v3  }
0xb8: {  	[tilespmem:$0x1EDF0] =	vst v3  }
0xb9: {  	[tilespmem:$0x1EE00] =	vst v3  }
0xba: {  	[tilespmem:$0x1EE10] =	vst v3  }
0xbb: {  	[tilespmem:$0x1EE20] =	vst v3  }
0xbc: {  	[tilespmem:$0x1EE30] =	vst v3  }
0xbd: {  	[tilespmem:$0x1EE40] =	vst v3  }
0xbe: {  	[tilespmem:$0x1EE50] =	vst v3  }
0xbf: {  	[tilespmem:$0x1EF00] =	vst v3  }
0xc0: {  	[tilespmem:$0x1EF10] =	vst v3  }
0xc1: {  	[tilespmem:$0x1EF20] =	vst v3  }
0xc2: {  	[tilespmem:$0x1EF30] =	vst v3  }
0xc3: {  	[tilespmem:$0x1EF40] =	vst v3  }
0xc4: {  	[tilespmem:$0x1EF50] =	vst v3  }
0xc5: {  	[tilespmem:$0x1EF60] =	vst v3;
	s1 =	simm.s32 $0x0  }
0xc6: {  	v12 =	vld [tilespmem:s1+$0x0];
	_ =	sdelay $0x1  }
0xc7: {  	s12 =	sshll.u32 s25, $0x8  }
0xc8: {  	s0 =	sadd.s32 s0, s12  }
0xc9: {  	s25 =	sadd.s32 $0xFFFF8000, s0  }
0xca: {  	v11 =	vmov s25;
	v13 =	vshra.s32 v12, $0x10  }
0xcb: {  	vm1 =	veq.s32 v13, v11  }
0xcc: {  	vm2 =	vgt.s32 v13, v11;
	v13 =	vsel vm1, $0x1, v3  }
0xcd: {  	v14 =	vsel vm2, $0x1, v3;
	(xrf0) =	vadd.scan.msk.s32 $0xffff, v13  }
0xce: {  	(xrf0) =	vadd.scan.msk.s32 $0xffff, v14;
	_ =	sdelay $0x4  }
0xcf: {  	v13 =	vor.u32 s1, v0;
	v14, _, _ =	vpop (xrf0)  }
0xd0: {  	[tilespmem:s1+$0x1E800] =	vst.msk vm2, v13;
	(v2sf) =	vpush v14, $0xF;
	v14, _, _ =	vpop (xrf0)  }
0xd1: {  	[tilespmem:s1+$0x1E880] =	vst.msk vm1, v12;
	(v2sf) =	vpush v14, $0xF  }
0xd2: {  	s26 =	simm.s32 $0x10;
	[tilespmem:s1+$0x1EB00] =	vst.msk vm1, v13  }
0xd3: {  	v12 =	vld [tilespmem:s26+$0x0];
	_ =	sdelay $0x4  }
0xd4: {  	v13 =	vshra.s32 v12, $0x10  }
0xd5: {  	vm1 =	veq.s32 v13, v11  }
0xd6: {  	v14 =	vsel vm1, $0x1, v3  }
0xd7: {  	vm2 =	vgt.s32 v13, v11;
	(xrf0) =	vadd.scan.msk.s32 $0xffff, v14  }
0xd8: {  	v13 =	vsel vm2, $0x1, v3  }
0xd9: {  	(xrf0) =	vadd.scan.msk.s32 $0xffff, v13;
	_ =	sdelay $0x1  }
0xda: {  	s12 =	spop (v2sf)  }
0xdb: {  	s31 =	simm.s32 $0x20;
	s0 =	sadd.s32 $0x0, s12;
	s15 =	spop (v2sf)  }
0xdc: {  	v13 =	vor.u32 s26, v0;
	v14, _, _ =	vpop (xrf0);
	s30 =	sadd.s32 $0x0, s12;
	s1 =	sadd.s32 $0x0, s15;
	p1 =	slt.s32 s0, $0x200  }
.LBB2_14:
0xdd: {  	p0 =	sne.s32 s31, $0x4E10  }
0xde: {  	[tilespmem:s1+$0x1E800] =	vst.msk vm2, v13;
	(v2sf) =	vpush v14, $0xF;
	v14, _, _ =	vpop (xrf0);
	s0 =	simm.s32 @!p1 $0x200;
	s12 =	smov.u32 s31;
	s31 =	sadd.s32 $0x10, s31  }
0xdf: {  	[tilespmem:s0+$0x1E880] =	vst.msk vm1, v12;
	(v2sf) =	vpush v14, $0xF  }
0xe0: {  	s26 =	sadd.s32 $0x10, s26;
	[tilespmem:s0+$0x1EB00] =	vst.msk vm1, v13  }
0xe1: {  	v12 =	vld [tilespmem:s26+$0x0];
	_ =	sdelay $0x4  }
0xe2: {  	v13 =	vshra.s32 v12, $0x10  }
0xe3: {  	vm2 =	vgt.s32 v13, v11;
	vm1 =	veq.s32 v13, v11  }
0xe4: {  	v13 =	vsel vm1, $0x1, v3;
	v14 =	vsel vm2, $0x1, v3  }
0xe5: {  	(xrf0) =	vadd.scan.msk.s32 $0xffff, v13  }
0xe6: {  	(xrf0) =	vadd.scan.msk.s32 $0xffff, v14  }
.Ltmp8:
0xe7: {  	(pc) =	sbr.rel @p0 .LBB2_14-.Ltmp8, $4  }
0xe8: {  	_ = 	snop  }
0xe9: {  	s15 =	spop (v2sf)  }
0xea: {  	s30 =	sadd.s32 s30, s15;
	s0 =	sadd.s32 s0, s15;
	s15 =	spop (v2sf)  }
0xeb: {  	v13 =	vor.u32 s12, v0;
	v14, _, _ =	vpop (xrf0);
	s1 =	sadd.s32 s1, s15;
	p1 =	slt.s32 s0, $0x200  }
0xec: {  	(v2sf) =	vpush v14, $0xF;
	_ =	sdelay $0x5  }
0xed: {  	v63, _, _ =	vpop (xrf0)  }
0xee: {  	(v2sf) =	vpush v63, $0xF;
	_ =	sdelay $0x7  }
0xef: {  	s0 =	simm.s32 @!p1 $0x200;
	s12 =	spop (v2sf)  }
0xf0: {  	s31 =	sadd.s32 s0, s12  }
0xf1: {  	s12 =	sadd.s32 s30, s12;
	p0 =	slt.s32 s31, $0x200  }
0xf2: {  	s31 =	simm.s32 @!p0 $0x200;
	p0 =	slt.s32 s12, $0x201  }
.Ltmp9:
0xf3: {  	_ = 	snop;
	(pc) =	sbr.rel @!p0 .LBB2_31-.Ltmp9, $4  }
0xf4: {  	_ = 	snop  }
0xf5: {  	[tilespmem:s1+$0x1E800] =	vst.msk vm2, v13  }
0xf6: {  	s28 =	ssub.s32 s28, s29;
	[tilespmem:s0+$0x1E880] =	vst.msk vm1, v12;
	s15 =	spop (v2sf)  }
0xf7: {  	[tilespmem:s0+$0x1EB00] =	vst.msk vm1, v13;
	s0 =	simm.s32 $0x1D740;
	s26 =	sadd.s32 s1, s15;
	s1 =	simm.s32 $0xFFFFFFF8  }
0xf8: {  	[tilespmem:s0+$0xFFFFFFC0] =	vst v3  }
0xf9: {  	[tilespmem:s0+$0x30] =	vst v3  }
0xfa: {  	[tilespmem:s0+$0x20] =	vst v3  }
0xfb: {  	[tilespmem:s0+$0x10] =	vst v3  }
0xfc: {  	[tilespmem:s0+$0x0] =	vst v3  }
0xfd: {  	[tilespmem:s0+$0xFFFFFFF0] =	vst v3  }
0xfe: {  	s1 =	sadd.s32 $0x8, s1;
	[tilespmem:s0+$0xFFFFFFE0] =	vst v3  }
.LBB2_17:
0xff: {  	s1 =	sadd.s32 $0x8, s1;
	[tilespmem:s0+$0xFFFFFFD0] =	vst v3;
	s0 =	sadd.s32 $0x80, s0  }
0x100: {  	[tilespmem:s0+$0xFFFFFFC0] =	vst v3;
	p0 =	slt.u32 s1, $0xF8  }
0x101: {  	[tilespmem:s0+$0x30] =	vst v3  }
.Ltmp10:
0x102: {  	[tilespmem:s0+$0x20] =	vst v3;
	(pc) =	sbr.rel @p0 .LBB2_17-.Ltmp10, $4  }
0x103: {  	[tilespmem:s0+$0x10] =	vst v3  }
0x104: {  	[tilespmem:s0+$0x0] =	vst v3  }
0x105: {  	[tilespmem:s0+$0xFFFFFFF0] =	vst v3  }
0x106: {  	[tilespmem:s0+$0xFFFFFFE0] =	vst v3  }
0x107: {  	[tilespmem:s0+$0xFFFFFFD0] =	vst v3;
	s0 =	simm.s32 $0x1E880  }
0x108: {  	v11 =	vmov s31;
	s29 =	simm.s32 $0x0;
	s1 =	simm.s32 $0x10;
	s30 =	simm.s32 $0x0;
	v12 =	vld [tilespmem:s0+$0x0]  }
.LBB2_19:
0x109: {  	p0 =	sne.s32 s1, $0x1F0;
	_ =	sdelay $0x3  }
0x10a: {  	v13 =	vor.u32 s30, v0;
	s30 =	smov.u32 s1;
	v12 =	vshrl.u32 v12, $0x4  }
0x10b: {  	vm1 =	vlt.s32 v13, v11;
	v12 =	vand.u32 $0xFF0, v12  }
0x10c: {  	v12 =	vor.u32 v0, v12;
	_ =	sdelay $0x1  }
.Ltmp11:
0x10d: {  	(pc) =	sbr.rel @p0 .LBB2_19-.Ltmp11, $3  }
0x10e: {  	_ =	sdelay $0x1  }
0x10f: {  	s0 =	sadd.s32 $0x10, s0;
	[tilespmem:v12+s16+$0x0] =	vst.idx.add.s32.msk vm1, v5  }
0x110: {  	s1 =	sadd.s32 $0x10, s1;
	v12 =	vld [tilespmem:s0+$0x0]  }
0x111: {  	_ =	sdelay $0x3  }
0x112: {  	v13 =	vor.u32 s30, v0;
	v12 =	vshrl.u32 v12, $0x4  }
0x113: {  	vm1 =	vlt.s32 v13, v11;
	v12 =	vand.u32 $0xFF0, v12  }
0x114: {  	v12 =	vor.u32 v0, v12;
	_ =	sdelay $0x3  }
0x115: {  	s0 =	simm.s32 $0x1E6F0  }
0x116: {  	s1 =	simm.s32 $0xFF;
	s30 =	simm.s32 $0x0;
	s31 =	simm.s32 $0x0;
	[tilespmem:v12+s16+$0x0] =	vst.idx.add.s32.msk vm1, v5  }
.LBB2_21:
0x117: {  	v12 =	vld [tilespmem:s0+$0x0];
	_ =	sdelay $0x4  }
0x118: {  	(xrf0) =	vadd.scan.msk.s32 $0xffff, v12;
	_ =	sdelay $0x5  }
0x119: {  	v12, _, _ =	vpop (xrf0)  }
0x11a: {  	(v2sf) =	vpush v12, $0xF;
	_ =	sdelay $0xe  }
0x11b: {  	s15 =	spop (v2sf)  }
0x11c: {  	s12 =	smov.u32 s29;
	p0 =	sgt.u32 s31, $0xFE;
	s29 =	sadd.s32 s29, s15  }
0x11d: {  	p2 =	sge.s32 @!p0 s29, s28  }
0x11e: {  	p2 =	por p0, p2  }
.Ltmp12:
0x11f: {  	_ = 	snop;
	(pc) =	sbr.rel @!p2 .LBB2_21-.Ltmp12, $3  }
0x120: {  	_ =	sdelay $0x1  }
0x121: {  	s31 =	sadd.s32 $0x1, s31;
	s0 =	sadd.s32 $0xFFFFFFF0, s0;
	p1 =	sge.s32 s29, s28  }
0x122: {  	s30 =	smov.u32 @p1 s1;
	s1 =	sadd.s32 $0xFFFFFFFF, s1;
	s29 =	smov.u32 @p1 s12  }
0x123: {  	s0 =	simm.s32 $0x1D740;
	s1 =	simm.s32 $0xFFFFFFF8  }
0x124: {  	s0 =	simm.s32 @p0 $0x1D740;
	s1 =	simm.s32 @p0 $0xFFFFFFF8  }
0x125: {  	[tilespmem:s0+$0xFFFFFFC0] =	vst v3;
	s1 =	sadd.s32 $0x8, s1  }
0x126: {  	[tilespmem:s0+$0x30] =	vst v3;
	p0 =	slt.u32 s1, $0xF8  }
.Ltmp13:
0x127: {  	[tilespmem:s0+$0x20] =	vst v3;
	(pc) =	sbr.rel @!p0 .LBB2_24-.Ltmp13, $4  }
0x128: {  	[tilespmem:s0+$0x10] =	vst v3  }
0x129: {  	[tilespmem:s0+$0x0] =	vst v3  }
0x12a: {  	[tilespmem:s0+$0xFFFFFFF0] =	vst v3  }
0x12b: {  	[tilespmem:s0+$0xFFFFFFE0] =	vst v3  }
.LBB2_23:
0x12c: {  	s1 =	sadd.s32 $0x8, s1;
	[tilespmem:s0+$0xFFFFFFD0] =	vst v3;
	s0 =	sadd.s32 $0x80, s0  }
0x12d: {  	[tilespmem:s0+$0xFFFFFFC0] =	vst v3;
	p0 =	slt.u32 s1, $0xF8  }
0x12e: {  	[tilespmem:s0+$0x30] =	vst v3  }
.Ltmp14:
0x12f: {  	[tilespmem:s0+$0x20] =	vst v3;
	(pc) =	sbr.rel @p0 .LBB2_23-.Ltmp14, $4  }
0x130: {  	[tilespmem:s0+$0x10] =	vst v3  }
0x131: {  	[tilespmem:s0+$0x0] =	vst v3  }
0x132: {  	[tilespmem:s0+$0xFFFFFFF0] =	vst v3  }
0x133: {  	[tilespmem:s0+$0xFFFFFFE0] =	vst v3  }
.LBB2_24:
0x134: {  	[tilespmem:s0+$0xFFFFFFD0] =	vst v3;
	s1 =	simm.s32 $0x1E880  }
0x135: {  	v12 =	vmov s30;
	s0 =	simm.s32 $0x0;
	s31 =	simm.s32 $0x10;
	v13 =	vld [tilespmem:s1+$0x0]  }
.LBB2_25:
0x136: {  	p0 =	sne.s32 s31, $0x1F0;
	_ =	sdelay $0x3  }
0x137: {  	v14 =	vshrl.u32 v13, $0x8  }
0x138: {  	v15 =	vor.u32 s0, v0;
	s0 =	smov.u32 s31;
	v14 =	vand.u32 $0xFF, v14  }
0x139: {  	vm1 =	vlt.s32 v15, v11;
	v13 =	vshll.u32 v13, $0x4;
	vm2 =	veq.s32 v14, v12  }
0x13a: {  	v13 =	vor.u32 v0, v13;
	vm1 =	vmand vm1, vm2  }
0x13b: {  	v13 =	vand.u32 $0xFFF, v13;
	_ =	sdelay $0x1  }
.Ltmp15:
0x13c: {  	(pc) =	sbr.rel @p0 .LBB2_25-.Ltmp15, $3  }
0x13d: {  	_ =	sdelay $0x1  }
0x13e: {  	s1 =	sadd.s32 $0x10, s1;
	[tilespmem:v13+s16+$0x0] =	vst.idx.add.s32.msk vm1, v5  }
0x13f: {  	s31 =	sadd.s32 $0x10, s31;
	v13 =	vld [tilespmem:s1+$0x0]  }
0x140: {  	_ =	sdelay $0x3  }
0x141: {  	v14 =	vshrl.u32 v13, $0x8  }
0x142: {  	v15 =	vor.u32 s0, v0;
	v14 =	vand.u32 $0xFF, v14  }
0x143: {  	vm1 =	vlt.s32 v15, v11;
	v63 =	vshll.u32 v13, $0x4;
	vm2 =	veq.s32 v14, v12  }
0x144: {  	v12 =	vor.u32 v0, v63;
	vm1 =	vmand vm1, vm2  }
0x145: {  	v12 =	vand.u32 $0xFFF, v12;
	_ =	sdelay $0x3  }
0x146: {  	s0 =	ssub.s32 s28, s29;
	s1 =	simm.s32 $0x0;
	s29 =	simm.s32 $0x1E6F0  }
0x147: {  	s31 =	simm.s32 $0xFF;
	s28 =	simm.s32 $0x0;
	s12 =	simm.s32 $0x0;
	[tilespmem:v12+s16+$0x0] =	vst.idx.add.s32.msk vm1, v5  }
.LBB2_27:
0x148: {  	v12 =	vld [tilespmem:s29+$0x0];
	_ =	sdelay $0x4  }
0x149: {  	(xrf0) =	vadd.scan.msk.s32 $0xffff, v12;
	_ =	sdelay $0x5  }
0x14a: {  	v12, _, _ =	vpop (xrf0)  }
0x14b: {  	(v2sf) =	vpush v12, $0xF;
	_ =	sdelay $0xe  }
0x14c: {  	s15 =	smov.u32 s1;
	s1 =	spop (v2sf)  }
0x14d: {  	p0 =	sgt.u32 s12, $0xFE;
	s1 =	sadd.s32 s15, s1  }
0x14e: {  	p2 =	slt.s32 @!p0 s1, s0  }
0x14f: {  	p0 =	por p0, !p2  }
.Ltmp16:
0x150: {  	_ = 	snop;
	(pc) =	sbr.rel @!p0 .LBB2_27-.Ltmp16, $3  }
0x151: {  	_ =	sdelay $0x1  }
0x152: {  	s12 =	sadd.s32 $0x1, s12;
	s29 =	sadd.s32 $0xFFFFFFF0, s29;
	p1 =	sge.s32 s1, s0  }
0x153: {  	s28 =	smov.u32 @p1 s31;
	s31 =	sadd.s32 $0xFFFFFFFF, s31;
	s1 =	smov.u32 @p1 s15  }
0x154: {  	s12 =	simm.s32 $0x1E880  }
0x155: {  	v14 =	vld [tilespmem:s12+$0x0]  }
0x156: {  	s25 =	sshll.u32 s25, $0x10;
	s15 =	sshll.u32 s30, $0x8  }
0x157: {  	s12 =	sor.u32 s25, s15  }
0x158: {  	s12 =	sor.u32 s12, s28;
	s28 =	simm.s32 $0x0  }
0x159: {  	v12 =	vmov s12;
	v13 =	vor.u32 s28, v0  }
0x15a: {  	vm1 =	vlt.s32 v13, v11;
	vm2 =	veq.s32 v14, v12  }
0x15b: {  	vm2 =	vmand vm1, vm2  }
0x15c: {  	v13 =	vsel vm2, $0x1, v3  }
0x15d: {  	(xrf0) =	vadd.scan.msk.s32 $0xffff, v13;
	_ =	sdelay $0x5  }
0x15e: {  	s25 =	ssub.s32 s0, s1;
	v15, _, _ =	vpop (xrf0)  }
0x15f: {  	vm3 =	vgt.s32 v14, v12;
	v13 =	vmov s25;
	v14 =	vadd.s32 s28, v15  }
0x160: {  	vm1 =	vmand vm1, vm3;
	vm3 =	vle.s32 v14, v13  }
0x161: {  	v14 =	vsel vm1, $0x1, v3;
	vm2 =	vmand vm2, vm3  }
0x162: {  	s29 =	simm.s32 $0x1EB00;
	(xrf0) =	vadd.scan.msk.s32 $0xffff, v14;
	v15 =	vsel vm2, $0x1, v3  }
0x163: {  	v14 =	vld [tilespmem:s29+$0x0];
	(xrf0) =	vadd.scan.msk.s32 $0xffff, v15;
	_ =	sdelay $0x4  }
0x164: {  	[tilespmem:s28+$0x1E700] =	vst.msk vm1, v14;
	v15, _, _ =	vpop (xrf0)  }
0x165: {  	[tilespmem:s28+$0x1E780] =	vst.msk vm2, v14;
	(v2sf) =	vpush v15, $0xF;
	v14, _, _ =	vpop (xrf0)  }
0x166: {  	(v2sf) =	vpush v14, $0xF  }
0x167: {  	s31 =	simm.s32 $0x1E890  }
0x168: {  	v14 =	vld [tilespmem:s31+$0x0];
	_ =	sdelay $0x2  }
0x169: {  	s15 =	simm.s32 $0x10  }
0x16a: {  	s30 =	simm.s32 $0x20;
	s1 =	simm.s32 $0x30;
	s0 =	simm.s32 $0x0;
	v15 =	vor.u32 s15, v0  }
.LBB2_29:
0x16b: {  	p0 =	sne.s32 s1, $0x1F0;
	vm1 =	vlt.s32 v15, v11;
	vm2 =	veq.s32 v14, v12  }
0x16c: {  	vm2 =	vmand vm1, vm2  }
0x16d: {  	v15 =	vsel vm2, $0x1, v3  }
0x16e: {  	(xrf0) =	vadd.scan.msk.s32 $0xffff, v15;
	_ =	sdelay $0x2  }
0x16f: {  	s29 =	sadd.s32 $0x10, s29  }
0x170: {  	v15 =	vld [tilespmem:s29+$0x0];
	s12 =	spop (v2sf)  }
0x171: {  	s28 =	sadd.s32 s28, s12;
	s12 =	spop (v2sf)  }
0x172: {  	v16, _, _ =	vpop (xrf0);
	s0 =	sadd.s32 s0, s12  }
0x173: {  	vm3 =	vgt.s32 v14, v12;
	v14 =	vadd.s32 s0, v16  }
0x174: {  	vm1 =	vmand vm1, vm3;
	vm3 =	vle.s32 v14, v13  }
0x175: {  	v14 =	vsel vm1, $0x1, v3;
	[tilespmem:s28+$0x1E700] =	vst.msk vm1, v15;
	vm2 =	vmand vm2, vm3  }
0x176: {  	[tilespmem:s0+$0x1E780] =	vst.msk vm2, v15;
	v15 =	vsel vm2, $0x1, v3;
	(xrf0) =	vadd.scan.msk.s32 $0xffff, v14  }
0x177: {  	(xrf0) =	vadd.scan.msk.s32 $0xffff, v15;
	_ =	sdelay $0x4  }
0x178: {  	v14, _, _ =	vpop (xrf0)  }
0x179: {  	(v2sf) =	vpush v14, $0xF;
	v14, _, _ =	vpop (xrf0)  }
0x17a: {  	(v2sf) =	vpush v14, $0xF  }
0x17b: {  	s31 =	sadd.s32 $0x10, s31  }
.Ltmp17:
0x17c: {  	v14 =	vld [tilespmem:s31+$0x0];
	(pc) =	sbr.rel @p0 .LBB2_29-.Ltmp17, $2  }
0x17d: {  	_ =	sdelay $0x2  }
0x17e: {  	v15 =	vor.u32 s30, v0;
	s30 =	smov.u32 s1;
	s1 =	sadd.s32 $0x10, s1  }
0x17f: {  	vm1 =	vlt.s32 v15, v11;
	vm2 =	veq.s32 v14, v12  }
0x180: {  	vm2 =	vmand vm1, vm2  }
0x181: {  	v46 =	vsel vm2, $0x1, v3  }
0x182: {  	(xrf0) =	vadd.scan.msk.s32 $0xffff, v46;
	_ =	sdelay $0x3  }
0x183: {  	s1 =	spop (v2sf)  }
0x184: {  	s12 =	spop (v2sf)  }
0x185: {  	s0 =	sadd.s32 s0, s12;
	v15, _, _ =	vpop (xrf0)  }
0x186: {  	vm3 =	vgt.s32 v14, v12;
	v47 =	vadd.s32 s0, v15  }
0x187: {  	vm1 =	vmand vm1, vm3;
	vm3 =	vle.s32 v47, v13  }
0x188: {  	v48 =	vsel vm1, $0x1, v3;
	vm2 =	vmand vm2, vm3  }
0x189: {  	(xrf0) =	vadd.scan.msk.s32 $0xffff, v48;
	v49 =	vsel vm2, $0x1, v3  }
0x18a: {  	(xrf0) =	vadd.scan.msk.s32 $0xffff, v49  }
0x18b: {  	s29 =	sadd.s32 $0x10, s29  }
0x18c: {  	v50 =	vld [tilespmem:s29+$0x0];
	_ =	sdelay $0x2  }
0x18d: {  	v51, _, _ =	vpop (xrf0)  }
0x18e: {  	s1 =	sadd.s32 s28, s1;
	(v2sf) =	vpush v51, $0xF;
	v52, _, _ =	vpop (xrf0)  }
0x18f: {  	[tilespmem:s1+$0x1E700] =	vst.msk vm1, v50;
	(v2sf) =	vpush v52, $0xF  }
0x190: {  	s15 =	sadd.s32 $0x10, s31;
	[tilespmem:s0+$0x1E780] =	vst.msk vm2, v50  }
0x191: {  	v14 =	vld [tilespmem:s15+$0x0];
	_ =	sdelay $0x3  }
0x192: {  	v53 =	vor.u32 s30, v0  }
0x193: {  	vm1 =	vlt.s32 v53, v11;
	vm2 =	veq.s32 v14, v12  }
0x194: {  	vm2 =	vmand vm1, vm2  }
0x195: {  	v11 =	vsel vm2, $0x1, v3  }
0x196: {  	(xrf0) =	vadd.scan.msk.s32 $0xffff, v11;
	_ =	sdelay $0x2  }
0x197: {  	s12 =	sadd.s32 $0x10, s29  }
0x198: {  	v11 =	vld [tilespmem:s12+$0x0];
	s28 =	spop (v2sf)  }
0x199: {  	s29 =	spop (v2sf)  }
0x19a: {  	v54, _, _ =	vpop (xrf0);
	s0 =	sadd.s32 s0, s29  }
0x19b: {  	vm3 =	vgt.s32 v14, v12;
	v55 =	vadd.s32 s0, v54  }
0x19c: {  	vm1 =	vmand vm1, vm3;
	s1 =	sadd.s32 s1, s28;
	vm3 =	vle.s32 v55, v13  }
0x19d: {  	[tilespmem:s1+$0x1E700] =	vst.msk vm1, v11;
	vm2 =	vmand vm2, vm3  }
0x19e: {  	[tilespmem:s0+$0x1E780] =	vst.msk vm2, v11  }
0x19f: {  	v11 =	vld [tilespmem:$0x1E800]  }
0x1a0: {  	v56 =	vld [tilespmem:$0x1E810]  }
0x1a1: {  	v57 =	vld [tilespmem:$0x1E820]  }
0x1a2: {  	v58 =	vld [tilespmem:$0x1E830]  }
0x1a3: {  	v59 =	vld [tilespmem:$0x1E840]  }
0x1a4: {  	v60 =	vld [tilespmem:$0x1E860];
	[tilespmem:$0x1ED80] =	vst v11  }
0x1a5: {  	v11 =	vld [tilespmem:$0x1E850];
	[tilespmem:$0x1ED90] =	vst v56  }
0x1a6: {  	v61 =	vld [tilespmem:$0x1E700];
	[tilespmem:$0x1EDA0] =	vst v57  }
0x1a7: {  	[tilespmem:$0x1EDB0] =	vst v58  }
0x1a8: {  	[tilespmem:$0x1EDC0] =	vst v59  }
0x1a9: {  	[tilespmem:$0x1EDE0] =	vst v60  }
0x1aa: {  	[tilespmem:$0x1EDD0] =	vst v11  }
0x1ab: {  	[tilespmem:s26+$0x1ED80] =	vst v61  }
0x1ac: {  	v11 =	vld [tilespmem:$0x1E710];
	_ =	sdelay $0x4  }
0x1ad: {  	[tilespmem:s26+$0x1ED90] =	vst v11  }
0x1ae: {  	v11 =	vld [tilespmem:$0x1E720];
	_ =	sdelay $0x4  }
0x1af: {  	v62 =	vsel vm1, $0x1, v3;
	[tilespmem:s26+$0x1EDA0] =	vst v11  }
0x1b0: {  	(xrf0) =	vadd.scan.msk.s32 $0xffff, v62;
	v11 =	vsel vm2, $0x1, v3;
	v63 =	vld [tilespmem:$0x1E730]  }
0x1b1: {  	(xrf0) =	vadd.scan.msk.s32 $0xffff, v11;
	_ =	sdelay $0x3  }
0x1b2: {  	[tilespmem:s26+$0x1EDB0] =	vst v63  }
0x1b3: {  	v11, _, _ =	vpop (xrf0);
	v12 =	vld [tilespmem:$0x1E740]  }
0x1b4: {  	(v2sf) =	vpush v11, $0xF;
	v11, _, _ =	vpop (xrf0)  }
0x1b5: {  	(v2sf) =	vpush v11, $0xF;
	_ =	sdelay $0x2  }
0x1b6: {  	[tilespmem:s26+$0x1EDC0] =	vst v12  }
0x1b7: {  	v11 =	vld [tilespmem:$0x1E750];
	_ =	sdelay $0x4  }
0x1b8: {  	[tilespmem:s26+$0x1EDD0] =	vst v11  }
0x1b9: {  	v11 =	vld [tilespmem:$0x1E760]  }
.Ltmp18:
0x1ba: {  	_ = 	snop;
	(pc) =	sbr.rel .LBB2_46-.Ltmp18, $3  }
0x1bb: {  	_ =	sdelay $0x1  }
0x1bc: {  	s30 =	spop (v2sf)  }
0x1bd: {  	s31 =	spop (v2sf);
	[tilespmem:s26+$0x1EDE0] =	vst v11  }
.LBB2_31:
0x1be: {  	[tilespmem:s0+$0xFFFFFFC0] =	vst v3  }
0x1bf: {  	[tilespmem:s0+$0x30] =	vst v3  }
0x1c0: {  	[tilespmem:s0+$0x20] =	vst v3  }
0x1c1: {  	[tilespmem:s0+$0x10] =	vst v3  }
0x1c2: {  	[tilespmem:s0+$0x0] =	vst v3  }
0x1c3: {  	[tilespmem:s0+$0xFFFFFFF0] =	vst v3  }
0x1c4: {  	s1 =	sadd.s32 $0x8, s1;
	[tilespmem:s0+$0xFFFFFFE0] =	vst v3  }
.LBB2_32:
0x1c5: {  	s1 =	sadd.s32 $0x8, s1;
	[tilespmem:s0+$0xFFFFFFD0] =	vst v3;
	s0 =	sadd.s32 $0x80, s0  }
0x1c6: {  	[tilespmem:s0+$0xFFFFFFC0] =	vst v3;
	p0 =	slt.u32 s1, $0xF8  }
0x1c7: {  	[tilespmem:s0+$0x30] =	vst v3  }
.Ltmp19:
0x1c8: {  	[tilespmem:s0+$0x20] =	vst v3;
	(pc) =	sbr.rel @p0 .LBB2_32-.Ltmp19, $4  }
0x1c9: {  	[tilespmem:s0+$0x10] =	vst v3  }
0x1ca: {  	[tilespmem:s0+$0x0] =	vst v3  }
0x1cb: {  	[tilespmem:s0+$0xFFFFFFF0] =	vst v3  }
0x1cc: {  	[tilespmem:s0+$0xFFFFFFE0] =	vst v3  }
0x1cd: {  	[tilespmem:s0+$0xFFFFFFD0] =	vst v3;
	s26 =	simm.s32 $0x0;
	s1 =	simm.s32 $0x0;
	s0 =	simm.s32 $0x40  }
.LBB2_34:
0x1ce: {  	p0 =	sne.s32 s0, $0x13840;
	v12 =	vld [tilespmem:s1+$0x0];
	_ =	sdelay $0x4  }
0x1cf: {  	v13 =	vshra.s32 v12, $0x10;
	v12 =	vshrl.u32 v12, $0x4  }
0x1d0: {  	vm1 =	veq.s32 v13, v11;
	v12 =	vand.u32 $0xFF0, v12  }
0x1d1: {  	v12 =	vor.u32 v0, v12  }
.Ltmp20:
0x1d2: {  	(pc) =	sbr.rel @p0 .LBB2_34-.Ltmp20, $2  }
0x1d3: {  	_ =	sdelay $0x2  }
0x1d4: {  	s1 =	sshra.s32 s0, $0x2;
	s0 =	sadd.s32 $0x40, s0;
	[tilespmem:v12+s16+$0x0] =	vst.idx.add.s32.msk vm1, v5  }
0x1d5: {  	v12 =	vld [tilespmem:s1+$0x0];
	_ =	sdelay $0x4  }
0x1d6: {  	v13 =	vshra.s32 v12, $0x10;
	v12 =	vshrl.u32 v12, $0x4  }
0x1d7: {  	vm1 =	veq.s32 v13, v11;
	v12 =	vand.u32 $0xFF0, v12  }
0x1d8: {  	v12 =	vor.u32 v0, v12;
	_ =	sdelay $0x3  }
0x1d9: {  	s0 =	simm.s32 $0xFF  }
0x1da: {  	s1 =	simm.s32 $0x1E6F0;
	s29 =	simm.s32 $0x0;
	s12 =	simm.s32 $0x0;
	[tilespmem:v12+s16+$0x0] =	vst.idx.add.s32.msk vm1, v5  }
.LBB2_36:
0x1db: {  	v12 =	vld [tilespmem:s1+$0x0];
	_ =	sdelay $0x4  }
0x1dc: {  	(xrf0) =	vadd.scan.msk.s32 $0xffff, v12;
	_ =	sdelay $0x5  }
0x1dd: {  	v12, _, _ =	vpop (xrf0)  }
0x1de: {  	(v2sf) =	vpush v12, $0xF;
	_ =	sdelay $0xe  }
0x1df: {  	s15 =	smov.u32 s26;
	s31 =	spop (v2sf)  }
0x1e0: {  	p0 =	sgt.u32 s12, $0xFE;
	s26 =	sadd.s32 s15, s31  }
0x1e1: {  	p2 =	sge.s32 @!p0 s26, s28  }
0x1e2: {  	p2 =	por p0, p2  }
.Ltmp21:
0x1e3: {  	_ = 	snop;
	(pc) =	sbr.rel @!p2 .LBB2_36-.Ltmp21, $3  }
0x1e4: {  	_ =	sdelay $0x1  }
0x1e5: {  	s12 =	sadd.s32 $0x1, s12;
	s1 =	sadd.s32 $0xFFFFFFF0, s1;
	p1 =	sge.s32 s26, s28  }
0x1e6: {  	s29 =	smov.u32 @p1 s0;
	s0 =	sadd.s32 $0xFFFFFFFF, s0;
	s26 =	smov.u32 @p1 s15  }
0x1e7: {  	s0 =	simm.s32 $0x1D740;
	s1 =	simm.s32 $0xFFFFFFF8  }
0x1e8: {  	s0 =	simm.s32 @p0 $0x1D740;
	s1 =	simm.s32 @p0 $0xFFFFFFF8  }
0x1e9: {  	[tilespmem:s0+$0xFFFFFFC0] =	vst v3;
	s1 =	sadd.s32 $0x8, s1  }
0x1ea: {  	[tilespmem:s0+$0x30] =	vst v3;
	p0 =	slt.u32 s1, $0xF8  }
.Ltmp22:
0x1eb: {  	[tilespmem:s0+$0x20] =	vst v3;
	(pc) =	sbr.rel @!p0 .LBB2_39-.Ltmp22, $4  }
0x1ec: {  	[tilespmem:s0+$0x10] =	vst v3  }
0x1ed: {  	[tilespmem:s0+$0x0] =	vst v3  }
0x1ee: {  	[tilespmem:s0+$0xFFFFFFF0] =	vst v3  }
0x1ef: {  	[tilespmem:s0+$0xFFFFFFE0] =	vst v3  }
.LBB2_38:
0x1f0: {  	s1 =	sadd.s32 $0x8, s1;
	[tilespmem:s0+$0xFFFFFFD0] =	vst v3;
	s0 =	sadd.s32 $0x80, s0  }
0x1f1: {  	[tilespmem:s0+$0xFFFFFFC0] =	vst v3;
	p0 =	slt.u32 s1, $0xF8  }
0x1f2: {  	[tilespmem:s0+$0x30] =	vst v3  }
.Ltmp23:
0x1f3: {  	[tilespmem:s0+$0x20] =	vst v3;
	(pc) =	sbr.rel @p0 .LBB2_38-.Ltmp23, $4  }
0x1f4: {  	[tilespmem:s0+$0x10] =	vst v3  }
0x1f5: {  	[tilespmem:s0+$0x0] =	vst v3  }
0x1f6: {  	[tilespmem:s0+$0xFFFFFFF0] =	vst v3  }
0x1f7: {  	[tilespmem:s0+$0xFFFFFFE0] =	vst v3  }
.LBB2_39:
0x1f8: {  	[tilespmem:s0+$0xFFFFFFD0] =	vst v3;
	v12 =	vmov s29;
	s1 =	simm.s32 $0x0;
	s0 =	simm.s32 $0x40  }
.LBB2_40:
0x1f9: {  	p0 =	sne.s32 s0, $0x13840;
	v13 =	vld [tilespmem:s1+$0x0];
	_ =	sdelay $0x4  }
0x1fa: {  	v14 =	vshrl.u32 v13, $0x8  }
0x1fb: {  	v15 =	vshra.s32 v13, $0x10;
	v14 =	vand.u32 $0xFF, v14  }
0x1fc: {  	v13 =	vshll.u32 v13, $0x4;
	vm1 =	veq.s32 v15, v11;
	vm2 =	veq.s32 v14, v12  }
0x1fd: {  	v13 =	vor.u32 v0, v13;
	vm1 =	vmand vm1, vm2  }
0x1fe: {  	v13 =	vand.u32 $0xFFF, v13  }
.Ltmp24:
0x1ff: {  	(pc) =	sbr.rel @p0 .LBB2_40-.Ltmp24, $2  }
0x200: {  	_ =	sdelay $0x2  }
0x201: {  	s1 =	sshra.s32 s0, $0x2;
	s0 =	sadd.s32 $0x40, s0;
	[tilespmem:v13+s16+$0x0] =	vst.idx.add.s32.msk vm1, v5  }
0x202: {  	v13 =	vld [tilespmem:s1+$0x0];
	_ =	sdelay $0x4  }
0x203: {  	v14 =	vshrl.u32 v13, $0x8  }
0x204: {  	v15 =	vshra.s32 v13, $0x10;
	v14 =	vand.u32 $0xFF, v14  }
0x205: {  	vm1 =	veq.s32 v15, v11;
	v11 =	vshll.u32 v13, $0x4;
	vm2 =	veq.s32 v14, v12  }
0x206: {  	v11 =	vor.u32 v0, v11;
	vm1 =	vmand vm1, vm2  }
0x207: {  	v11 =	vand.u32 $0xFFF, v11;
	_ =	sdelay $0x3  }
0x208: {  	s0 =	ssub.s32 s28, s26;
	s1 =	simm.s32 $0x0;
	s26 =	simm.s32 $0x1E6F0  }
0x209: {  	s30 =	simm.s32 $0xFF;
	s28 =	simm.s32 $0x0;
	s12 =	simm.s32 $0x0;
	[tilespmem:v11+s16+$0x0] =	vst.idx.add.s32.msk vm1, v5  }
.LBB2_42:
0x20a: {  	v11 =	vld [tilespmem:s26+$0x0];
	_ =	sdelay $0x4  }
0x20b: {  	(xrf0) =	vadd.scan.msk.s32 $0xffff, v11;
	_ =	sdelay $0x5  }
0x20c: {  	v11, _, _ =	vpop (xrf0)  }
0x20d: {  	(v2sf) =	vpush v11, $0xF;
	_ =	sdelay $0xe  }
0x20e: {  	s15 =	smov.u32 s1;
	s31 =	spop (v2sf)  }
0x20f: {  	p0 =	sgt.u32 s12, $0xFE;
	s1 =	sadd.s32 s15, s31  }
0x210: {  	p2 =	slt.s32 @!p0 s1, s0  }
0x211: {  	p0 =	por p0, !p2  }
.Ltmp25:
0x212: {  	_ = 	snop;
	(pc) =	sbr.rel @!p0 .LBB2_42-.Ltmp25, $3  }
0x213: {  	_ =	sdelay $0x1  }
0x214: {  	s12 =	sadd.s32 $0x1, s12;
	s26 =	sadd.s32 $0xFFFFFFF0, s26;
	p1 =	sge.s32 s1, s0  }
0x215: {  	s28 =	smov.u32 @p1 s30;
	s30 =	sadd.s32 $0xFFFFFFFF, s30;
	s1 =	smov.u32 @p1 s15  }
0x216: {  	s26 =	simm.s32 $0x0  }
0x217: {  	v13 =	vld [tilespmem:s26+$0x0]  }
0x218: {  	s12 =	sshll.u32 s25, $0x10;
	s15 =	sshll.u32 s29, $0x8  }
0x219: {  	s12 =	sor.u32 s12, s15  }
0x21a: {  	s12 =	sor.u32 s12, s28  }
0x21b: {  	v11 =	vmov s12  }
0x21c: {  	vm1 =	veq.s32 v13, v11  }
0x21d: {  	v12 =	vsel vm1, $0x1, v3  }
0x21e: {  	(xrf0) =	vadd.scan.msk.s32 $0xffff, v12;
	_ =	sdelay $0x5  }
0x21f: {  	s25 =	ssub.s32 s0, s1;
	v14, _, _ =	vpop (xrf0)  }
0x220: {  	vm2 =	vgt.s32 v13, v11;
	v12 =	vmov s25;
	v13 =	vadd.s32 s26, v14  }
0x221: {  	v14 =	vsel vm2, $0x1, v3;
	vm3 =	vle.s32 v13, v12  }
0x222: {  	(xrf0) =	vadd.scan.msk.s32 $0xffff, v14;
	vm1 =	vmand vm1, vm3  }
0x223: {  	v13 =	vsel vm1, $0x1, v3  }
0x224: {  	(xrf0) =	vadd.scan.msk.s32 $0xffff, v13;
	_ =	sdelay $0x3  }
0x225: {  	v13, _, _ =	vpop (xrf0)  }
0x226: {  	(v2sf) =	vpush v13, $0xF  }
0x227: {  	v13, _, _ =	vpop (xrf0)  }
0x228: {  	(v2sf) =	vpush v13, $0xF  }
0x229: {  	v13 =	vor.u32 s26, v0  }
0x22a: {  	[tilespmem:s26+$0x1E700] =	vst.msk vm2, v13  }
0x22b: {  	s28 =	simm.s32 $0x10;
	[tilespmem:s26+$0x1E780] =	vst.msk vm1, v13  }
0x22c: {  	v13 =	vld [tilespmem:s28+$0x0];
	_ =	sdelay $0x4  }
0x22d: {  	vm1 =	veq.s32 v13, v11  }
0x22e: {  	vm2 =	vgt.s32 v13, v11;
	v14 =	vsel vm1, $0x1, v3  }
0x22f: {  	(xrf0) =	vadd.scan.msk.s32 $0xffff, v14;
	v14 =	vsel vm2, $0x1, v3  }
0x230: {  	(xrf0) =	vadd.scan.msk.s32 $0xffff, v14  }
0x231: {  	s31 =	spop (v2sf)  }
0x232: {  	v13 =	vor.u32 s28, v0;
	s0 =	sadd.s32 $0x0, s31  }
0x233: {  	s1 =	simm.s32 $0x20;
	[tilespmem:s0+$0x1E700] =	vst.msk vm2, v13;
	s12 =	spop (v2sf)  }
.LBB2_44:
0x234: {  	p0 =	sne.s32 s1, $0x4E10  }
0x235: {  	v14, _, _ =	vpop (xrf0);
	s26 =	sadd.s32 s26, s12;
	s12 =	smov.u32 s1;
	s1 =	sadd.s32 $0x10, s1  }
0x236: {  	v14 =	vadd.s32 s26, v14;
	v15, _, _ =	vpop (xrf0)  }
0x237: {  	vm2 =	vle.s32 v14, v12;
	(v2sf) =	vpush v15, $0xF  }
0x238: {  	vm1 =	vmand vm1, vm2  }
0x239: {  	[tilespmem:s26+$0x1E780] =	vst.msk vm1, v13;
	v13 =	vsel vm1, $0x1, v3  }
0x23a: {  	(xrf0) =	vadd.scan.msk.s32 $0xffff, v13;
	_ =	sdelay $0x5  }
0x23b: {  	v13, _, _ =	vpop (xrf0)  }
0x23c: {  	(v2sf) =	vpush v13, $0xF;
	_ =	sdelay $0x1  }
0x23d: {  	s28 =	sadd.s32 $0x10, s28  }
0x23e: {  	v14 =	vld [tilespmem:s28+$0x0];
	_ =	sdelay $0x1  }
0x23f: {  	s15 =	spop (v2sf)  }
0x240: {  	s0 =	sadd.s32 s0, s15;
	_ =	sdelay $0x1  }
0x241: {  	v13 =	vor.u32 s12, v0;
	vm2 =	vgt.s32 v14, v11;
	vm1 =	veq.s32 v14, v11  }
0x242: {  	[tilespmem:s0+$0x1E700] =	vst.msk vm2, v13;
	v14 =	vsel vm1, $0x1, v3;
	v15 =	vsel vm2, $0x1, v3  }
0x243: {  	(xrf0) =	vadd.scan.msk.s32 $0xffff, v14  }
.Ltmp26:
0x244: {  	(xrf0) =	vadd.scan.msk.s32 $0xffff, v15;
	(pc) =	sbr.rel @p0 .LBB2_44-.Ltmp26, $2  }
0x245: {  	_ =	sdelay $0x2  }
0x246: {  	s12 =	spop (v2sf)  }
0x247: {  	v11, _, _ =	vpop (xrf0);
	s0 =	sadd.s32 s26, s12  }
0x248: {  	v11 =	vadd.s32 s0, v11  }
0x249: {  	vm2 =	vle.s32 v11, v12  }
0x24a: {  	vm1 =	vmand vm1, vm2  }
0x24b: {  	v11 =	vsel vm1, $0x1, v3  }
0x24c: {  	(xrf0) =	vadd.scan.msk.s32 $0xffff, v11;
	_ =	sdelay $0x4  }
0x24d: {  	v11, _, _ =	vpop (xrf0)  }
0x24e: {  	(v2sf) =	vpush v11, $0xF;
	v11, _, _ =	vpop (xrf0)  }
0x24f: {  	(v2sf) =	vpush v11, $0xF;
	_ =	sdelay $0x2  }
0x250: {  	[tilespmem:s0+$0x1E780] =	vst.msk vm1, v13  }
0x251: {  	v62 =	vld [tilespmem:$0x1E710]  }
0x252: {  	v11 =	vld [tilespmem:$0x1E700]  }
0x253: {  	v13 =	vld [tilespmem:$0x1E720]  }
0x254: {  	v14 =	vld [tilespmem:$0x1E730]  }
0x255: {  	v15 =	vld [tilespmem:$0x1E740]  }
0x256: {  	v63 =	vld [tilespmem:$0x1E760];
	[tilespmem:$0x1ED90] =	vst v62  }
0x257: {  	[tilespmem:$0x1ED80] =	vst v11;
	v11 =	vld [tilespmem:$0x1E750]  }
0x258: {  	[tilespmem:$0x1EDA0] =	vst v13  }
0x259: {  	[tilespmem:$0x1EDB0] =	vst v14  }
0x25a: {  	[tilespmem:$0x1EDC0] =	vst v15  }
0x25b: {  	[tilespmem:$0x1EDE0] =	vst v63;
	s30 =	spop (v2sf)  }
0x25c: {  	[tilespmem:$0x1EDD0] =	vst v11;
	s31 =	spop (v2sf)  }
.LBB2_46:
0x25d: {  	v11 =	vld [tilespmem:$0x1E780];
	_ =	sdelay $0x3  }
0x25e: {  	s0 =	ssub.s32 $0x1EDE4, s25  }
0x25f: {  	[tilespmem:s0+$0x0] =	vst v11  }
0x260: {  	v11 =	vld [tilespmem:$0x1E790];
	_ =	sdelay $0x3  }
0x261: {  	s15 =	ssub.s32 $0x1EDF4, s25  }
0x262: {  	[tilespmem:s15+$0x0] =	vst v11  }
0x263: {  	v11 =	vld [tilespmem:$0x1E7A0];
	_ =	sdelay $0x3  }
0x264: {  	s26 =	ssub.s32 $0x1EE04, s25  }
0x265: {  	[tilespmem:s26+$0x0] =	vst v11  }
0x266: {  	v11 =	vld [tilespmem:$0x1E7B0];
	_ =	sdelay $0x3  }
0x267: {  	s28 =	ssub.s32 $0x1EE14, s25  }
0x268: {  	[tilespmem:s28+$0x0] =	vst v11  }
0x269: {  	v11 =	vld [tilespmem:$0x1E7C0];
	_ =	sdelay $0x3  }
0x26a: {  	s29 =	ssub.s32 $0x1EE24, s25  }
0x26b: {  	[tilespmem:s29+$0x0] =	vst v11  }
0x26c: {  	v11 =	vld [tilespmem:$0x1E7D0];
	_ =	sdelay $0x3  }
0x26d: {  	s30 =	ssub.s32 $0x1EE34, s25  }
0x26e: {  	[tilespmem:s30+$0x0] =	vst v11  }
0x26f: {  	v11 =	vld [tilespmem:$0x1E7E0];
	_ =	sdelay $0x3  }
0x270: {  	s31 =	ssub.s32 $0x1EE44, s25  }
0x271: {  	[tilespmem:s31+$0x0] =	vst v11  }
0x272: {  	v11 =	vld [tilespmem:$0x1ED80];
	_ =	sdelay $0x5  }
0x273: {  	v12 =	vld [tilespmem:$0x1ED90]  }
0x274: {  	s25 =	simm.s32 $0x0  }
0x275: {  	v11 =	vld.idx.msk [tilespmem:v11+s25+$0x0], $0xffff;
	_ =	sdelay $0x3  }
0x276: {  	v13 =	vld [tilespmem:$0x1EDA0]  }
0x277: {  	[tilespmem:$0x1EE80] =	vst v11  }
0x278: {  	v11 =	vld.idx.msk [tilespmem:v12+s25+$0x0], $0xffff;
	_ =	sdelay $0x3  }
0x279: {  	v12 =	vld [tilespmem:$0x1EDB0]  }
0x27a: {  	[tilespmem:$0x1EE90] =	vst v11  }
0x27b: {  	v11 =	vld.idx.msk [tilespmem:v13+s25+$0x0], $0xffff;
	_ =	sdelay $0x3  }
0x27c: {  	v13 =	vld [tilespmem:$0x1EDC0]  }
0x27d: {  	[tilespmem:$0x1EEA0] =	vst v11  }
0x27e: {  	v11 =	vld.idx.msk [tilespmem:v12+s25+$0x0], $0xffff;
	_ =	sdelay $0x3  }
0x27f: {  	v12 =	vld [tilespmem:$0x1EDD0]  }
0x280: {  	[tilespmem:$0x1EEB0] =	vst v11  }
0x281: {  	v11 =	vld.idx.msk [tilespmem:v13+s25+$0x0], $0xffff;
	_ =	sdelay $0x3  }
0x282: {  	v13 =	vld [tilespmem:$0x1EDE0]  }
0x283: {  	[tilespmem:$0x1EEC0] =	vst v11  }
0x284: {  	v11 =	vld.idx.msk [tilespmem:v12+s25+$0x0], $0xffff;
	_ =	sdelay $0x4  }
0x285: {  	[tilespmem:$0x1EED0] =	vst v11  }
0x286: {  	v11 =	vld.idx.msk [tilespmem:v13+s25+$0x0], $0xffff;
	_ =	sdelay $0x4  }
0x287: {  	v12 =	vnsel vm0, $0x80000000, v11;
	v11 =	vld [tilespmem:$0x1EE90]  }
0x288: {  	s26 =	simm.s32 $0x1;
	[tilespmem:$0x1EEE0] =	vst v12;
	v12 =	vld [tilespmem:$0x1EE80]  }
.LBB2_47:
0x289: {  	p0 =	sne.s32 s26, $0x63  }
0x28a: {  	v13 =	vld [tilespmem:$0x1EEA0];
	_ =	sdelay $0x1  }
0x28b: {  	v14 =	vld [tilespmem:$0x1EEB0]  }
0x28c: {  	vm1 =	vgt.s32 v12, v11  }
0x28d: {  	v15 =	vsel vm1, v12, v11;
	v16 =	vld [tilespmem:$0x1EEC0]  }
0x28e: {  	vm1 =	vgt.s32 v15, v13  }
0x28f: {  	v15 =	vsel vm1, v15, v13;
	v17 =	vld [tilespmem:$0x1EED0]  }
0x290: {  	vm1 =	vgt.s32 v15, v14  }
0x291: {  	v15 =	vsel vm1, v15, v14;
	v18 =	vld [tilespmem:$0x1EEE0]  }
0x292: {  	vm1 =	vgt.s32 v15, v16  }
0x293: {  	v15 =	vsel vm1, v15, v16  }
0x294: {  	vm1 =	vgt.s32 v15, v17  }
0x295: {  	v15 =	vsel vm1, v15, v17  }
0x296: {  	vm1 =	vgt.s32 v15, v18  }
0x297: {  	v15 =	vsel vm1, v15, v18  }
0x298: {  	v15 =	vxor.u32 $0x80000000, v15  }
0x299: {  	(xrf0) =	vmax.scan.msk.u32 $0xffff, v15;
	_ =	sdelay $0x5  }
0x29a: {  	v15, _, _ =	vpop (xrf0)  }
0x29b: {  	(v2sf) =	vpush v15, $0xF;
	_ =	sdelay $0xe  }
0x29c: {  	s0 =	spop (v2sf)  }
0x29d: {  	s0 =	sxor.u32 $0x80000000, s0  }
0x29e: {  	vm1 =	veq.s32 v12, s0  }
0x29f: {  	v12 =	vmctz.xlane vm1  }
0x2a0: {  	vm1 =	veq.s32 v11, s0  }
0x2a1: {  	v11 =	vmctz.xlane vm1;
	(v2sf) =	vpush v12, $0x0;
	_ =	sdelay $0x1  }
0x2a2: {  	vm1 =	veq.s32 v13, s0;
	(v2sf) =	vpush v11, $0x0  }
0x2a3: {  	v11 =	vmctz.xlane vm1;
	_ =	sdelay $0x1  }
0x2a4: {  	vm1 =	veq.s32 v14, s0;
	(v2sf) =	vpush v11, $0x0  }
0x2a5: {  	v11 =	vmctz.xlane vm1;
	_ =	sdelay $0x1  }
0x2a6: {  	vm1 =	veq.s32 v16, s0;
	(v2sf) =	vpush v11, $0x0  }
0x2a7: {  	v11 =	vmctz.xlane vm1;
	_ =	sdelay $0x1  }
0x2a8: {  	vm1 =	veq.s32 v17, s0;
	(v2sf) =	vpush v11, $0x0  }
0x2a9: {  	v11 =	vmctz.xlane vm1;
	_ =	sdelay $0x1  }
0x2aa: {  	vm1 =	veq.s32 v18, s0;
	(v2sf) =	vpush v11, $0x0  }
0x2ab: {  	v11 =	vmctz.xlane vm1;
	s0 =	spop (v2sf)  }
0x2ac: {  	p1 =	slt.s32 s0, $0x2710  }
0x2ad: {  	p2 =	slt.s32 s0, $0x10;
	s0 =	simm.s32 @!p1 $0x2710;
	s1 =	spop (v2sf);
	(v2sf) =	vpush v11, $0x0  }
0x2ae: {  	s0 =	simm.s32 @!p2 $0x2710;
	s12 =	sadd.s32 $0x10, s1  }
0x2af: {  	p1 =	slt.s32 s0, s12  }
0x2b0: {  	p2 =	slt.s32 s1, $0x10;
	s12 =	smov.u32 @p1 s0;
	s1 =	spop (v2sf)  }
0x2b1: {  	s0 =	smov.u32 @p2 s12;
	s12 =	sadd.s32 $0x20, s1  }
0x2b2: {  	p1 =	slt.s32 s0, s12  }
0x2b3: {  	p2 =	slt.s32 s1, $0x10;
	s12 =	smov.u32 @p1 s0;
	s1 =	spop (v2sf)  }
0x2b4: {  	s0 =	smov.u32 @p2 s12;
	s12 =	sadd.s32 $0x30, s1  }
0x2b5: {  	p1 =	slt.s32 s0, s12  }
0x2b6: {  	p2 =	slt.s32 s1, $0x10;
	s12 =	smov.u32 @p1 s0;
	s1 =	spop (v2sf)  }
0x2b7: {  	s0 =	smov.u32 @p2 s12;
	s12 =	sadd.s32 $0x40, s1  }
0x2b8: {  	p1 =	slt.s32 s0, s12  }
0x2b9: {  	p2 =	slt.s32 s1, $0x10;
	s12 =	smov.u32 @p1 s0;
	s1 =	spop (v2sf)  }
0x2ba: {  	s0 =	smov.u32 @p2 s12;
	s12 =	sadd.s32 $0x50, s1  }
0x2bb: {  	p1 =	slt.s32 s0, s12  }
0x2bc: {  	p2 =	slt.s32 s1, $0x10;
	s12 =	smov.u32 @p1 s0;
	s1 =	spop (v2sf)  }
0x2bd: {  	s0 =	smov.u32 @p2 s12;
	s12 =	sadd.s32 $0x60, s1  }
0x2be: {  	p1 =	slt.s32 s0, s12  }
0x2bf: {  	p2 =	slt.s32 s1, $0x10;
	s12 =	smov.u32 @p1 s0  }
0x2c0: {  	v11 =	vmov s25;
	s25 =	smov.u32 s26;
	s0 =	smov.u32 @p2 s12  }
0x2c1: {  	v12 =	vmov s0;
	_ =	sdelay $0x2  }
.Ltmp27:
0x2c2: {  	(pc) =	sbr.rel @p0 .LBB2_47-.Ltmp27, $4  }
0x2c3: {  	[tilespmem:v11+s18+$0x0] =	vst.idx.msk $0x1, v12  }
0x2c4: {  	[tilespmem:v12+s19+$0x0] =	vst.idx.msk $0x1, v6  }
0x2c5: {  	v11 =	vld [tilespmem:$0x1EE90]  }
0x2c6: {  	s26 =	sadd.s32 $0x1, s26;
	v12 =	vld [tilespmem:$0x1EE80]  }
0x2c7: {  	_ = 	snop  }
0x2c8: {  	v13 =	vld [tilespmem:$0x1EEA0];
	_ =	sdelay $0x1  }
0x2c9: {  	v14 =	vld [tilespmem:$0x1EEB0]  }
0x2ca: {  	vm1 =	vgt.s32 v12, v11  }
0x2cb: {  	v16 =	vld [tilespmem:$0x1EEC0];
	v15 =	vsel vm1, v12, v11  }
0x2cc: {  	vm1 =	vgt.s32 v15, v13  }
0x2cd: {  	v17 =	vld [tilespmem:$0x1EED0];
	v15 =	vsel vm1, v15, v13  }
0x2ce: {  	vm1 =	vgt.s32 v15, v14  }
0x2cf: {  	v18 =	vld [tilespmem:$0x1EEE0];
	v15 =	vsel vm1, v15, v14  }
0x2d0: {  	vm1 =	vgt.s32 v15, v16  }
0x2d1: {  	v15 =	vsel vm1, v15, v16  }
0x2d2: {  	vm1 =	vgt.s32 v15, v17  }
0x2d3: {  	v15 =	vsel vm1, v15, v17  }
0x2d4: {  	vm1 =	vgt.s32 v15, v18  }
0x2d5: {  	v15 =	vsel vm1, v15, v18  }
0x2d6: {  	v15 =	vxor.u32 $0x80000000, v15  }
0x2d7: {  	(xrf0) =	vmax.scan.msk.u32 $0xffff, v15;
	_ =	sdelay $0x5  }
0x2d8: {  	v15, _, _ =	vpop (xrf0)  }
0x2d9: {  	(v2sf) =	vpush v15, $0xF;
	_ =	sdelay $0xe  }
0x2da: {  	s0 =	spop (v2sf)  }
0x2db: {  	s0 =	sxor.u32 $0x80000000, s0  }
0x2dc: {  	vm1 =	veq.s32 v12, s0  }
0x2dd: {  	v12 =	vmctz.xlane vm1  }
0x2de: {  	vm1 =	veq.s32 v11, s0  }
0x2df: {  	v11 =	vmctz.xlane vm1;
	(v2sf) =	vpush v12, $0x0;
	_ =	sdelay $0x1  }
0x2e0: {  	vm1 =	veq.s32 v13, s0;
	(v2sf) =	vpush v11, $0x0  }
0x2e1: {  	v11 =	vmctz.xlane vm1;
	_ =	sdelay $0x1  }
0x2e2: {  	vm1 =	veq.s32 v14, s0;
	(v2sf) =	vpush v11, $0x0  }
0x2e3: {  	v11 =	vmctz.xlane vm1;
	_ =	sdelay $0x1  }
0x2e4: {  	vm1 =	veq.s32 v16, s0;
	(v2sf) =	vpush v11, $0x0  }
0x2e5: {  	v11 =	vmctz.xlane vm1;
	_ =	sdelay $0x1  }
0x2e6: {  	vm1 =	veq.s32 v17, s0;
	(v2sf) =	vpush v11, $0x0  }
0x2e7: {  	v11 =	vmctz.xlane vm1;
	_ =	sdelay $0x1  }
0x2e8: {  	vm1 =	veq.s32 v18, s0;
	(v2sf) =	vpush v11, $0x0  }
0x2e9: {  	v11 =	vmctz.xlane vm1;
	s0 =	spop (v2sf)  }
0x2ea: {  	p0 =	slt.s32 s0, $0x2710  }
0x2eb: {  	(v2sf) =	vpush v11, $0x0;
	p1 =	slt.s32 s0, $0x10;
	s1 =	spop (v2sf);
	s0 =	simm.s32 @!p0 $0x2710  }
0x2ec: {  	s12 =	sadd.s32 $0x10, s1;
	s0 =	simm.s32 @!p1 $0x2710  }
0x2ed: {  	p0 =	slt.s32 s0, s12  }
0x2ee: {  	p1 =	slt.s32 s1, $0x10;
	s26 =	spop (v2sf);
	s12 =	smov.u32 @p0 s0  }
0x2ef: {  	s0 =	smov.u32 @p1 s12;
	s12 =	sadd.s32 $0x20, s26  }
0x2f0: {  	p0 =	slt.s32 s0, s12  }
0x2f1: {  	s28 =	spop (v2sf);
	p1 =	slt.s32 s26, $0x10;
	s12 =	smov.u32 @p0 s0  }
0x2f2: {  	s0 =	smov.u32 @p1 s12;
	s12 =	sadd.s32 $0x30, s28  }
0x2f3: {  	p0 =	slt.s32 s0, s12  }
0x2f4: {  	s29 =	spop (v2sf);
	p1 =	slt.s32 s28, $0x10;
	s12 =	smov.u32 @p0 s0  }
0x2f5: {  	s0 =	smov.u32 @p1 s12;
	s12 =	sadd.s32 $0x40, s29  }
0x2f6: {  	p0 =	slt.s32 s0, s12  }
0x2f7: {  	s30 =	spop (v2sf);
	p1 =	slt.s32 s29, $0x10;
	s12 =	smov.u32 @p0 s0  }
0x2f8: {  	s0 =	smov.u32 @p1 s12;
	s12 =	sadd.s32 $0x50, s30  }
0x2f9: {  	p0 =	slt.s32 s0, s12  }
0x2fa: {  	p1 =	slt.s32 s30, $0x10;
	s31 =	spop (v2sf);
	s12 =	smov.u32 @p0 s0  }
0x2fb: {  	s0 =	smov.u32 @p1 s12;
	s12 =	sadd.s32 $0x60, s31  }
0x2fc: {  	p0 =	slt.s32 s0, s12  }
0x2fd: {  	p1 =	slt.s32 s31, $0x10;
	s12 =	smov.u32 @p0 s0  }
0x2fe: {  	v11 =	vmov s25;
	s0 =	smov.u32 @p1 s12  }
0x2ff: {  	v12 =	vmov s0;
	_ =	sdelay $0x3  }
0x300: {  	[tilespmem:v11+s18+$0x0] =	vst.idx.msk $0x1, v12  }
0x301: {  	[tilespmem:v12+s19+$0x0] =	vst.idx.msk $0x1, v6  }
0x302: {  	_ =	swait.ge [sflag:s20], $0x4E80  }
0x303: {  	[sflag:s20] =	ssyncset.done $0x0  }
0x304: {  	[sflag:s20] =	ssyncadd.s32 $0xFFFFB180  }
0x305: {  	_ =	swait.ge [sflag:s21], $0x13A00  }
0x306: {  	[sflag:s21] =	ssyncset.done $0x0  }
0x307: {  	[sflag:s21] =	ssyncadd.s32 $0xFFFEC600  }
0x308: {  	v26 =	vld [tilespmem:$0x1F300];
	_ =	sdelay $0x4  }
0x309: {  	v11 =	vbroadcast v26, $0x0;
	v12 =	vbroadcast v26, $0x4  }
0x30a: {  	v13 =	vbroadcast v26, $0x8;
	v14 =	vbroadcast v26, $0xC  }
0x30b: {  	v15 =	vbroadcast v26, $0x1;
	v16 =	vbroadcast v26, $0x5  }
0x30c: {  	v17 =	vbroadcast v26, $0x9;
	v18 =	vbroadcast v26, $0xD  }
0x30d: {  	v19 =	vbroadcast v26, $0x2;
	v20 =	vbroadcast v26, $0x6  }
0x30e: {  	v21 =	vbroadcast v26, $0xA;
	v22 =	vbroadcast v26, $0xE  }
0x30f: {  	v23 =	vbroadcast v26, $0x3;
	v24 =	vbroadcast v26, $0x7  }
0x310: {  	s25 =	simm.s32 $0x1EF00;
	s0 =	simm.s32 $0x0;
	v25 =	vbroadcast v26, $0xB;
	v26 =	vbroadcast v26, $0xF  }
.LBB2_49:
0x311: {  	v27 =	vld [tilespmem:s25+$0x0];
	_ =	sdelay $0x7  }
0x312: {  	v27 =	vld.idx.msk [tilespmem:v27+s22+$0x0], $0xffff;
	_ =	sdelay $0x4  }
0x313: {  	v28 =	vshll.u32 v27, $0x2  }
0x314: {  	v29 =	vand.u32 $0x7F, v27;
	v28 =	vand.u32 $0xFFFFFE00, v28  }
0x315: {  	v28 =	vor.u32 v29, v28  }
0x316: {  	v29 =	vor.u32 $0x80, v28;
	_ =	sdelay $0x1  }
0x317: {  	v30 =	vor.u32 $0x100, v28;
	_ =	sdelay $0x1  }
0x318: {  	v31 =	vld.idx.msk [tilespmem:v28+s13+$0x0], $0xffff;
	v28 =	vor.u32 $0x180, v28  }
0x319: {  	v29 =	vld.idx.msk [tilespmem:v29+s13+$0x0], $0xffff;
	_ =	sdelay $0x1  }
0x31a: {  	v30 =	vld.idx.msk [tilespmem:v30+s13+$0x0], $0xffff  }
0x31b: {  	v36 =	vor.u32 s0, v2  }
0x31c: {  	v37 =	vor.u32 s0, v7;
	v55 =	vor.u32 s0, v8;
	v39 =	vor.u32 s0, v9;
	v28 =	vld.idx.msk [tilespmem:v28+s13+$0x0], $0xffff  }
0x31d: {  	v57 =	vor.u32 s0, v10;
	v34 =	vmul.f32 v31, v15;
	v35 =	vmul.f32 v29, v16  }
0x31e: {  	v40 =	vor.u32 $0x5, v2;
	v32 =	vmul.f32 v31, v11;
	v33 =	vmul.f32 v29, v12  }
0x31f: {  	v52 =	vmul.f32 v31, v19;
	v48 =	vmul.f32 v30, v17;
	v34 =	vadd.f32 v35, v34  }
0x320: {  	v31 =	vmul.f32 v31, v23;
	v47 =	vmul.f32 v30, v13;
	v32 =	vadd.f32 v33, v32  }
0x321: {  	v53 =	vmul.f32 v29, v20;
	v34 =	vadd.f32 v48, v34;
	v50 =	vmul.f32 v28, v18  }
0x322: {  	v29 =	vmul.f32 v29, v24;
	v54 =	vmul.f32 v30, v21;
	v32 =	vadd.f32 v47, v32  }
0x323: {  	v49 =	vmul.f32 v28, v14;
	v51 =	vadd.f32 v50, v34;
	v34 =	vadd.f32 v53, v52  }
0x324: {  	v59 =	vor.u32 $0x6, v2;
	v38 =	vld.idx.msk [tilespmem:v27+s11+$0x0], $0xffff;
	v30 =	vmul.f32 v30, v25;
	v29 =	vadd.f32 v29, v31  }
0x325: {  	v27 =	vld.idx.msk [tilespmem:v27+s2+$0x0], $0xffff;
	v56 =	vmul.f32 v28, v22;
	v32 =	vadd.f32 v49, v32;
	v34 =	vadd.f32 v54, v34  }
0x326: {  	v58 =	vor.u32 s0, v40;
	[tilespmem:v36+s23+$0x0] =	vst.idx.msk $0xffff, v1;
	v29 =	vadd.f32 v30, v29;
	v28 =	vmul.f32 v28, v26  }
0x327: {  	p0 =	sne.s32 s0, $0x300;
	v61 =	vor.u32 s0, v59;
	[tilespmem:v37+s23+$0x0] =	vst.idx.msk $0xffff, v32;
	v60 =	vadd.f32 v56, v34  }
.Ltmp28:
0x328: {  	v28 =	vadd.f32 v28, v29;
	[tilespmem:v55+s23+$0x0] =	vst.idx.msk $0xffff, v51;
	(pc) =	sbr.rel @p0 .LBB2_49-.Ltmp28, $4  }
0x329: {  	v62 =	vcvt.s32.f32 v38;
	[tilespmem:v39+s23+$0x0] =	vst.idx.msk $0xffff, v60  }
0x32a: {  	vm1 =	vlt.s32 v27, $0x0;
	v63 =	vxor.u32 $0x7FFFFFFF, v27;
	[tilespmem:v57+s23+$0x0] =	vst.idx.msk $0xffff, v28  }
0x32b: {  	v27 =	vsel vm1, v63, v27;
	[tilespmem:v58+s23+$0x0] =	vst.idx.msk $0xffff, v62  }
0x32c: {  	s25 =	sadd.s32 $0x10, s25;
	s0 =	sadd.s32 $0x80, s0;
	[tilespmem:v61+s23+$0x0] =	vst.idx.msk $0xffff, v27  }
0x32d: {  	s24 =	sadd.s32 $0x1, s24  }
0x32e: {  	p0 =	sne.s32 s24, s8  }
.Ltmp29:
0x32f: {  	_ = 	snop;
	(pc) =	sbr.rel @p0 .LBB2_2-.Ltmp29, $4  }
0x330: {  	[hbm4b:s4+s2] =	stream.linear.scatter [tilespmem:s23], [sflag:$0x3], $0x320, $0x38;
	[tilespmem:$0x1F380] =	vst v63  }
0x331: {  	_ =	swait.ge [sflag:s14], $0x320  }
0x332: {  	[sflag:s14] =	ssyncset.done $0x0  }
0x333: {  	[sflag:s14] =	ssyncadd.s32 $0xFFFFFCE0  }
.LBB2_51:
0x334: {  	_ =	sfence.sel $0x180000  }
0x335: {  	[bflag:$0x0] =	sbarrier.arrive $0xFFFF  }
0x336: {  	_ =	strace $0x90000047  }
0x337: {  	s0 =	stileid.u32;
	[bflag:$0x2] =	sbarrier.arrive $0xFFFF  }
0x338: {  	p0 =	sne.s32 s0, $0x0;
	s0 =	rddreg [dreg:$0x2]  }
0x339: {  	s0 =	sadd.s32 @!p0 $0x100000, s0  }
0x33a: {  	[sflag:s0] =	ssyncadd.tile.s32 @!p0 $0x1;
	_ =	shalt  }
.Lfunc_end2:
_tile_overlayer_lowered:
.L_overlay_start_2:
0x33b: {  	(tag) =	ssettag $0x2  }
0x33c: {  	s0 =	rddreg [dreg:$0x0];
	s2 =	stileid.u32  }
0x33d: {  	s1 =	rddreg [dreg:$0x1];
	p0 =	sne.s32 s2, $0x0  }
0x33e: {  	s3 =	rddreg [dreg:$0x2];
	[bflag:$0x3] =	sbarrier.arrive $0xFFFF;
	s2 =	simm.s32 @!p0 $0x1C03  }
0x33f: {  	[timem:s3], [sflag:s2] =	dma.local @!p0 [hbm:s0], s1  }
0x340: {  	s0 =	simm.s32 @!p0 $0x3  }
0x341: {  	_ =	swait.ge @!p0 [sflag:s0], s1  }
0x342: {  	s1 =	ssub.s32 @!p0 $0x0, s1;
	[sflag:s0] =	ssyncset.done @!p0 $0x0  }
0x343: {  	[sflag:s0] =	ssyncadd.s32 @!p0 s1  }
0x344: {  	[bflag:$0x3] =	sbarrier.arrive $0xFFFF  }
0x345: {  	_ =	shalt  }

</sc_bundles>
